<compile_context>
chip_gen: v7x
topology: tpu7x:2x2x1
jax: 0.10.2.dev20260603
libtpu: 0.0.44.dev20260713+nightly
codegen_flags: <defaults>
</compile_context>

<pallas_src>
import functools

import jax
import jax.numpy as jnp
from jax import lax
from jax.experimental import pallas as pl
from jax.experimental.pallas import tpu as pltpu
from jax.experimental.pallas import tpu_sc as plsc

D = 128
L_SEQ = 200
BATCH = 4096
NW = 32
SEQS_PER_W = BATCH // NW
LANES = 16
ROW_UNROLL = 4
NBUF = 3
GCHUNKS = ((0, 104), (104, 96))


def _build():
    mesh = plsc.VectorSubcoreMesh(core_axis_name="c", subcore_axis_name="s")

    @functools.partial(
        pl.kernel,
        mesh=mesh,
        out_type=jax.ShapeDtypeStruct((BATCH * L_SEQ, D), jnp.float32),
        scratch_types=[
            pltpu.VMEM((L_SEQ, D), jnp.float32),
            pltpu.VMEM((SEQS_PER_W * L_SEQ,), jnp.int32),
            pltpu.VMEM((L_SEQ, D), jnp.float32),
            pltpu.VMEM((L_SEQ, D), jnp.float32),
            pltpu.VMEM((L_SEQ, D), jnp.float32),
            pltpu.SemaphoreType.DMA,
            pltpu.SemaphoreType.DMA,
            pltpu.SemaphoreType.DMA,
            pltpu.SemaphoreType.DMA,
            pltpu.SemaphoreType.DMA,
            pltpu.SemaphoreType.DMA,
        ],
    )
    def emb_kernel(ids_hbm, tok_hbm, pos_hbm, out_hbm,
                   pos_v, idx_v, row0, row1, row2, g0, g1, g2, o0, o1, o2):
        cid = lax.axis_index("c")
        sid = lax.axis_index("s")
        wid = sid * 2 + cid
        seq0 = wid * SEQS_PER_W

        rows = (row0, row1, row2)
        gsems = (g0, g1, g2)
        osems = (o0, o1, o2)

        pltpu.sync_copy(pos_hbm, pos_v)
        pltpu.sync_copy(ids_hbm.at[pl.ds(seq0 * L_SEQ, SEQS_PER_W * L_SEQ)],
                        idx_v)

        def start_gather(i, b):
            for off, ln in GCHUNKS:
                pltpu.async_copy(
                    tok_hbm.at[idx_v.at[pl.ds(i * L_SEQ + off, ln)]],
                    rows[b].at[pl.ds(off, ln)], gsems[b])

        def wait_gather(b):
            for off, ln in GCHUNKS:
                pltpu.make_async_copy(
                    tok_hbm.at[idx_v.at[pl.ds(0, ln)]],
                    rows[b].at[pl.ds(off, ln)], gsems[b]).wait()

        def start_out(i, b):
            pltpu.async_copy(
                rows[b], out_hbm.at[pl.ds((seq0 + i) * L_SEQ, L_SEQ)],
                osems[b])

        def wait_out(b):
            pltpu.make_async_copy(
                rows[b], out_hbm.at[pl.ds(seq0 * L_SEQ, L_SEQ)],
                osems[b]).wait()

        def add_pos(b):
            row = rows[b]

            def add_rows(r0, c2):
                for rr in range(ROW_UNROLL):
                    r = r0 * ROW_UNROLL + rr
                    for j in range(D // LANES):
                        sl = pl.ds(j * LANES, LANES)
                        plsc.addupdate(row.at[r, sl], pos_v[r, sl])
                return c2

            lax.fori_loop(0, L_SEQ // ROW_UNROLL, add_rows, 0)

        start_gather(0, 0)
        start_gather(1, 1)

        n_full = SEQS_PER_W // NBUF

        def body(t, carry):
            s0 = NBUF * t
            for k in range(NBUF):
                b = k
                nb = (k + 2) % NBUF
                wait_gather(b)
                add_pos(b)
                if k == 0:
                    @pl.when(t > 0)
                    def _():
                        wait_out(nb)
                else:
                    wait_out(nb)
                start_gather(s0 + k + 2, nb)
                start_out(s0 + k, b)
            return carry

        lax.fori_loop(0, n_full, body, 0)

        for k, s in enumerate(range(n_full * NBUF, SEQS_PER_W)):
            wait_gather(k)
            add_pos(k)
            start_out(s, k)
        for b in range(NBUF):
            wait_out(b)

    return emb_kernel


_emb = _build()


def kernel(input_ids, token_table, pos_table):
    ids_flat = input_ids.reshape(-1).astype(jnp.int32)
    out = _emb(ids_flat, token_table, pos_table)
    return out.reshape(BATCH, L_SEQ, D)

# --- scband reference (transcript-rebuilt; emitter-appended) ---
"""Pipeline reference for scband-bert-embedding-87548613362112 (READ-ONLY COPY).

The authoritative reference and input builder live on the scoring server;
editing this copy changes nothing except your own understanding.
"""

import jax, jax.numpy as jnp
import numpy as np

VOCAB_SIZE = 100000
BLOCK_SIZE = 200
EMBED_DIM = 128
BATCH = 4096
SEQ_LEN = 200

def setup_inputs(seed: int = 0) -> dict:
    key = jax.random.key(seed)
    k_ids, k_tab, k_pos = jax.random.split(key, 3)
    input_ids = jax.random.randint(k_ids, (BATCH, SEQ_LEN), 0, VOCAB_SIZE, dtype=jnp.int64 if jax.config.jax_enable_x64 else jnp.int32)
    token_table = jax.random.normal(k_tab, (VOCAB_SIZE, EMBED_DIM), dtype=jnp.float32) * 0.02
    pos_table = jax.random.normal(k_pos, (BLOCK_SIZE, EMBED_DIM), dtype=jnp.float32) * 0.02
    return {"input_ids": input_ids, "token_table": token_table, "pos_table": pos_table}

def reference(input_ids, token_table, pos_table):
    # input_embedding = self.embedding(input_ids)
    input_embedding = jnp.take(token_table, input_ids, axis=0)  # [B, L, D]
    # position_embedding = self.positional_embedding(torch.arange(L))
    seq_len = input_ids.shape[1]
    pos_ids = jnp.arange(seq_len)
    position_embedding = jnp.take(pos_table, pos_ids, axis=0)  # [L, D]
    # broadcast add over batch
    embedding = input_embedding + position_embedding[None, :, :]
    return embedding

if __name__ == "__main__":
    import jax
    _d = setup_inputs()
    print(jax.jit(kernel)(*tuple(_d.values())))

</pallas_src>

<mosaic_0001>
#map = affine_map<(d0, d1) -> (0)>
#map1 = affine_map<(d0, d1) -> (0, 0)>
module attributes {stable_mosaic.version = 14 : i64} {
  func.func @emb_kernel(%arg0: i32, %arg1: i32, %arg2: memref<819200xi32, #tpu.memory_space<hbm>>, %arg3: memref<100000x128xf32, #tpu.memory_space<hbm>>, %arg4: memref<200x128xf32, #tpu.memory_space<hbm>>, %arg5: memref<819200x128xf32, #tpu.memory_space<hbm>>, %arg6: memref<200x128xf32, #tpu.memory_space<vmem>>, %arg7: memref<25600xi32, #tpu.memory_space<vmem>>, %arg8: memref<200x128xf32, #tpu.memory_space<vmem>>, %arg9: memref<200x128xf32, #tpu.memory_space<vmem>>, %arg10: memref<200x128xf32, #tpu.memory_space<vmem>>, %arg11: memref<!tpu.dma_semaphore, #tpu.memory_space<semaphore_mem>>, %arg12: memref<!tpu.dma_semaphore, #tpu.memory_space<semaphore_mem>>, %arg13: memref<!tpu.dma_semaphore, #tpu.memory_space<semaphore_mem>>, %arg14: memref<!tpu.dma_semaphore, #tpu.memory_space<semaphore_mem>>, %arg15: memref<!tpu.dma_semaphore, #tpu.memory_space<semaphore_mem>>, %arg16: memref<!tpu.dma_semaphore, #tpu.memory_space<semaphore_mem>>) attributes {dimension_semantics = [#tpu.dimension_semantics<core_parallel>, #tpu.dimension_semantics<subcore_parallel>], iteration_bounds = array<i64: 2, 16>, scalar_prefetch = 0 : i64, scratch_operands = 11 : i64, tpu.core_type = #tpu.core_type<sc_vector_subcore>, window_params = [{transform_indices = #map}, {transform_indices = #map1}, {transform_indices = #map1}, {transform_indices = #map1}]} {
    %mul3A = arith.constant 2 : i32
    %mul3A_0 = arith.muli %arg1, %mul3A : i32
    %add3A = arith.addi %mul3A_0, %arg0 : i32
    %mul3A_1 = arith.constant 128 : i32
    %mul3A_2 = arith.muli %add3A, %mul3A_1 : i32
    "tpu.region"() ({
      %run_scoped3A = tpu.sem_alloc : memref<!tpu.dma_semaphore, #tpu.memory_space<semaphore_mem>>
      tpu.enqueue_dma source(%arg4 : memref<200x128xf32, #tpu.memory_space<hbm>>) target(%arg6 : memref<200x128xf32, #tpu.memory_space<vmem>>) target_semaphore(%run_scoped3A : memref<!tpu.dma_semaphore, #tpu.memory_space<semaphore_mem>>)
      tpu.wait_dma2 semaphore(%run_scoped3A : memref<!tpu.dma_semaphore, #tpu.memory_space<semaphore_mem>>) src(%arg4 : memref<200x128xf32, #tpu.memory_space<hbm>>) dst(%arg6 : memref<200x128xf32, #tpu.memory_space<vmem>>)
      tpu.yield
    }) : () -> ()
    %mul3A_3 = arith.constant 200 : i32
    %mul3A_4 = arith.muli %mul3A_2, %mul3A_3 : i32
    "tpu.region"() ({
      %run_scoped3A = tpu.sem_alloc : memref<!tpu.dma_semaphore, #tpu.memory_space<semaphore_mem>>
      %dma_start3A_118 = tpu.memref_slice %arg2[%mul3A_4] : memref<819200xi32, #tpu.memory_space<hbm>> -> memref<25600xi32, #tpu.memory_space<hbm>>
      %dma_start3A_119 = tpu.memref_slice %arg2[%mul3A_4] : memref<819200xi32, #tpu.memory_space<hbm>> -> memref<25600xi32, #tpu.memory_space<hbm>>
      tpu.enqueue_dma source(%dma_start3A_119 : memref<25600xi32, #tpu.memory_space<hbm>>) target(%arg7 : memref<25600xi32, #tpu.memory_space<vmem>>) target_semaphore(%run_scoped3A : memref<!tpu.dma_semaphore, #tpu.memory_space<semaphore_mem>>)
      %dma_wait3A_120 = tpu.memref_slice %arg2[%mul3A_4] : memref<819200xi32, #tpu.memory_space<hbm>> -> memref<25600xi32, #tpu.memory_space<hbm>>
      %dma_wait3A_121 = tpu.memref_slice %arg2[%mul3A_4] : memref<819200xi32, #tpu.memory_space<hbm>> -> memref<25600xi32, #tpu.memory_space<hbm>>
      tpu.wait_dma2 semaphore(%run_scoped3A : memref<!tpu.dma_semaphore, #tpu.memory_space<semaphore_mem>>) src(%dma_wait3A_121 : memref<25600xi32, #tpu.memory_space<hbm>>) dst(%arg7 : memref<25600xi32, #tpu.memory_space<vmem>>)
      tpu.yield
    }) : () -> ()
    %dma_start3A = arith.constant 0 : i32
    %dma_start3A_5 = arith.constant 0 : i32
    %dma_start3A_6 = tpu.memref_slice %arg8[%dma_start3A, %dma_start3A_5] : memref<200x128xf32, #tpu.memory_space<vmem>> -> memref<104x128xf32, #tpu.memory_space<vmem>>
    %dma_start3A_7 = arith.constant 0 : i32
    %dma_start3A_8 = tpu.memref_slice %arg7[%dma_start3A_7] : memref<25600xi32, #tpu.memory_space<vmem>> -> memref<104xi32, #tpu.memory_space<vmem>>
    %dma_start3A_9 = arith.constant 0 : i32
    %dma_start3A_10 = arith.constant 0 : i32
    %dma_start3A_11 = tpu.memref_slice %arg3[%dma_start3A_9, %dma_start3A_10] : memref<100000x128xf32, #tpu.memory_space<hbm>> -> memref<100000x128xf32, #tpu.memory_space<hbm>>
    tpu.enqueue_indirect_dma source(%dma_start3A_11 : memref<100000x128xf32, #tpu.memory_space<hbm>>) target(%dma_start3A_6 : memref<104x128xf32, #tpu.memory_space<vmem>>) offsets(%dma_start3A_8 : memref<104xi32, #tpu.memory_space<vmem>>) semaphore(%arg11 : memref<!tpu.dma_semaphore, #tpu.memory_space<semaphore_mem>>)
    %dma_start3A_12 = arith.constant 104 : i32
    %dma_start3A_13 = arith.constant 0 : i32
    %dma_start3A_14 = tpu.memref_slice %arg8[%dma_start3A_12, %dma_start3A_13] : memref<200x128xf32, #tpu.memory_space<vmem>> -> memref<96x128xf32, #tpu.memory_space<vmem>>
    %dma_start3A_15 = arith.constant 104 : i32
    %dma_start3A_16 = tpu.memref_slice %arg7[%dma_start3A_15] : memref<25600xi32, #tpu.memory_space<vmem>> -> memref<96xi32, #tpu.memory_space<vmem>>
    %dma_start3A_17 = arith.constant 0 : i32
    %dma_start3A_18 = arith.constant 0 : i32
    %dma_start3A_19 = tpu.memref_slice %arg3[%dma_start3A_17, %dma_start3A_18] : memref<100000x128xf32, #tpu.memory_space<hbm>> -> memref<100000x128xf32, #tpu.memory_space<hbm>>
    tpu.enqueue_indirect_dma source(%dma_start3A_19 : memref<100000x128xf32, #tpu.memory_space<hbm>>) target(%dma_start3A_14 : memref<96x128xf32, #tpu.memory_space<vmem>>) offsets(%dma_start3A_16 : memref<96xi32, #tpu.memory_space<vmem>>) semaphore(%arg11 : memref<!tpu.dma_semaphore, #tpu.memory_space<semaphore_mem>>)
    %dma_start3A_20 = arith.constant 0 : i32
    %dma_start3A_21 = arith.constant 0 : i32
    %dma_start3A_22 = tpu.memref_slice %arg9[%dma_start3A_20, %dma_start3A_21] : memref<200x128xf32, #tpu.memory_space<vmem>> -> memref<104x128xf32, #tpu.memory_space<vmem>>
    %dma_start3A_23 = arith.constant 200 : i32
    %dma_start3A_24 = tpu.memref_slice %arg7[%dma_start3A_23] : memref<25600xi32, #tpu.memory_space<vmem>> -> memref<104xi32, #tpu.memory_space<vmem>>
    %dma_start3A_25 = arith.constant 0 : i32
    %dma_start3A_26 = arith.constant 0 : i32
    %dma_start3A_27 = tpu.memref_slice %arg3[%dma_start3A_25, %dma_start3A_26] : memref<100000x128xf32, #tpu.memory_space<hbm>> -> memref<100000x128xf32, #tpu.memory_space<hbm>>
    tpu.enqueue_indirect_dma source(%dma_start3A_27 : memref<100000x128xf32, #tpu.memory_space<hbm>>) target(%dma_start3A_22 : memref<104x128xf32, #tpu.memory_space<vmem>>) offsets(%dma_start3A_24 : memref<104xi32, #tpu.memory_space<vmem>>) semaphore(%arg12 : memref<!tpu.dma_semaphore, #tpu.memory_space<semaphore_mem>>)
    %dma_start3A_28 = arith.constant 104 : i32
    %dma_start3A_29 = arith.constant 0 : i32
    %dma_start3A_30 = tpu.memref_slice %arg9[%dma_start3A_28, %dma_start3A_29] : memref<200x128xf32, #tpu.memory_space<vmem>> -> memref<96x128xf32, #tpu.memory_space<vmem>>
    %dma_start3A_31 = arith.constant 304 : i32
    %dma_start3A_32 = tpu.memref_slice %arg7[%dma_start3A_31] : memref<25600xi32, #tpu.memory_space<vmem>> -> memref<96xi32, #tpu.memory_space<vmem>>
    %dma_start3A_33 = arith.constant 0 : i32
    %dma_start3A_34 = arith.constant 0 : i32
    %dma_start3A_35 = tpu.memref_slice %arg3[%dma_start3A_33, %dma_start3A_34] : memref<100000x128xf32, #tpu.memory_space<hbm>> -> memref<100000x128xf32, #tpu.memory_space<hbm>>
    tpu.enqueue_indirect_dma source(%dma_start3A_35 : memref<100000x128xf32, #tpu.memory_space<hbm>>) target(%dma_start3A_30 : memref<96x128xf32, #tpu.memory_space<vmem>>) offsets(%dma_start3A_32 : memref<96xi32, #tpu.memory_space<vmem>>) semaphore(%arg12 : memref<!tpu.dma_semaphore, #tpu.memory_space<semaphore_mem>>)
    %scan3A = arith.constant 0 : i32
    %scan3A_36 = arith.constant 0 : i32
    %scan3A_37 = arith.constant 42 : i32
    %scan3A_38 = arith.addi %scan3A_36, %scan3A_37 : i32
    %scan3A_39 = arith.constant 1 : i32
    scf.for %scan3A_118 = %scan3A_36 to %scan3A_38 step %scan3A_39  : i32 {
      %mul3A_119 = arith.constant 3 : i32
      %mul3A_120 = arith.muli %mul3A_119, %scan3A_118 : i32
      %dma_wait3A_121 = arith.constant 0 : i32
      %dma_wait3A_122 = arith.constant 0 : i32
      %dma_wait3A_123 = tpu.memref_slice %arg8[%dma_wait3A_121, %dma_wait3A_122] : memref<200x128xf32, #tpu.memory_space<vmem>> -> memref<104x128xf32, #tpu.memory_space<vmem>>
      %dma_wait3A_124 = arith.constant 0 : i32
      %dma_wait3A_125 = tpu.memref_slice %arg7[%dma_wait3A_124] : memref<25600xi32, #tpu.memory_space<vmem>> -> memref<104xi32, #tpu.memory_space<vmem>>
      %dma_wait3A_126 = arith.constant 0 : i32
      %dma_wait3A_127 = arith.constant 0 : i32
      %dma_wait3A_128 = tpu.memref_slice %arg3[%dma_wait3A_126, %dma_wait3A_127] : memref<100000x128xf32, #tpu.memory_space<hbm>> -> memref<100000x128xf32, #tpu.memory_space<hbm>>
      tpu.wait_indirect_dma semaphore(%arg11 : memref<!tpu.dma_semaphore, #tpu.memory_space<semaphore_mem>>) src(%dma_wait3A_128 : memref<100000x128xf32, #tpu.memory_space<hbm>>) dst(%dma_wait3A_123 : memref<104x128xf32, #tpu.memory_space<vmem>>)
      %dma_wait3A_129 = arith.constant 104 : i32
      %dma_wait3A_130 = arith.constant 0 : i32
      %dma_wait3A_131 = tpu.memref_slice %arg8[%dma_wait3A_129, %dma_wait3A_130] : memref<200x128xf32, #tpu.memory_space<vmem>> -> memref<96x128xf32, #tpu.memory_space<vmem>>
      %dma_wait3A_132 = arith.constant 0 : i32
      %dma_wait3A_133 = tpu.memref_slice %arg7[%dma_wait3A_132] : memref<25600xi32, #tpu.memory_space<vmem>> -> memref<96xi32, #tpu.memory_space<vmem>>
      %dma_wait3A_134 = arith.constant 0 : i32
      %dma_wait3A_135 = arith.constant 0 : i32
      %dma_wait3A_136 = tpu.memref_slice %arg3[%dma_wait3A_134, %dma_wait3A_135] : memref<100000x128xf32, #tpu.memory_space<hbm>> -> memref<100000x128xf32, #tpu.memory_space<hbm>>
      tpu.wait_indirect_dma semaphore(%arg11 : memref<!tpu.dma_semaphore, #tpu.memory_space<semaphore_mem>>) src(%dma_wait3A_136 : memref<100000x128xf32, #tpu.memory_space<hbm>>) dst(%dma_wait3A_131 : memref<96x128xf32, #tpu.memory_space<vmem>>)
      %scan3A_137 = arith.constant 0 : i32
      %scan3A_138 = arith.constant 0 : i32
      %scan3A_139 = arith.constant 50 : i32
      %scan3A_140 = arith.addi %scan3A_138, %scan3A_139 : i32
      %scan3A_141 = arith.constant 1 : i32
      scf.for %scan3A_306 = %scan3A_138 to %scan3A_140 step %scan3A_141  : i32 {
        %mul3A_307 = arith.constant 4 : i32
        %mul3A_308 = arith.muli %scan3A_306, %mul3A_307 : i32
        %add3A_309 = arith.constant 0 : i32
        %add3A_310 = arith.addi %mul3A_308, %add3A_309 : i32
        %get3A = arith.index_cast %add3A_310 : i32 to index
        %get3A_311 = arith.constant 0 : index
        %get3A_312 = tpu.vector_load %arg6[%get3A, %get3A_311] {strides = array<i32>} : memref<200x128xf32, #tpu.memory_space<vmem>>, vector<1x16xf32>,
        %get3A_313 = vector.shape_cast %get3A_312 : vector<1x16xf32> to vector<16xf32>
        %swap3A = arith.index_cast %add3A_310 : i32 to index
        %swap3A_314 = arith.constant 0 : index
        %swap3A_315 = tpu.vector_load %arg8[%swap3A, %swap3A_314] {strides = array<i32>} : memref<200x128xf32, #tpu.memory_space<vmem>>, vector<1x16xf32>,
        %swap3A_316 = vector.shape_cast %swap3A_315 : vector<1x16xf32> to vector<16xf32>
        %swap3A_317 = vector.shape_cast %get3A_313 : vector<16xf32> to vector<1x16xf32>
        tpu.vector_store %arg8[%swap3A, %swap3A_314], %swap3A_317 {add = true, strides = array<i32>} : memref<200x128xf32, #tpu.memory_space<vmem>>, vector<1x16xf32>,
        %get3A_318 = arith.index_cast %add3A_310 : i32 to index
        %get3A_319 = arith.constant 16 : index
        %get3A_320 = tpu.vector_load %arg6[%get3A_318, %get3A_319] {strides = array<i32>} : memref<200x128xf32, #tpu.memory_space<vmem>>, vector<1x16xf32>,
        %get3A_321 = vector.shape_cast %get3A_320 : vector<1x16xf32> to vector<16xf32>
        %swap3A_322 = arith.index_cast %add3A_310 : i32 to index
        %swap3A_323 = arith.constant 16 : index
        %swap3A_324 = tpu.vector_load %arg8[%swap3A_322, %swap3A_323] {strides = array<i32>} : memref<200x128xf32, #tpu.memory_space<vmem>>, vector<1x16xf32>,
        %swap3A_325 = vector.shape_cast %swap3A_324 : vector<1x16xf32> to vector<16xf32>
        %swap3A_326 = vector.shape_cast %get3A_321 : vector<16xf32> to vector<1x16xf32>
        tpu.vector_store %arg8[%swap3A_322, %swap3A_323], %swap3A_326 {add = true, strides = array<i32>} : memref<200x128xf32, #tpu.memory_space<vmem>>, vector<1x16xf32>,
        %get3A_327 = arith.index_cast %add3A_310 : i32 to index
        %get3A_328 = arith.constant 32 : index
        %get3A_329 = tpu.vector_load %arg6[%get3A_327, %get3A_328] {strides = array<i32>} : memref<200x128xf32, #tpu.memory_space<vmem>>, vector<1x16xf32>,
        %get3A_330 = vector.shape_cast %get3A_329 : vector<1x16xf32> to vector<16xf32>
        %swap3A_331 = arith.index_cast %add3A_310 : i32 to index
        %swap3A_332 = arith.constant 32 : index
        %swap3A_333 = tpu.vector_load %arg8[%swap3A_331, %swap3A_332] {strides = array<i32>} : memref<200x128xf32, #tpu.memory_space<vmem>>, vector<1x16xf32>,
        %swap3A_334 = vector.shape_cast %swap3A_333 : vector<1x16xf32> to vector<16xf32>
        %swap3A_335 = vector.shape_cast %get3A_330 : vector<16xf32> to vector<1x16xf32>
        tpu.vector_store %arg8[%swap3A_331, %swap3A_332], %swap3A_335 {add = true, strides = array<i32>} : memref<200x128xf32, #tpu.memory_space<vmem>>, vector<1x16xf32>,
        %get3A_336 = arith.index_cast %add3A_310 : i32 to index
        %get3A_337 = arith.constant 48 : index
        %get3A_338 = tpu.vector_load %arg6[%get3A_336, %get3A_337] {strides = array<i32>} : memref<200x128xf32, #tpu.memory_space<vmem>>, vector<1x16xf32>,
        %get3A_339 = vector.shape_cast %get3A_338 : vector<1x16xf32> to vector<16xf32>
        %swap3A_340 = arith.index_cast %add3A_310 : i32 to index
        %swap3A_341 = arith.constant 48 : index
        %swap3A_342 = tpu.vector_load %arg8[%swap3A_340, %swap3A_341] {strides = array<i32>} : memref<200x128xf32, #tpu.memory_space<vmem>>, vector<1x16xf32>,
        %swap3A_343 = vector.shape_cast %swap3A_342 : vector<1x16xf32> to vector<16xf32>
        %swap3A_344 = vector.shape_cast %get3A_339 : vector<16xf32> to vector<1x16xf32>
        tpu.vector_store %arg8[%swap3A_340, %swap3A_341], %swap3A_344 {add = true, strides = array<i32>} : memref<200x128xf32, #tpu.memory_space<vmem>>, vector<1x16xf32>,
        %get3A_345 = arith.index_cast %add3A_310 : i32 to index
        %get3A_346 = arith.constant 64 : index
        %get3A_347 = tpu.vector_load %arg6[%get3A_345, %get3A_346] {strides = array<i32>} : memref<200x128xf32, #tpu.memory_space<vmem>>, vector<1x16xf32>,
        %get3A_348 = vector.shape_cast %get3A_347 : vector<1x16xf32> to vector<16xf32>
        %swap3A_349 = arith.index_cast %add3A_310 : i32 to index
        %swap3A_350 = arith.constant 64 : index
        %swap3A_351 = tpu.vector_load %arg8[%swap3A_349, %swap3A_350] {strides = array<i32>} : memref<200x128xf32, #tpu.memory_space<vmem>>, vector<1x16xf32>,
        %swap3A_352 = vector.shape_cast %swap3A_351 : vector<1x16xf32> to vector<16xf32>
        %swap3A_353 = vector.shape_cast %get3A_348 : vector<16xf32> to vector<1x16xf32>
        tpu.vector_store %arg8[%swap3A_349, %swap3A_350], %swap3A_353 {add = true, strides = array<i32>} : memref<200x128xf32, #tpu.memory_space<vmem>>, vector<1x16xf32>,
        %get3A_354 = arith.index_cast %add3A_310 : i32 to index
        %get3A_355 = arith.constant 80 : index
        %get3A_356 = tpu.vector_load %arg6[%get3A_354, %get3A_355] {strides = array<i32>} : memref<200x128xf32, #tpu.memory_space<vmem>>, vector<1x16xf32>,
        %get3A_357 = vector.shape_cast %get3A_356 : vector<1x16xf32> to vector<16xf32>
        %swap3A_358 = arith.index_cast %add3A_310 : i32 to index
        %swap3A_359 = arith.constant 80 : index
        %swap3A_360 = tpu.vector_load %arg8[%swap3A_358, %swap3A_359] {strides = array<i32>} : memref<200x128xf32, #tpu.memory_space<vmem>>, vector<1x16xf32>,
        %swap3A_361 = vector.shape_cast %swap3A_360 : vector<1x16xf32> to vector<16xf32>
        %swap3A_362 = vector.shape_cast %get3A_357 : vector<16xf32> to vector<1x16xf32>
        tpu.vector_store %arg8[%swap3A_358, %swap3A_359], %swap3A_362 {add = true, strides = array<i32>} : memref<200x128xf32, #tpu.memory_space<vmem>>, vector<1x16xf32>,
        %get3A_363 = arith.index_cast %add3A_310 : i32 to index
        %get3A_364 = arith.constant 96 : index
        %get3A_365 = tpu.vector_load %arg6[%get3A_363, %get3A_364] {strides = array<i32>} : memref<200x128xf32, #tpu.memory_space<vmem>>, vector<1x16xf32>,
        %get3A_366 = vector.shape_cast %get3A_365 : vector<1x16xf32> to vector<16xf32>
        %swap3A_367 = arith.index_cast %add3A_310 : i32 to index
        %swap3A_368 = arith.constant 96 : index
        %swap3A_369 = tpu.vector_load %arg8[%swap3A_367, %swap3A_368] {strides = array<i32>} : memref<200x128xf32, #tpu.memory_space<vmem>>, vector<1x16xf32>,
        %swap3A_370 = vector.shape_cast %swap3A_369 : vector<1x16xf32> to vector<16xf32>
        %swap3A_371 = vector.shape_cast %get3A_366 : vector<16xf32> to vector<1x16xf32>
        tpu.vector_store %arg8[%swap3A_367, %swap3A_368], %swap3A_371 {add = true, strides = array<i32>} : memref<200x128xf32, #tpu.memory_space<vmem>>, vector<1x16xf32>,
        %get3A_372 = arith.index_cast %add3A_310 : i32 to index
        %get3A_373 = arith.constant 112 : index
        %get3A_374 = tpu.vector_load %arg6[%get3A_372, %get3A_373] {strides = array<i32>} : memref<200x128xf32, #tpu.memory_space<vmem>>, vector<1x16xf32>,
        %get3A_375 = vector.shape_cast %get3A_374 : vector<1x16xf32> to vector<16xf32>
        %swap3A_376 = arith.index_cast %add3A_310 : i32 to index
        %swap3A_377 = arith.constant 112 : index
        %swap3A_378 = tpu.vector_load %arg8[%swap3A_376, %swap3A_377] {strides = array<i32>} : memref<200x128xf32, #tpu.memory_space<vmem>>, vector<1x16xf32>,
        %swap3A_379 = vector.shape_cast %swap3A_378 : vector<1x16xf32> to vector<16xf32>
        %swap3A_380 = vector.shape_cast %get3A_375 : vector<16xf32> to vector<1x16xf32>
        tpu.vector_store %arg8[%swap3A_376, %swap3A_377], %swap3A_380 {add = true, strides = array<i32>} : memref<200x128xf32, #tpu.memory_space<vmem>>, vector<1x16xf32>,
        %mul3A_381 = arith.constant 4 : i32
        %mul3A_382 = arith.muli %scan3A_306, %mul3A_381 : i32
        %add3A_383 = arith.constant 1 : i32
        %add3A_384 = arith.addi %mul3A_382, %add3A_383 : i32
        %get3A_385 = arith.index_cast %add3A_384 : i32 to index
        %get3A_386 = arith.constant 0 : index
        %get3A_387 = tpu.vector_load %arg6[%get3A_385, %get3A_386] {strides = array<i32>} : memref<200x128xf32, #tpu.memory_space<vmem>>, vector<1x16xf32>,
        %get3A_388 = vector.shape_cast %get3A_387 : vector<1x16xf32> to vector<16xf32>
        %swap3A_389 = arith.index_cast %add3A_384 : i32 to index
        %swap3A_390 = arith.constant 0 : index
        %swap3A_391 = tpu.vector_load %arg8[%swap3A_389, %swap3A_390] {strides = array<i32>} : memref<200x128xf32, #tpu.memory_space<vmem>>, vector<1x16xf32>,
        %swap3A_392 = vector.shape_cast %swap3A_391 : vector<1x16xf32> to vector<16xf32>
        %swap3A_393 = vector.shape_cast %get3A_388 : vector<16xf32> to vector<1x16xf32>
        tpu.vector_store %arg8[%swap3A_389, %swap3A_390], %swap3A_393 {add = true, strides = array<i32>} : memref<200x128xf32, #tpu.memory_space<vmem>>, vector<1x16xf32>,
        %get3A_394 = arith.index_cast %add3A_384 : i32 to index
        %get3A_395 = arith.constant 16 : index
        %get3A_396 = tpu.vector_load %arg6[%get3A_394, %get3A_395] {strides = array<i32>} : memref<200x128xf32, #tpu.memory_space<vmem>>, vector<1x16xf32>,
        %get3A_397 = vector.shape_cast %get3A_396 : vector<1x16xf32> to vector<16xf32>
        %swap3A_398 = arith.index_cast %add3A_384 : i32 to index
        %swap3A_399 = arith.constant 16 : index
        %swap3A_400 = tpu.vector_load %arg8[%swap3A_398, %swap3A_399] {strides = array<i32>} : memref<200x128xf32, #tpu.memory_space<vmem>>, vector<1x16xf32>,
        %swap3A_401 = vector.shape_cast %swap3A_400 : vector<1x16xf32> to vector<16xf32>
        %swap3A_402 = vector.shape_cast %get3A_397 : vector<16xf32> to vector<1x16xf32>
        tpu.vector_store %arg8[%swap3A_398, %swap3A_399], %swap3A_402 {add = true, strides = array<i32>} : memref<200x128xf32, #tpu.memory_space<vmem>>, vector<1x16xf32>,
        %get3A_403 = arith.index_cast %add3A_384 : i32 to index
        %get3A_404 = arith.constant 32 : index
        %get3A_405 = tpu.vector_load %arg6[%get3A_403, %get3A_404] {strides = array<i32>} : memref<200x128xf32, #tpu.memory_space<vmem>>, vector<1x16xf32>,
        %get3A_406 = vector.shape_cast %get3A_405 : vector<1x16xf32> to vector<16xf32>
        %swap3A_407 = arith.index_cast %add3A_384 : i32 to index
        %swap3A_408 = arith.constant 32 : index
        %swap3A_409 = tpu.vector_load %arg8[%swap3A_407, %swap3A_408] {strides = array<i32>} : memref<200x128xf32, #tpu.memory_space<vmem>>, vector<1x16xf32>,
        %swap3A_410 = vector.shape_cast %swap3A_409 : vector<1x16xf32> to vector<16xf32>
        %swap3A_411 = vector.shape_cast %get3A_406 : vector<16xf32> to vector<1x16xf32>
        tpu.vector_store %arg8[%swap3A_407, %swap3A_408], %swap3A_411 {add = true, strides = array<i32>} : memref<200x128xf32, #tpu.memory_space<vmem>>, vector<1x16xf32>,
        %get3A_412 = arith.index_cast %add3A_384 : i32 to index
        %get3A_413 = arith.constant 48 : index
        %get3A_414 = tpu.vector_load %arg6[%get3A_412, %get3A_413] {strides = array<i32>} : memref<200x128xf32, #tpu.memory_space<vmem>>, vector<1x16xf32>,
        %get3A_415 = vector.shape_cast %get3A_414 : vector<1x16xf32> to vector<16xf32>
        %swap3A_416 = arith.index_cast %add3A_384 : i32 to index
        %swap3A_417 = arith.constant 48 : index
        %swap3A_418 = tpu.vector_load %arg8[%swap3A_416, %swap3A_417] {strides = array<i32>} : memref<200x128xf32, #tpu.memory_space<vmem>>, vector<1x16xf32>,
        %swap3A_419 = vector.shape_cast %swap3A_418 : vector<1x16xf32> to vector<16xf32>
        %swap3A_420 = vector.shape_cast %get3A_415 : vector<16xf32> to vector<1x16xf32>
        tpu.vector_store %arg8[%swap3A_416, %swap3A_417], %swap3A_420 {add = true, strides = array<i32>} : memref<200x128xf32, #tpu.memory_space<vmem>>, vector<1x16xf32>,
        %get3A_421 = arith.index_cast %add3A_384 : i32 to index
        %get3A_422 = arith.constant 64 : index
        %get3A_423 = tpu.vector_load %arg6[%get3A_421, %get3A_422] {strides = array<i32>} : memref<200x128xf32, #tpu.memory_space<vmem>>, vector<1x16xf32>,
        %get3A_424 = vector.shape_cast %get3A_423 : vector<1x16xf32> to vector<16xf32>
        %swap3A_425 = arith.index_cast %add3A_384 : i32 to index
        %swap3A_426 = arith.constant 64 : index
        %swap3A_427 = tpu.vector_load %arg8[%swap3A_425, %swap3A_426] {strides = array<i32>} : memref<200x128xf32, #tpu.memory_space<vmem>>, vector<1x16xf32>,
        %swap3A_428 = vector.shape_cast %swap3A_427 : vector<1x16xf32> to vector<16xf32>
        %swap3A_429 = vector.shape_cast %get3A_424 : vector<16xf32> to vector<1x16xf32>
        tpu.vector_store %arg8[%swap3A_425, %swap3A_426], %swap3A_429 {add = true, strides = array<i32>} : memref<200x128xf32, #tpu.memory_space<vmem>>, vector<1x16xf32>,
        %get3A_430 = arith.index_cast %add3A_384 : i32 to index
        %get3A_431 = arith.constant 80 : index
        %get3A_432 = tpu.vector_load %arg6[%get3A_430, %get3A_431] {strides = array<i32>} : memref<200x128xf32, #tpu.memory_space<vmem>>, vector<1x16xf32>,
        %get3A_433 = vector.shape_cast %get3A_432 : vector<1x16xf32> to vector<16xf32>
        %swap3A_434 = arith.index_cast %add3A_384 : i32 to index
        %swap3A_435 = arith.constant 80 : index
        %swap3A_436 = tpu.vector_load %arg8[%swap3A_434, %swap3A_435] {strides = array<i32>} : memref<200x128xf32, #tpu.memory_space<vmem>>, vector<1x16xf32>,
        %swap3A_437 = vector.shape_cast %swap3A_436 : vector<1x16xf32> to vector<16xf32>
        %swap3A_438 = vector.shape_cast %get3A_433 : vector<16xf32> to vector<1x16xf32>
        tpu.vector_store %arg8[%swap3A_434, %swap3A_435], %swap3A_438 {add = true, strides = array<i32>} : memref<200x128xf32, #tpu.memory_space<vmem>>, vector<1x16xf32>,
        %get3A_439 = arith.index_cast %add3A_384 : i32 to index
        %get3A_440 = arith.constant 96 : index
        %get3A_441 = tpu.vector_load %arg6[%get3A_439, %get3A_440] {strides = array<i32>} : memref<200x128xf32, #tpu.memory_space<vmem>>, vector<1x16xf32>,
        %get3A_442 = vector.shape_cast %get3A_441 : vector<1x16xf32> to vector<16xf32>
        %swap3A_443 = arith.index_cast %add3A_384 : i32 to index
        %swap3A_444 = arith.constant 96 : index
        %swap3A_445 = tpu.vector_load %arg8[%swap3A_443, %swap3A_444] {strides = array<i32>} : memref<200x128xf32, #tpu.memory_space<vmem>>, vector<1x16xf32>,
        %swap3A_446 = vector.shape_cast %swap3A_445 : vector<1x16xf32> to vector<16xf32>
        %swap3A_447 = vector.shape_cast %get3A_442 : vector<16xf32> to vector<1x16xf32>
        tpu.vector_store %arg8[%swap3A_443, %swap3A_444], %swap3A_447 {add = true, strides = array<i32>} : memref<200x128xf32, #tpu.memory_space<vmem>>, vector<1x16xf32>,
        %get3A_448 = arith.index_cast %add3A_384 : i32 to index
        %get3A_449 = arith.constant 112 : index
        %get3A_450 = tpu.vector_load %arg6[%get3A_448, %get3A_449] {strides = array<i32>} : memref<200x128xf32, #tpu.memory_space<vmem>>, vector<1x16xf32>,
        %get3A_451 = vector.shape_cast %get3A_450 : vector<1x16xf32> to vector<16xf32>
        %swap3A_452 = arith.index_cast %add3A_384 : i32 to index
        %swap3A_453 = arith.constant 112 : index
        %swap3A_454 = tpu.vector_load %arg8[%swap3A_452, %swap3A_453] {strides = array<i32>} : memref<200x128xf32, #tpu.memory_space<vmem>>, vector<1x16xf32>,
        %swap3A_455 = vector.shape_cast %swap3A_454 : vector<1x16xf32> to vector<16xf32>
        %swap3A_456 = vector.shape_cast %get3A_451 : vector<16xf32> to vector<1x16xf32>
        tpu.vector_store %arg8[%swap3A_452, %swap3A_453], %swap3A_456 {add = true, strides = array<i32>} : memref<200x128xf32, #tpu.memory_space<vmem>>, vector<1x16xf32>,
        %mul3A_457 = arith.constant 4 : i32
        %mul3A_458 = arith.muli %scan3A_306, %mul3A_457 : i32
        %add3A_459 = arith.constant 2 : i32
        %add3A_460 = arith.addi %mul3A_458, %add3A_459 : i32
        %get3A_461 = arith.index_cast %add3A_460 : i32 to index
        %get3A_462 = arith.constant 0 : index
        %get3A_463 = tpu.vector_load %arg6[%get3A_461, %get3A_462] {strides = array<i32>} : memref<200x128xf32, #tpu.memory_space<vmem>>, vector<1x16xf32>,
        %get3A_464 = vector.shape_cast %get3A_463 : vector<1x16xf32> to vector<16xf32>
        %swap3A_465 = arith.index_cast %add3A_460 : i32 to index
        %swap3A_466 = arith.constant 0 : index
        %swap3A_467 = tpu.vector_load %arg8[%swap3A_465, %swap3A_466] {strides = array<i32>} : memref<200x128xf32, #tpu.memory_space<vmem>>, vector<1x16xf32>,
        %swap3A_468 = vector.shape_cast %swap3A_467 : vector<1x16xf32> to vector<16xf32>
        %swap3A_469 = vector.shape_cast %get3A_464 : vector<16xf32> to vector<1x16xf32>
        tpu.vector_store %arg8[%swap3A_465, %swap3A_466], %swap3A_469 {add = true, strides = array<i32>} : memref<200x128xf32, #tpu.memory_space<vmem>>, vector<1x16xf32>,
        %get3A_470 = arith.index_cast %add3A_460 : i32 to index
        %get3A_471 = arith.constant 16 : index
        %get3A_472 = tpu.vector_load %arg6[%get3A_470, %get3A_471] {strides = array<i32>} : memref<200x128xf32, #tpu.memory_space<vmem>>, vector<1x16xf32>,
        %get3A_473 = vector.shape_cast %get3A_472 : vector<1x16xf32> to vector<16xf32>
        %swap3A_474 = arith.index_cast %add3A_460 : i32 to index
        %swap3A_475 = arith.constant 16 : index
        %swap3A_476 = tpu.vector_load %arg8[%swap3A_474, %swap3A_475] {strides = array<i32>} : memref<200x128xf32, #tpu.memory_space<vmem>>, vector<1x16xf32>,
        %swap3A_477 = vector.shape_cast %swap3A_476 : vector<1x16xf32> to vector<16xf32>
        %swap3A_478 = vector.shape_cast %get3A_473 : vector<16xf32> to vector<1x16xf32>
        tpu.vector_store %arg8[%swap3A_474, %swap3A_475], %swap3A_478 {add = true, strides = array<i32>} : memref<200x128xf32, #tpu.memory_space<vmem>>, vector<1x16xf32>,
        %get3A_479 = arith.index_cast %add3A_460 : i32 to index
        %get3A_480 = arith.constant 32 : index
        %get3A_481 = tpu.vector_load %arg6[%get3A_479, %get3A_480] {strides = array<i32>} : memref<200x128xf32, #tpu.memory_space<vmem>>, vector<1x16xf32>,
        %get3A_482 = vector.shape_cast %get3A_481 : vector<1x16xf32> to vector<16xf32>
        %swap3A_483 = arith.index_cast %add3A_460 : i32 to index
        %swap3A_484 = arith.constant 32 : index
        %swap3A_485 = tpu.vector_load %arg8[%swap3A_483, %swap3A_484] {strides = array<i32>} : memref<200x128xf32, #tpu.memory_space<vmem>>, vector<1x16xf32>,
        %swap3A_486 = vector.shape_cast %swap3A_485 : vector<1x16xf32> to vector<16xf32>
        %swap3A_487 = vector.shape_cast %get3A_482 : vector<16xf32> to vector<1x16xf32>
        tpu.vector_store %arg8[%swap3A_483, %swap3A_484], %swap3A_487 {add = true, strides = array<i32>} : memref<200x128xf32, #tpu.memory_space<vmem>>, vector<1x16xf32>,
        %get3A_488 = arith.index_cast %add3A_460 : i32 to index
        %get3A_489 = arith.constant 48 : index
        %get3A_490 = tpu.vector_load %arg6[%get3A_488, %get3A_489] {strides = array<i32>} : memref<200x128xf32, #tpu.memory_space<vmem>>, vector<1x16xf32>,
        %get3A_491 = vector.shape_cast %get3A_490 : vector<1x16xf32> to vector<16xf32>
        %swap3A_492 = arith.index_cast %add3A_460 : i32 to index
        %swap3A_493 = arith.constant 48 : index
        %swap3A_494 = tpu.vector_load %arg8[%swap3A_492, %swap3A_493] {strides = array<i32>} : memref<200x128xf32, #tpu.memory_space<vmem>>, vector<1x16xf32>,
        %swap3A_495 = vector.shape_cast %swap3A_494 : vector<1x16xf32> to vector<16xf32>
        %swap3A_496 = vector.shape_cast %get3A_491 : vector<16xf32> to vector<1x16xf32>
        tpu.vector_store %arg8[%swap3A_492, %swap3A_493], %swap3A_496 {add = true, strides = array<i32>} : memref<200x128xf32, #tpu.memory_space<vmem>>, vector<1x16xf32>,
        %get3A_497 = arith.index_cast %add3A_460 : i32 to index
        %get3A_498 = arith.constant 64 : index
        %get3A_499 = tpu.vector_load %arg6[%get3A_497, %get3A_498] {strides = array<i32>} : memref<200x128xf32, #tpu.memory_space<vmem>>, vector<1x16xf32>,
        %get3A_500 = vector.shape_cast %get3A_499 : vector<1x16xf32> to vector<16xf32>
        %swap3A_501 = arith.index_cast %add3A_460 : i32 to index
        %swap3A_502 = arith.constant 64 : index
        %swap3A_503 = tpu.vector_load %arg8[%swap3A_501, %swap3A_502] {strides = array<i32>} : memref<200x128xf32, #tpu.memory_space<vmem>>, vector<1x16xf32>,
        %swap3A_504 = vector.shape_cast %swap3A_503 : vector<1x16xf32> to vector<16xf32>
        %swap3A_505 = vector.shape_cast %get3A_500 : vector<16xf32> to vector<1x16xf32>
        tpu.vector_store %arg8[%swap3A_501, %swap3A_502], %swap3A_505 {add = true, strides = array<i32>} : memref<200x128xf32, #tpu.memory_space<vmem>>, vector<1x16xf32>,
        %get3A_506 = arith.index_cast %add3A_460 : i32 to index
        %get3A_507 = arith.constant 80 : index
        %get3A_508 = tpu.vector_load %arg6[%get3A_506, %get3A_507] {strides = array<i32>} : memref<200x128xf32, #tpu.memory_space<vmem>>, vector<1x16xf32>,
        %get3A_509 = vector.shape_cast %get3A_508 : vector<1x16xf32> to vector<16xf32>
        %swap3A_510 = arith.index_cast %add3A_460 : i32 to index
        %swap3A_511 = arith.constant 80 : index
        %swap3A_512 = tpu.vector_load %arg8[%swap3A_510, %swap3A_511] {strides = array<i32>} : memref<200x128xf32, #tpu.memory_space<vmem>>, vector<1x16xf32>,
        %swap3A_513 = vector.shape_cast %swap3A_512 : vector<1x16xf32> to vector<16xf32>
        %swap3A_514 = vector.shape_cast %get3A_509 : vector<16xf32> to vector<1x16xf32>
        tpu.vector_store %arg8[%swap3A_510, %swap3A_511], %swap3A_514 {add = true, strides = array<i32>} : memref<200x128xf32, #tpu.memory_space<vmem>>, vector<1x16xf32>,
        %get3A_515 = arith.index_cast %add3A_460 : i32 to index
        %get3A_516 = arith.constant 96 : index
        %get3A_517 = tpu.vector_load %arg6[%get3A_515, %get3A_516] {strides = array<i32>} : memref<200x128xf32, #tpu.memory_space<vmem>>, vector<1x16xf32>,
        %get3A_518 = vector.shape_cast %get3A_517 : vector<1x16xf32> to vector<16xf32>
        %swap3A_519 = arith.index_cast %add3A_460 : i32 to index
        %swap3A_520 = arith.constant 96 : index
        %swap3A_521 = tpu.vector_load %arg8[%swap3A_519, %swap3A_520] {strides = array<i32>} : memref<200x128xf32, #tpu.memory_space<vmem>>, vector<1x16xf32>,
        %swap3A_522 = vector.shape_cast %swap3A_521 : vector<1x16xf32> to vector<16xf32>
        %swap3A_523 = vector.shape_cast %get3A_518 : vector<16xf32> to vector<1x16xf32>
        tpu.vector_store %arg8[%swap3A_519, %swap3A_520], %swap3A_523 {add = true, strides = array<i32>} : memref<200x128xf32, #tpu.memory_space<vmem>>, vector<1x16xf32>,
        %get3A_524 = arith.index_cast %add3A_460 : i32 to index
        %get3A_525 = arith.constant 112 : index
        %get3A_526 = tpu.vector_load %arg6[%get3A_524, %get3A_525] {strides = array<i32>} : memref<200x128xf32, #tpu.memory_space<vmem>>, vector<1x16xf32>,
        %get3A_527 = vector.shape_cast %get3A_526 : vector<1x16xf32> to vector<16xf32>
        %swap3A_528 = arith.index_cast %add3A_460 : i32 to index
        %swap3A_529 = arith.constant 112 : index
        %swap3A_530 = tpu.vector_load %arg8[%swap3A_528, %swap3A_529] {strides = array<i32>} : memref<200x128xf32, #tpu.memory_space<vmem>>, vector<1x16xf32>,
        %swap3A_531 = vector.shape_cast %swap3A_530 : vector<1x16xf32> to vector<16xf32>
        %swap3A_532 = vector.shape_cast %get3A_527 : vector<16xf32> to vector<1x16xf32>
        tpu.vector_store %arg8[%swap3A_528, %swap3A_529], %swap3A_532 {add = true, strides = array<i32>} : memref<200x128xf32, #tpu.memory_space<vmem>>, vector<1x16xf32>,
        %mul3A_533 = arith.constant 4 : i32
        %mul3A_534 = arith.muli %scan3A_306, %mul3A_533 : i32
        %add3A_535 = arith.constant 3 : i32
        %add3A_536 = arith.addi %mul3A_534, %add3A_535 : i32
        %get3A_537 = arith.index_cast %add3A_536 : i32 to index
        %get3A_538 = arith.constant 0 : index
        %get3A_539 = tpu.vector_load %arg6[%get3A_537, %get3A_538] {strides = array<i32>} : memref<200x128xf32, #tpu.memory_space<vmem>>, vector<1x16xf32>,
        %get3A_540 = vector.shape_cast %get3A_539 : vector<1x16xf32> to vector<16xf32>
        %swap3A_541 = arith.index_cast %add3A_536 : i32 to index
        %swap3A_542 = arith.constant 0 : index
        %swap3A_543 = tpu.vector_load %arg8[%swap3A_541, %swap3A_542] {strides = array<i32>} : memref<200x128xf32, #tpu.memory_space<vmem>>, vector<1x16xf32>,
        %swap3A_544 = vector.shape_cast %swap3A_543 : vector<1x16xf32> to vector<16xf32>
        %swap3A_545 = vector.shape_cast %get3A_540 : vector<16xf32> to vector<1x16xf32>
        tpu.vector_store %arg8[%swap3A_541, %swap3A_542], %swap3A_545 {add = true, strides = array<i32>} : memref<200x128xf32, #tpu.memory_space<vmem>>, vector<1x16xf32>,
        %get3A_546 = arith.index_cast %add3A_536 : i32 to index
        %get3A_547 = arith.constant 16 : index
        %get3A_548 = tpu.vector_load %arg6[%get3A_546, %get3A_547] {strides = array<i32>} : memref<200x128xf32, #tpu.memory_space<vmem>>, vector<1x16xf32>,
        %get3A_549 = vector.shape_cast %get3A_548 : vector<1x16xf32> to vector<16xf32>
        %swap3A_550 = arith.index_cast %add3A_536 : i32 to index
        %swap3A_551 = arith.constant 16 : index
        %swap3A_552 = tpu.vector_load %arg8[%swap3A_550, %swap3A_551] {strides = array<i32>} : memref<200x128xf32, #tpu.memory_space<vmem>>, vector<1x16xf32>,
        %swap3A_553 = vector.shape_cast %swap3A_552 : vector<1x16xf32> to vector<16xf32>
        %swap3A_554 = vector.shape_cast %get3A_549 : vector<16xf32> to vector<1x16xf32>
        tpu.vector_store %arg8[%swap3A_550, %swap3A_551], %swap3A_554 {add = true, strides = array<i32>} : memref<200x128xf32, #tpu.memory_space<vmem>>, vector<1x16xf32>,
        %get3A_555 = arith.index_cast %add3A_536 : i32 to index
        %get3A_556 = arith.constant 32 : index
        %get3A_557 = tpu.vector_load %arg6[%get3A_555, %get3A_556] {strides = array<i32>} : memref<200x128xf32, #tpu.memory_space<vmem>>, vector<1x16xf32>,
        %get3A_558 = vector.shape_cast %get3A_557 : vector<1x16xf32> to vector<16xf32>
        %swap3A_559 = arith.index_cast %add3A_536 : i32 to index
        %swap3A_560 = arith.constant 32 : index
        %swap3A_561 = tpu.vector_load %arg8[%swap3A_559, %swap3A_560] {strides = array<i32>} : memref<200x128xf32, #tpu.memory_space<vmem>>, vector<1x16xf32>,
        %swap3A_562 = vector.shape_cast %swap3A_561 : vector<1x16xf32> to vector<16xf32>
        %swap3A_563 = vector.shape_cast %get3A_558 : vector<16xf32> to vector<1x16xf32>
        tpu.vector_store %arg8[%swap3A_559, %swap3A_560], %swap3A_563 {add = true, strides = array<i32>} : memref<200x128xf32, #tpu.memory_space<vmem>>, vector<1x16xf32>,
        %get3A_564 = arith.index_cast %add3A_536 : i32 to index
        %get3A_565 = arith.constant 48 : index
        %get3A_566 = tpu.vector_load %arg6[%get3A_564, %get3A_565] {strides = array<i32>} : memref<200x128xf32, #tpu.memory_space<vmem>>, vector<1x16xf32>,
        %get3A_567 = vector.shape_cast %get3A_566 : vector<1x16xf32> to vector<16xf32>
        %swap3A_568 = arith.index_cast %add3A_536 : i32 to index
        %swap3A_569 = arith.constant 48 : index
        %swap3A_570 = tpu.vector_load %arg8[%swap3A_568, %swap3A_569] {strides = array<i32>} : memref<200x128xf32, #tpu.memory_space<vmem>>, vector<1x16xf32>,
        %swap3A_571 = vector.shape_cast %swap3A_570 : vector<1x16xf32> to vector<16xf32>
        %swap3A_572 = vector.shape_cast %get3A_567 : vector<16xf32> to vector<1x16xf32>
        tpu.vector_store %arg8[%swap3A_568, %swap3A_569], %swap3A_572 {add = true, strides = array<i32>} : memref<200x128xf32, #tpu.memory_space<vmem>>, vector<1x16xf32>,
        %get3A_573 = arith.index_cast %add3A_536 : i32 to index
        %get3A_574 = arith.constant 64 : index
        %get3A_575 = tpu.vector_load %arg6[%get3A_573, %get3A_574] {strides = array<i32>} : memref<200x128xf32, #tpu.memory_space<vmem>>, vector<1x16xf32>,
        %get3A_576 = vector.shape_cast %get3A_575 : vector<1x16xf32> to vector<16xf32>
        %swap3A_577 = arith.index_cast %add3A_536 : i32 to index
        %swap3A_578 = arith.constant 64 : index
        %swap3A_579 = tpu.vector_load %arg8[%swap3A_577, %swap3A_578] {strides = array<i32>} : memref<200x128xf32, #tpu.memory_space<vmem>>, vector<1x16xf32>,
        %swap3A_580 = vector.shape_cast %swap3A_579 : vector<1x16xf32> to vector<16xf32>
        %swap3A_581 = vector.shape_cast %get3A_576 : vector<16xf32> to vector<1x16xf32>
        tpu.vector_store %arg8[%swap3A_577, %swap3A_578], %swap3A_581 {add = true, strides = array<i32>} : memref<200x128xf32, #tpu.memory_space<vmem>>, vector<1x16xf32>,
        %get3A_582 = arith.index_cast %add3A_536 : i32 to index
        %get3A_583 = arith.constant 80 : index
        %get3A_584 = tpu.vector_load %arg6[%get3A_582, %get3A_583] {strides = array<i32>} : memref<200x128xf32, #tpu.memory_space<vmem>>, vector<1x16xf32>,
        %get3A_585 = vector.shape_cast %get3A_584 : vector<1x16xf32> to vector<16xf32>
        %swap3A_586 = arith.index_cast %add3A_536 : i32 to index
        %swap3A_587 = arith.constant 80 : index
        %swap3A_588 = tpu.vector_load %arg8[%swap3A_586, %swap3A_587] {strides = array<i32>} : memref<200x128xf32, #tpu.memory_space<vmem>>, vector<1x16xf32>,
        %swap3A_589 = vector.shape_cast %swap3A_588 : vector<1x16xf32> to vector<16xf32>
        %swap3A_590 = vector.shape_cast %get3A_585 : vector<16xf32> to vector<1x16xf32>
        tpu.vector_store %arg8[%swap3A_586, %swap3A_587], %swap3A_590 {add = true, strides = array<i32>} : memref<200x128xf32, #tpu.memory_space<vmem>>, vector<1x16xf32>,
        %get3A_591 = arith.index_cast %add3A_536 : i32 to index
        %get3A_592 = arith.constant 96 : index
        %get3A_593 = tpu.vector_load %arg6[%get3A_591, %get3A_592] {strides = array<i32>} : memref<200x128xf32, #tpu.memory_space<vmem>>, vector<1x16xf32>,
        %get3A_594 = vector.shape_cast %get3A_593 : vector<1x16xf32> to vector<16xf32>
        %swap3A_595 = arith.index_cast %add3A_536 : i32 to index
        %swap3A_596 = arith.constant 96 : index
        %swap3A_597 = tpu.vector_load %arg8[%swap3A_595, %swap3A_596] {strides = array<i32>} : memref<200x128xf32, #tpu.memory_space<vmem>>, vector<1x16xf32>,
        %swap3A_598 = vector.shape_cast %swap3A_597 : vector<1x16xf32> to vector<16xf32>
        %swap3A_599 = vector.shape_cast %get3A_594 : vector<16xf32> to vector<1x16xf32>
        tpu.vector_store %arg8[%swap3A_595, %swap3A_596], %swap3A_599 {add = true, strides = array<i32>} : memref<200x128xf32, #tpu.memory_space<vmem>>, vector<1x16xf32>,
        %get3A_600 = arith.index_cast %add3A_536 : i32 to index
        %get3A_601 = arith.constant 112 : index
        %get3A_602 = tpu.vector_load %arg6[%get3A_600, %get3A_601] {strides = array<i32>} : memref<200x128xf32, #tpu.memory_space<vmem>>, vector<1x16xf32>,
        %get3A_603 = vector.shape_cast %get3A_602 : vector<1x16xf32> to vector<16xf32>
        %swap3A_604 = arith.index_cast %add3A_536 : i32 to index
        %swap3A_605 = arith.constant 112 : index
        %swap3A_606 = tpu.vector_load %arg8[%swap3A_604, %swap3A_605] {strides = array<i32>} : memref<200x128xf32, #tpu.memory_space<vmem>>, vector<1x16xf32>,
        %swap3A_607 = vector.shape_cast %swap3A_606 : vector<1x16xf32> to vector<16xf32>
        %swap3A_608 = vector.shape_cast %get3A_603 : vector<16xf32> to vector<1x16xf32>
        tpu.vector_store %arg8[%swap3A_604, %swap3A_605], %swap3A_608 {add = true, strides = array<i32>} : memref<200x128xf32, #tpu.memory_space<vmem>>, vector<1x16xf32>,
      }
      %scan3A_142 = arith.constant 50 : i32
      %gt3A = arith.constant 0 : i32
      %gt3A_143 = arith.cmpi sgt, %scan3A_118, %gt3A : i32
      %convert_element_type3A = arith.extui %gt3A_143 : i1 to i32
      %cond3A = arith.constant 0 : i32
      %cond3A_144 = arith.cmpi ne, %convert_element_type3A, %cond3A : i32
      scf.if %cond3A_144 {
        %mul3A_306 = arith.constant 200 : i32
        %mul3A_307 = arith.muli %mul3A_2, %mul3A_306 : i32
        %dma_wait3A_308 = arith.constant 0 : i32
        %dma_wait3A_309 = tpu.memref_slice %arg5[%mul3A_307, %dma_wait3A_308] : memref<819200x128xf32, #tpu.memory_space<hbm>> -> memref<200x128xf32, #tpu.memory_space<hbm>>
        %dma_wait3A_310 = arith.constant 0 : i32
        %dma_wait3A_311 = tpu.memref_slice %arg5[%mul3A_307, %dma_wait3A_310] : memref<819200x128xf32, #tpu.memory_space<hbm>> -> memref<200x128xf32, #tpu.memory_space<hbm>>
        tpu.wait_dma2 semaphore(%arg16 : memref<!tpu.dma_semaphore, #tpu.memory_space<semaphore_mem>>) src(%arg10 : memref<200x128xf32, #tpu.memory_space<vmem>>) dst(%dma_wait3A_311 : memref<200x128xf32, #tpu.memory_space<hbm>>)
      } else {
      }
      %add3A_145 = arith.constant 0 : i32
      %add3A_146 = arith.addi %mul3A_120, %add3A_145 : i32
      %add3A_147 = arith.constant 2 : i32
      %add3A_148 = arith.addi %add3A_146, %add3A_147 : i32
      %mul3A_149 = arith.constant 200 : i32
      %mul3A_150 = arith.muli %add3A_148, %mul3A_149 : i32
      %add3A_151 = arith.constant 0 : i32
      %add3A_152 = arith.addi %mul3A_150, %add3A_151 : i32
      %dma_start3A_153 = arith.constant 0 : i32
      %dma_start3A_154 = arith.constant 0 : i32
      %dma_start3A_155 = tpu.memref_slice %arg10[%dma_start3A_153, %dma_start3A_154] : memref<200x128xf32, #tpu.memory_space<vmem>> -> memref<104x128xf32, #tpu.memory_space<vmem>>
      %dma_start3A_156 = tpu.memref_slice %arg7[%add3A_152] : memref<25600xi32, #tpu.memory_space<vmem>> -> memref<104xi32, #tpu.memory_space<vmem>>
      %dma_start3A_157 = arith.constant 0 : i32
      %dma_start3A_158 = arith.constant 0 : i32
      %dma_start3A_159 = tpu.memref_slice %arg3[%dma_start3A_157, %dma_start3A_158] : memref<100000x128xf32, #tpu.memory_space<hbm>> -> memref<100000x128xf32, #tpu.memory_space<hbm>>
      tpu.enqueue_indirect_dma source(%dma_start3A_159 : memref<100000x128xf32, #tpu.memory_space<hbm>>) target(%dma_start3A_155 : memref<104x128xf32, #tpu.memory_space<vmem>>) offsets(%dma_start3A_156 : memref<104xi32, #tpu.memory_space<vmem>>) semaphore(%arg13 : memref<!tpu.dma_semaphore, #tpu.memory_space<semaphore_mem>>)
      %mul3A_160 = arith.constant 200 : i32
      %mul3A_161 = arith.muli %add3A_148, %mul3A_160 : i32
      %add3A_162 = arith.constant 104 : i32
      %add3A_163 = arith.addi %mul3A_161, %add3A_162 : i32
      %dma_start3A_164 = arith.constant 104 : i32
      %dma_start3A_165 = arith.constant 0 : i32
      %dma_start3A_166 = tpu.memref_slice %arg10[%dma_start3A_164, %dma_start3A_165] : memref<200x128xf32, #tpu.memory_space<vmem>> -> memref<96x128xf32, #tpu.memory_space<vmem>>
      %dma_start3A_167 = tpu.memref_slice %arg7[%add3A_163] : memref<25600xi32, #tpu.memory_space<vmem>> -> memref<96xi32, #tpu.memory_space<vmem>>
      %dma_start3A_168 = arith.constant 0 : i32
      %dma_start3A_169 = arith.constant 0 : i32
      %dma_start3A_170 = tpu.memref_slice %arg3[%dma_start3A_168, %dma_start3A_169] : memref<100000x128xf32, #tpu.memory_space<hbm>> -> memref<100000x128xf32, #tpu.memory_space<hbm>>
      tpu.enqueue_indirect_dma source(%dma_start3A_170 : memref<100000x128xf32, #tpu.memory_space<hbm>>) target(%dma_start3A_166 : memref<96x128xf32, #tpu.memory_space<vmem>>) offsets(%dma_start3A_167 : memref<96xi32, #tpu.memory_space<vmem>>) semaphore(%arg13 : memref<!tpu.dma_semaphore, #tpu.memory_space<semaphore_mem>>)
      %add3A_171 = arith.constant 0 : i32
      %add3A_172 = arith.addi %mul3A_120, %add3A_171 : i32
      %add3A_173 = arith.addi %mul3A_2, %add3A_172 : i32
      %mul3A_174 = arith.constant 200 : i32
      %mul3A_175 = arith.muli %add3A_173, %mul3A_174 : i32
      %dma_start3A_176 = arith.constant 0 : i32
      %dma_start3A_177 = tpu.memref_slice %arg5[%mul3A_175, %dma_start3A_176] : memref<819200x128xf32, #tpu.memory_space<hbm>> -> memref<200x128xf32, #tpu.memory_space<hbm>>
      %dma_start3A_178 = arith.constant 0 : i32
      %dma_start3A_179 = tpu.memref_slice %arg5[%mul3A_175, %dma_start3A_178] : memref<819200x128xf32, #tpu.memory_space<hbm>> -> memref<200x128xf32, #tpu.memory_space<hbm>>
      tpu.enqueue_dma source(%arg8 : memref<200x128xf32, #tpu.memory_space<vmem>>) target(%dma_start3A_179 : memref<200x128xf32, #tpu.memory_space<hbm>>) target_semaphore(%arg14 : memref<!tpu.dma_semaphore, #tpu.memory_space<semaphore_mem>>)
      %dma_wait3A_180 = arith.constant 0 : i32
      %dma_wait3A_181 = arith.constant 0 : i32
      %dma_wait3A_182 = tpu.memref_slice %arg9[%dma_wait3A_180, %dma_wait3A_181] : memref<200x128xf32, #tpu.memory_space<vmem>> -> memref<104x128xf32, #tpu.memory_space<vmem>>
      %dma_wait3A_183 = arith.constant 0 : i32
      %dma_wait3A_184 = tpu.memref_slice %arg7[%dma_wait3A_183] : memref<25600xi32, #tpu.memory_space<vmem>> -> memref<104xi32, #tpu.memory_space<vmem>>
      %dma_wait3A_185 = arith.constant 0 : i32
      %dma_wait3A_186 = arith.constant 0 : i32
      %dma_wait3A_187 = tpu.memref_slice %arg3[%dma_wait3A_185, %dma_wait3A_186] : memref<100000x128xf32, #tpu.memory_space<hbm>> -> memref<100000x128xf32, #tpu.memory_space<hbm>>
      tpu.wait_indirect_dma semaphore(%arg12 : memref<!tpu.dma_semaphore, #tpu.memory_space<semaphore_mem>>) src(%dma_wait3A_187 : memref<100000x128xf32, #tpu.memory_space<hbm>>) dst(%dma_wait3A_182 : memref<104x128xf32, #tpu.memory_space<vmem>>)
      %dma_wait3A_188 = arith.constant 104 : i32
      %dma_wait3A_189 = arith.constant 0 : i32
      %dma_wait3A_190 = tpu.memref_slice %arg9[%dma_wait3A_188, %dma_wait3A_189] : memref<200x128xf32, #tpu.memory_space<vmem>> -> memref<96x128xf32, #tpu.memory_space<vmem>>
      %dma_wait3A_191 = arith.constant 0 : i32
      %dma_wait3A_192 = tpu.memref_slice %arg7[%dma_wait3A_191] : memref<25600xi32, #tpu.memory_space<vmem>> -> memref<96xi32, #tpu.memory_space<vmem>>
      %dma_wait3A_193 = arith.constant 0 : i32
      %dma_wait3A_194 = arith.constant 0 : i32
      %dma_wait3A_195 = tpu.memref_slice %arg3[%dma_wait3A_193, %dma_wait3A_194] : memref<100000x128xf32, #tpu.memory_space<hbm>> -> memref<100000x128xf32, #tpu.memory_space<hbm>>
      tpu.wait_indirect_dma semaphore(%arg12 : memref<!tpu.dma_semaphore, #tpu.memory_space<semaphore_mem>>) src(%dma_wait3A_195 : memref<100000x128xf32, #tpu.memory_space<hbm>>) dst(%dma_wait3A_190 : memref<96x128xf32, #tpu.memory_space<vmem>>)
      %scan3A_196 = arith.constant 0 : i32
      %scan3A_197 = arith.constant 0 : i32
      %scan3A_198 = arith.constant 50 : i32
      %scan3A_199 = arith.addi %scan3A_197, %scan3A_198 : i32
      %scan3A_200 = arith.constant 1 : i32
      scf.for %scan3A_306 = %scan3A_197 to %scan3A_199 step %scan3A_200  : i32 {
        %mul3A_307 = arith.constant 4 : i32
        %mul3A_308 = arith.muli %scan3A_306, %mul3A_307 : i32
        %add3A_309 = arith.constant 0 : i32
        %add3A_310 = arith.addi %mul3A_308, %add3A_309 : i32
        %get3A = arith.index_cast %add3A_310 : i32 to index
        %get3A_311 = arith.constant 0 : index
        %get3A_312 = tpu.vector_load %arg6[%get3A, %get3A_311] {strides = array<i32>} : memref<200x128xf32, #tpu.memory_space<vmem>>, vector<1x16xf32>,
        %get3A_313 = vector.shape_cast %get3A_312 : vector<1x16xf32> to vector<16xf32>
        %swap3A = arith.index_cast %add3A_310 : i32 to index
        %swap3A_314 = arith.constant 0 : index
        %swap3A_315 = tpu.vector_load %arg9[%swap3A, %swap3A_314] {strides = array<i32>} : memref<200x128xf32, #tpu.memory_space<vmem>>, vector<1x16xf32>,
        %swap3A_316 = vector.shape_cast %swap3A_315 : vector<1x16xf32> to vector<16xf32>
        %swap3A_317 = vector.shape_cast %get3A_313 : vector<16xf32> to vector<1x16xf32>
        tpu.vector_store %arg9[%swap3A, %swap3A_314], %swap3A_317 {add = true, strides = array<i32>} : memref<200x128xf32, #tpu.memory_space<vmem>>, vector<1x16xf32>,
        %get3A_318 = arith.index_cast %add3A_310 : i32 to index
        %get3A_319 = arith.constant 16 : index
        %get3A_320 = tpu.vector_load %arg6[%get3A_318, %get3A_319] {strides = array<i32>} : memref<200x128xf32, #tpu.memory_space<vmem>>, vector<1x16xf32>,
        %get3A_321 = vector.shape_cast %get3A_320 : vector<1x16xf32> to vector<16xf32>
        %swap3A_322 = arith.index_cast %add3A_310 : i32 to index
        %swap3A_323 = arith.constant 16 : index
        %swap3A_324 = tpu.vector_load %arg9[%swap3A_322, %swap3A_323] {strides = array<i32>} : memref<200x128xf32, #tpu.memory_space<vmem>>, vector<1x16xf32>,
        %swap3A_325 = vector.shape_cast %swap3A_324 : vector<1x16xf32> to vector<16xf32>
        %swap3A_326 = vector.shape_cast %get3A_321 : vector<16xf32> to vector<1x16xf32>
        tpu.vector_store %arg9[%swap3A_322, %swap3A_323], %swap3A_326 {add = true, strides = array<i32>} : memref<200x128xf32, #tpu.memory_space<vmem>>, vector<1x16xf32>,
        %get3A_327 = arith.index_cast %add3A_310 : i32 to index
        %get3A_328 = arith.constant 32 : index
        %get3A_329 = tpu.vector_load %arg6[%get3A_327, %get3A_328] {strides = array<i32>} : memref<200x128xf32, #tpu.memory_space<vmem>>, vector<1x16xf32>,
        %get3A_330 = vector.shape_cast %get3A_329 : vector<1x16xf32> to vector<16xf32>
        %swap3A_331 = arith.index_cast %add3A_310 : i32 to index
        %swap3A_332 = arith.constant 32 : index
        %swap3A_333 = tpu.vector_load %arg9[%swap3A_331, %swap3A_332] {strides = array<i32>} : memref<200x128xf32, #tpu.memory_space<vmem>>, vector<1x16xf32>,
        %swap3A_334 = vector.shape_cast %swap3A_333 : vector<1x16xf32> to vector<16xf32>
        %swap3A_335 = vector.shape_cast %get3A_330 : vector<16xf32> to vector<1x16xf32>
        tpu.vector_store %arg9[%swap3A_331, %swap3A_332], %swap3A_335 {add = true, strides = array<i32>} : memref<200x128xf32, #tpu.memory_space<vmem>>, vector<1x16xf32>,
        %get3A_336 = arith.index_cast %add3A_310 : i32 to index
        %get3A_337 = arith.constant 48 : index
        %get3A_338 = tpu.vector_load %arg6[%get3A_336, %get3A_337] {strides = array<i32>} : memref<200x128xf32, #tpu.memory_space<vmem>>, vector<1x16xf32>,
        %get3A_339 = vector.shape_cast %get3A_338 : vector<1x16xf32> to vector<16xf32>
        %swap3A_340 = arith.index_cast %add3A_310 : i32 to index
        %swap3A_341 = arith.constant 48 : index
        %swap3A_342 = tpu.vector_load %arg9[%swap3A_340, %swap3A_341] {strides = array<i32>} : memref<200x128xf32, #tpu.memory_space<vmem>>, vector<1x16xf32>,
        %swap3A_343 = vector.shape_cast %swap3A_342 : vector<1x16xf32> to vector<16xf32>
        %swap3A_344 = vector.shape_cast %get3A_339 : vector<16xf32> to vector<1x16xf32>
        tpu.vector_store %arg9[%swap3A_340, %swap3A_341], %swap3A_344 {add = true, strides = array<i32>} : memref<200x128xf32, #tpu.memory_space<vmem>>, vector<1x16xf32>,
        %get3A_345 = arith.index_cast %add3A_310 : i32 to index
        %get3A_346 = arith.constant 64 : index
        %get3A_347 = tpu.vector_load %arg6[%get3A_345, %get3A_346] {strides = array<i32>} : memref<200x128xf32, #tpu.memory_space<vmem>>, vector<1x16xf32>,
        %get3A_348 = vector.shape_cast %get3A_347 : vector<1x16xf32> to vector<16xf32>
        %swap3A_349 = arith.index_cast %add3A_310 : i32 to index
        %swap3A_350 = arith.constant 64 : index
        %swap3A_351 = tpu.vector_load %arg9[%swap3A_349, %swap3A_350] {strides = array<i32>} : memref<200x128xf32, #tpu.memory_space<vmem>>, vector<1x16xf32>,
        %swap3A_352 = vector.shape_cast %swap3A_351 : vector<1x16xf32> to vector<16xf32>
        %swap3A_353 = vector.shape_cast %get3A_348 : vector<16xf32> to vector<1x16xf32>
        tpu.vector_store %arg9[%swap3A_349, %swap3A_350], %swap3A_353 {add = true, strides = array<i32>} : memref<200x128xf32, #tpu.memory_space<vmem>>, vector<1x16xf32>,
        %get3A_354 = arith.index_cast %add3A_310 : i32 to index
        %get3A_355 = arith.constant 80 : index
        %get3A_356 = tpu.vector_load %arg6[%get3A_354, %get3A_355] {strides = array<i32>} : memref<200x128xf32, #tpu.memory_space<vmem>>, vector<1x16xf32>,
        %get3A_357 = vector.shape_cast %get3A_356 : vector<1x16xf32> to vector<16xf32>
        %swap3A_358 = arith.index_cast %add3A_310 : i32 to index
        %swap3A_359 = arith.constant 80 : index
        %swap3A_360 = tpu.vector_load %arg9[%swap3A_358, %swap3A_359] {strides = array<i32>} : memref<200x128xf32, #tpu.memory_space<vmem>>, vector<1x16xf32>,
        %swap3A_361 = vector.shape_cast %swap3A_360 : vector<1x16xf32> to vector<16xf32>
        %swap3A_362 = vector.shape_cast %get3A_357 : vector<16xf32> to vector<1x16xf32>
        tpu.vector_store %arg9[%swap3A_358, %swap3A_359], %swap3A_362 {add = true, strides = array<i32>} : memref<200x128xf32, #tpu.memory_space<vmem>>, vector<1x16xf32>,
        %get3A_363 = arith.index_cast %add3A_310 : i32 to index
        %get3A_364 = arith.constant 96 : index
        %get3A_365 = tpu.vector_load %arg6[%get3A_363, %get3A_364] {strides = array<i32>} : memref<200x128xf32, #tpu.memory_space<vmem>>, vector<1x16xf32>,
        %get3A_366 = vector.shape_cast %get3A_365 : vector<1x16xf32> to vector<16xf32>
        %swap3A_367 = arith.index_cast %add3A_310 : i32 to index
        %swap3A_368 = arith.constant 96 : index
        %swap3A_369 = tpu.vector_load %arg9[%swap3A_367, %swap3A_368] {strides = array<i32>} : memref<200x128xf32, #tpu.memory_space<vmem>>, vector<1x16xf32>,
        %swap3A_370 = vector.shape_cast %swap3A_369 : vector<1x16xf32> to vector<16xf32>
        %swap3A_371 = vector.shape_cast %get3A_366 : vector<16xf32> to vector<1x16xf32>
        tpu.vector_store %arg9[%swap3A_367, %swap3A_368], %swap3A_371 {add = true, strides = array<i32>} : memref<200x128xf32, #tpu.memory_space<vmem>>, vector<1x16xf32>,
        %get3A_372 = arith.index_cast %add3A_310 : i32 to index
        %get3A_373 = arith.constant 112 : index
        %get3A_374 = tpu.vector_load %arg6[%get3A_372, %get3A_373] {strides = array<i32>} : memref<200x128xf32, #tpu.memory_space<vmem>>, vector<1x16xf32>,
        %get3A_375 = vector.shape_cast %get3A_374 : vector<1x16xf32> to vector<16xf32>
        %swap3A_376 = arith.index_cast %add3A_310 : i32 to index
        %swap3A_377 = arith.constant 112 : index
        %swap3A_378 = tpu.vector_load %arg9[%swap3A_376, %swap3A_377] {strides = array<i32>} : memref<200x128xf32, #tpu.memory_space<vmem>>, vector<1x16xf32>,
        %swap3A_379 = vector.shape_cast %swap3A_378 : vector<1x16xf32> to vector<16xf32>
        %swap3A_380 = vector.shape_cast %get3A_375 : vector<16xf32> to vector<1x16xf32>
        tpu.vector_store %arg9[%swap3A_376, %swap3A_377], %swap3A_380 {add = true, strides = array<i32>} : memref<200x128xf32, #tpu.memory_space<vmem>>, vector<1x16xf32>,
        %mul3A_381 = arith.constant 4 : i32
        %mul3A_382 = arith.muli %scan3A_306, %mul3A_381 : i32
        %add3A_383 = arith.constant 1 : i32
        %add3A_384 = arith.addi %mul3A_382, %add3A_383 : i32
        %get3A_385 = arith.index_cast %add3A_384 : i32 to index
        %get3A_386 = arith.constant 0 : index
        %get3A_387 = tpu.vector_load %arg6[%get3A_385, %get3A_386] {strides = array<i32>} : memref<200x128xf32, #tpu.memory_space<vmem>>, vector<1x16xf32>,
        %get3A_388 = vector.shape_cast %get3A_387 : vector<1x16xf32> to vector<16xf32>
        %swap3A_389 = arith.index_cast %add3A_384 : i32 to index
        %swap3A_390 = arith.constant 0 : index
        %swap3A_391 = tpu.vector_load %arg9[%swap3A_389, %swap3A_390] {strides = array<i32>} : memref<200x128xf32, #tpu.memory_space<vmem>>, vector<1x16xf32>,
        %swap3A_392 = vector.shape_cast %swap3A_391 : vector<1x16xf32> to vector<16xf32>
        %swap3A_393 = vector.shape_cast %get3A_388 : vector<16xf32> to vector<1x16xf32>
        tpu.vector_store %arg9[%swap3A_389, %swap3A_390], %swap3A_393 {add = true, strides = array<i32>} : memref<200x128xf32, #tpu.memory_space<vmem>>, vector<1x16xf32>,
        %get3A_394 = arith.index_cast %add3A_384 : i32 to index
        %get3A_395 = arith.constant 16 : index
        %get3A_396 = tpu.vector_load %arg6[%get3A_394, %get3A_395] {strides = array<i32>} : memref<200x128xf32, #tpu.memory_space<vmem>>, vector<1x16xf32>,
        %get3A_397 = vector.shape_cast %get3A_396 : vector<1x16xf32> to vector<16xf32>
        %swap3A_398 = arith.index_cast %add3A_384 : i32 to index
        %swap3A_399 = arith.constant 16 : index
        %swap3A_400 = tpu.vector_load %arg9[%swap3A_398, %swap3A_399] {strides = array<i32>} : memref<200x128xf32, #tpu.memory_space<vmem>>, vector<1x16xf32>,
        %swap3A_401 = vector.shape_cast %swap3A_400 : vector<1x16xf32> to vector<16xf32>
        %swap3A_402 = vector.shape_cast %get3A_397 : vector<16xf32> to vector<1x16xf32>
        tpu.vector_store %arg9[%swap3A_398, %swap3A_399], %swap3A_402 {add = true, strides = array<i32>} : memref<200x128xf32, #tpu.memory_space<vmem>>, vector<1x16xf32>,
        %get3A_403 = arith.index_cast %add3A_384 : i32 to index
        %get3A_404 = arith.constant 32 : index
        %get3A_405 = tpu.vector_load %arg6[%get3A_403, %get3A_404] {strides = array<i32>} : memref<200x128xf32, #tpu.memory_space<vmem>>, vector<1x16xf32>,
        %get3A_406 = vector.shape_cast %get3A_405 : vector<1x16xf32> to vector<16xf32>
        %swap3A_407 = arith.index_cast %add3A_384 : i32 to index
        %swap3A_408 = arith.constant 32 : index
        %swap3A_409 = tpu.vector_load %arg9[%swap3A_407, %swap3A_408] {strides = array<i32>} : memref<200x128xf32, #tpu.memory_space<vmem>>, vector<1x16xf32>,
        %swap3A_410 = vector.shape_cast %swap3A_409 : vector<1x16xf32> to vector<16xf32>
        %swap3A_411 = vector.shape_cast %get3A_406 : vector<16xf32> to vector<1x16xf32>
        tpu.vector_store %arg9[%swap3A_407, %swap3A_408], %swap3A_411 {add = true, strides = array<i32>} : memref<200x128xf32, #tpu.memory_space<vmem>>, vector<1x16xf32>,
        %get3A_412 = arith.index_cast %add3A_384 : i32 to index
        %get3A_413 = arith.constant 48 : index
        %get3A_414 = tpu.vector_load %arg6[%get3A_412, %get3A_413] {strides = array<i32>} : memref<200x128xf32, #tpu.memory_space<vmem>>, vector<1x16xf32>,
        %get3A_415 = vector.shape_cast %get3A_414 : vector<1x16xf32> to vector<16xf32>
        %swap3A_416 = arith.index_cast %add3A_384 : i32 to index
        %swap3A_417 = arith.constant 48 : index
        %swap3A_418 = tpu.vector_load %arg9[%swap3A_416, %swap3A_417] {strides = array<i32>} : memref<200x128xf32, #tpu.memory_space<vmem>>, vector<1x16xf32>,
        %swap3A_419 = vector.shape_cast %swap3A_418 : vector<1x16xf32> to vector<16xf32>
        %swap3A_420 = vector.shape_cast %get3A_415 : vector<16xf32> to vector<1x16xf32>
        tpu.vector_store %arg9[%swap3A_416, %swap3A_417], %swap3A_420 {add = true, strides = array<i32>} : memref<200x128xf32, #tpu.memory_space<vmem>>, vector<1x16xf32>,
        %get3A_421 = arith.index_cast %add3A_384 : i32 to index
        %get3A_422 = arith.constant 64 : index
        %get3A_423 = tpu.vector_load %arg6[%get3A_421, %get3A_422] {strides = array<i32>} : memref<200x128xf32, #tpu.memory_space<vmem>>, vector<1x16xf32>,
        %get3A_424 = vector.shape_cast %get3A_423 : vector<1x16xf32> to vector<16xf32>
        %swap3A_425 = arith.index_cast %add3A_384 : i32 to index
        %swap3A_426 = arith.constant 64 : index
        %swap3A_427 = tpu.vector_load %arg9[%swap3A_425, %swap3A_426] {strides = array<i32>} : memref<200x128xf32, #tpu.memory_space<vmem>>, vector<1x16xf32>,
        %swap3A_428 = vector.shape_cast %swap3A_427 : vector<1x16xf32> to vector<16xf32>
        %swap3A_429 = vector.shape_cast %get3A_424 : vector<16xf32> to vector<1x16xf32>
        tpu.vector_store %arg9[%swap3A_425, %swap3A_426], %swap3A_429 {add = true, strides = array<i32>} : memref<200x128xf32, #tpu.memory_space<vmem>>, vector<1x16xf32>,
        %get3A_430 = arith.index_cast %add3A_384 : i32 to index
        %get3A_431 = arith.constant 80 : index
        %get3A_432 = tpu.vector_load %arg6[%get3A_430, %get3A_431] {strides = array<i32>} : memref<200x128xf32, #tpu.memory_space<vmem>>, vector<1x16xf32>,
        %get3A_433 = vector.shape_cast %get3A_432 : vector<1x16xf32> to vector<16xf32>
        %swap3A_434 = arith.index_cast %add3A_384 : i32 to index
        %swap3A_435 = arith.constant 80 : index
        %swap3A_436 = tpu.vector_load %arg9[%swap3A_434, %swap3A_435] {strides = array<i32>} : memref<200x128xf32, #tpu.memory_space<vmem>>, vector<1x16xf32>,
        %swap3A_437 = vector.shape_cast %swap3A_436 : vector<1x16xf32> to vector<16xf32>
        %swap3A_438 = vector.shape_cast %get3A_433 : vector<16xf32> to vector<1x16xf32>
        tpu.vector_store %arg9[%swap3A_434, %swap3A_435], %swap3A_438 {add = true, strides = array<i32>} : memref<200x128xf32, #tpu.memory_space<vmem>>, vector<1x16xf32>,
        %get3A_439 = arith.index_cast %add3A_384 : i32 to index
        %get3A_440 = arith.constant 96 : index
        %get3A_441 = tpu.vector_load %arg6[%get3A_439, %get3A_440] {strides = array<i32>} : memref<200x128xf32, #tpu.memory_space<vmem>>, vector<1x16xf32>,
        %get3A_442 = vector.shape_cast %get3A_441 : vector<1x16xf32> to vector<16xf32>
        %swap3A_443 = arith.index_cast %add3A_384 : i32 to index
        %swap3A_444 = arith.constant 96 : index
        %swap3A_445 = tpu.vector_load %arg9[%swap3A_443, %swap3A_444] {strides = array<i32>} : memref<200x128xf32, #tpu.memory_space<vmem>>, vector<1x16xf32>,
        %swap3A_446 = vector.shape_cast %swap3A_445 : vector<1x16xf32> to vector<16xf32>
        %swap3A_447 = vector.shape_cast %get3A_442 : vector<16xf32> to vector<1x16xf32>
        tpu.vector_store %arg9[%swap3A_443, %swap3A_444], %swap3A_447 {add = true, strides = array<i32>} : memref<200x128xf32, #tpu.memory_space<vmem>>, vector<1x16xf32>,
        %get3A_448 = arith.index_cast %add3A_384 : i32 to index
        %get3A_449 = arith.constant 112 : index
        %get3A_450 = tpu.vector_load %arg6[%get3A_448, %get3A_449] {strides = array<i32>} : memref<200x128xf32, #tpu.memory_space<vmem>>, vector<1x16xf32>,
        %get3A_451 = vector.shape_cast %get3A_450 : vector<1x16xf32> to vector<16xf32>
        %swap3A_452 = arith.index_cast %add3A_384 : i32 to index
        %swap3A_453 = arith.constant 112 : index
        %swap3A_454 = tpu.vector_load %arg9[%swap3A_452, %swap3A_453] {strides = array<i32>} : memref<200x128xf32, #tpu.memory_space<vmem>>, vector<1x16xf32>,
        %swap3A_455 = vector.shape_cast %swap3A_454 : vector<1x16xf32> to vector<16xf32>
        %swap3A_456 = vector.shape_cast %get3A_451 : vector<16xf32> to vector<1x16xf32>
        tpu.vector_store %arg9[%swap3A_452, %swap3A_453], %swap3A_456 {add = true, strides = array<i32>} : memref<200x128xf32, #tpu.memory_space<vmem>>, vector<1x16xf32>,
        %mul3A_457 = arith.constant 4 : i32
        %mul3A_458 = arith.muli %scan3A_306, %mul3A_457 : i32
        %add3A_459 = arith.constant 2 : i32
        %add3A_460 = arith.addi %mul3A_458, %add3A_459 : i32
        %get3A_461 = arith.index_cast %add3A_460 : i32 to index
        %get3A_462 = arith.constant 0 : index
        %get3A_463 = tpu.vector_load %arg6[%get3A_461, %get3A_462] {strides = array<i32>} : memref<200x128xf32, #tpu.memory_space<vmem>>, vector<1x16xf32>,
        %get3A_464 = vector.shape_cast %get3A_463 : vector<1x16xf32> to vector<16xf32>
        %swap3A_465 = arith.index_cast %add3A_460 : i32 to index
        %swap3A_466 = arith.constant 0 : index
        %swap3A_467 = tpu.vector_load %arg9[%swap3A_465, %swap3A_466] {strides = array<i32>} : memref<200x128xf32, #tpu.memory_space<vmem>>, vector<1x16xf32>,
        %swap3A_468 = vector.shape_cast %swap3A_467 : vector<1x16xf32> to vector<16xf32>
        %swap3A_469 = vector.shape_cast %get3A_464 : vector<16xf32> to vector<1x16xf32>
        tpu.vector_store %arg9[%swap3A_465, %swap3A_466], %swap3A_469 {add = true, strides = array<i32>} : memref<200x128xf32, #tpu.memory_space<vmem>>, vector<1x16xf32>,
        %get3A_470 = arith.index_cast %add3A_460 : i32 to index
        %get3A_471 = arith.constant 16 : index
        %get3A_472 = tpu.vector_load %arg6[%get3A_470, %get3A_471] {strides = array<i32>} : memref<200x128xf32, #tpu.memory_space<vmem>>, vector<1x16xf32>,
        %get3A_473 = vector.shape_cast %get3A_472 : vector<1x16xf32> to vector<16xf32>
        %swap3A_474 = arith.index_cast %add3A_460 : i32 to index
        %swap3A_475 = arith.constant 16 : index
        %swap3A_476 = tpu.vector_load %arg9[%swap3A_474, %swap3A_475] {strides = array<i32>} : memref<200x128xf32, #tpu.memory_space<vmem>>, vector<1x16xf32>,
        %swap3A_477 = vector.shape_cast %swap3A_476 : vector<1x16xf32> to vector<16xf32>
        %swap3A_478 = vector.shape_cast %get3A_473 : vector<16xf32> to vector<1x16xf32>
        tpu.vector_store %arg9[%swap3A_474, %swap3A_475], %swap3A_478 {add = true, strides = array<i32>} : memref<200x128xf32, #tpu.memory_space<vmem>>, vector<1x16xf32>,
        %get3A_479 = arith.index_cast %add3A_460 : i32 to index
        %get3A_480 = arith.constant 32 : index
        %get3A_481 = tpu.vector_load %arg6[%get3A_479, %get3A_480] {strides = array<i32>} : memref<200x128xf32, #tpu.memory_space<vmem>>, vector<1x16xf32>,
        %get3A_482 = vector.shape_cast %get3A_481 : vector<1x16xf32> to vector<16xf32>
        %swap3A_483 = arith.index_cast %add3A_460 : i32 to index
        %swap3A_484 = arith.constant 32 : index
        %swap3A_485 = tpu.vector_load %arg9[%swap3A_483, %swap3A_484] {strides = array<i32>} : memref<200x128xf32, #tpu.memory_space<vmem>>, vector<1x16xf32>,
        %swap3A_486 = vector.shape_cast %swap3A_485 : vector<1x16xf32> to vector<16xf32>
        %swap3A_487 = vector.shape_cast %get3A_482 : vector<16xf32> to vector<1x16xf32>
        tpu.vector_store %arg9[%swap3A_483, %swap3A_484], %swap3A_487 {add = true, strides = array<i32>} : memref<200x128xf32, #tpu.memory_space<vmem>>, vector<1x16xf32>,
        %get3A_488 = arith.index_cast %add3A_460 : i32 to index
        %get3A_489 = arith.constant 48 : index
        %get3A_490 = tpu.vector_load %arg6[%get3A_488, %get3A_489] {strides = array<i32>} : memref<200x128xf32, #tpu.memory_space<vmem>>, vector<1x16xf32>,
        %get3A_491 = vector.shape_cast %get3A_490 : vector<1x16xf32> to vector<16xf32>
        %swap3A_492 = arith.index_cast %add3A_460 : i32 to index
        %swap3A_493 = arith.constant 48 : index
        %swap3A_494 = tpu.vector_load %arg9[%swap3A_492, %swap3A_493] {strides = array<i32>} : memref<200x128xf32, #tpu.memory_space<vmem>>, vector<1x16xf32>,
        %swap3A_495 = vector.shape_cast %swap3A_494 : vector<1x16xf32> to vector<16xf32>
        %swap3A_496 = vector.shape_cast %get3A_491 : vector<16xf32> to vector<1x16xf32>
        tpu.vector_store %arg9[%swap3A_492, %swap3A_493], %swap3A_496 {add = true, strides = array<i32>} : memref<200x128xf32, #tpu.memory_space<vmem>>, vector<1x16xf32>,
        %get3A_497 = arith.index_cast %add3A_460 : i32 to index
        %get3A_498 = arith.constant 64 : index
        %get3A_499 = tpu.vector_load %arg6[%get3A_497, %get3A_498] {strides = array<i32>} : memref<200x128xf32, #tpu.memory_space<vmem>>, vector<1x16xf32>,
        %get3A_500 = vector.shape_cast %get3A_499 : vector<1x16xf32> to vector<16xf32>
        %swap3A_501 = arith.index_cast %add3A_460 : i32 to index
        %swap3A_502 = arith.constant 64 : index
        %swap3A_503 = tpu.vector_load %arg9[%swap3A_501, %swap3A_502] {strides = array<i32>} : memref<200x128xf32, #tpu.memory_space<vmem>>, vector<1x16xf32>,
        %swap3A_504 = vector.shape_cast %swap3A_503 : vector<1x16xf32> to vector<16xf32>
        %swap3A_505 = vector.shape_cast %get3A_500 : vector<16xf32> to vector<1x16xf32>
        tpu.vector_store %arg9[%swap3A_501, %swap3A_502], %swap3A_505 {add = true, strides = array<i32>} : memref<200x128xf32, #tpu.memory_space<vmem>>, vector<1x16xf32>,
        %get3A_506 = arith.index_cast %add3A_460 : i32 to index
        %get3A_507 = arith.constant 80 : index
        %get3A_508 = tpu.vector_load %arg6[%get3A_506, %get3A_507] {strides = array<i32>} : memref<200x128xf32, #tpu.memory_space<vmem>>, vector<1x16xf32>,
        %get3A_509 = vector.shape_cast %get3A_508 : vector<1x16xf32> to vector<16xf32>
        %swap3A_510 = arith.index_cast %add3A_460 : i32 to index
        %swap3A_511 = arith.constant 80 : index
        %swap3A_512 = tpu.vector_load %arg9[%swap3A_510, %swap3A_511] {strides = array<i32>} : memref<200x128xf32, #tpu.memory_space<vmem>>, vector<1x16xf32>,
        %swap3A_513 = vector.shape_cast %swap3A_512 : vector<1x16xf32> to vector<16xf32>
        %swap3A_514 = vector.shape_cast %get3A_509 : vector<16xf32> to vector<1x16xf32>
        tpu.vector_store %arg9[%swap3A_510, %swap3A_511], %swap3A_514 {add = true, strides = array<i32>} : memref<200x128xf32, #tpu.memory_space<vmem>>, vector<1x16xf32>,
        %get3A_515 = arith.index_cast %add3A_460 : i32 to index
        %get3A_516 = arith.constant 96 : index
        %get3A_517 = tpu.vector_load %arg6[%get3A_515, %get3A_516] {strides = array<i32>} : memref<200x128xf32, #tpu.memory_space<vmem>>, vector<1x16xf32>,
        %get3A_518 = vector.shape_cast %get3A_517 : vector<1x16xf32> to vector<16xf32>
        %swap3A_519 = arith.index_cast %add3A_460 : i32 to index
        %swap3A_520 = arith.constant 96 : index
        %swap3A_521 = tpu.vector_load %arg9[%swap3A_519, %swap3A_520] {strides = array<i32>} : memref<200x128xf32, #tpu.memory_space<vmem>>, vector<1x16xf32>,
        %swap3A_522 = vector.shape_cast %swap3A_521 : vector<1x16xf32> to vector<16xf32>
        %swap3A_523 = vector.shape_cast %get3A_518 : vector<16xf32> to vector<1x16xf32>
        tpu.vector_store %arg9[%swap3A_519, %swap3A_520], %swap3A_523 {add = true, strides = array<i32>} : memref<200x128xf32, #tpu.memory_space<vmem>>, vector<1x16xf32>,
        %get3A_524 = arith.index_cast %add3A_460 : i32 to index
        %get3A_525 = arith.constant 112 : index
        %get3A_526 = tpu.vector_load %arg6[%get3A_524, %get3A_525] {strides = array<i32>} : memref<200x128xf32, #tpu.memory_space<vmem>>, vector<1x16xf32>,
        %get3A_527 = vector.shape_cast %get3A_526 : vector<1x16xf32> to vector<16xf32>
        %swap3A_528 = arith.index_cast %add3A_460 : i32 to index
        %swap3A_529 = arith.constant 112 : index
        %swap3A_530 = tpu.vector_load %arg9[%swap3A_528, %swap3A_529] {strides = array<i32>} : memref<200x128xf32, #tpu.memory_space<vmem>>, vector<1x16xf32>,
        %swap3A_531 = vector.shape_cast %swap3A_530 : vector<1x16xf32> to vector<16xf32>
        %swap3A_532 = vector.shape_cast %get3A_527 : vector<16xf32> to vector<1x16xf32>
        tpu.vector_store %arg9[%swap3A_528, %swap3A_529], %swap3A_532 {add = true, strides = array<i32>} : memref<200x128xf32, #tpu.memory_space<vmem>>, vector<1x16xf32>,
        %mul3A_533 = arith.constant 4 : i32
        %mul3A_534 = arith.muli %scan3A_306, %mul3A_533 : i32
        %add3A_535 = arith.constant 3 : i32
        %add3A_536 = arith.addi %mul3A_534, %add3A_535 : i32
        %get3A_537 = arith.index_cast %add3A_536 : i32 to index
        %get3A_538 = arith.constant 0 : index
        %get3A_539 = tpu.vector_load %arg6[%get3A_537, %get3A_538] {strides = array<i32>} : memref<200x128xf32, #tpu.memory_space<vmem>>, vector<1x16xf32>,
        %get3A_540 = vector.shape_cast %get3A_539 : vector<1x16xf32> to vector<16xf32>
        %swap3A_541 = arith.index_cast %add3A_536 : i32 to index
        %swap3A_542 = arith.constant 0 : index
        %swap3A_543 = tpu.vector_load %arg9[%swap3A_541, %swap3A_542] {strides = array<i32>} : memref<200x128xf32, #tpu.memory_space<vmem>>, vector<1x16xf32>,
        %swap3A_544 = vector.shape_cast %swap3A_543 : vector<1x16xf32> to vector<16xf32>
        %swap3A_545 = vector.shape_cast %get3A_540 : vector<16xf32> to vector<1x16xf32>
        tpu.vector_store %arg9[%swap3A_541, %swap3A_542], %swap3A_545 {add = true, strides = array<i32>} : memref<200x128xf32, #tpu.memory_space<vmem>>, vector<1x16xf32>,
        %get3A_546 = arith.index_cast %add3A_536 : i32 to index
        %get3A_547 = arith.constant 16 : index
        %get3A_548 = tpu.vector_load %arg6[%get3A_546, %get3A_547] {strides = array<i32>} : memref<200x128xf32, #tpu.memory_space<vmem>>, vector<1x16xf32>,
        %get3A_549 = vector.shape_cast %get3A_548 : vector<1x16xf32> to vector<16xf32>
        %swap3A_550 = arith.index_cast %add3A_536 : i32 to index
        %swap3A_551 = arith.constant 16 : index
        %swap3A_552 = tpu.vector_load %arg9[%swap3A_550, %swap3A_551] {strides = array<i32>} : memref<200x128xf32, #tpu.memory_space<vmem>>, vector<1x16xf32>,
        %swap3A_553 = vector.shape_cast %swap3A_552 : vector<1x16xf32> to vector<16xf32>
        %swap3A_554 = vector.shape_cast %get3A_549 : vector<16xf32> to vector<1x16xf32>
        tpu.vector_store %arg9[%swap3A_550, %swap3A_551], %swap3A_554 {add = true, strides = array<i32>} : memref<200x128xf32, #tpu.memory_space<vmem>>, vector<1x16xf32>,
        %get3A_555 = arith.index_cast %add3A_536 : i32 to index
        %get3A_556 = arith.constant 32 : index
        %get3A_557 = tpu.vector_load %arg6[%get3A_555, %get3A_556] {strides = array<i32>} : memref<200x128xf32, #tpu.memory_space<vmem>>, vector<1x16xf32>,
        %get3A_558 = vector.shape_cast %get3A_557 : vector<1x16xf32> to vector<16xf32>
        %swap3A_559 = arith.index_cast %add3A_536 : i32 to index
        %swap3A_560 = arith.constant 32 : index
        %swap3A_561 = tpu.vector_load %arg9[%swap3A_559, %swap3A_560] {strides = array<i32>} : memref<200x128xf32, #tpu.memory_space<vmem>>, vector<1x16xf32>,
        %swap3A_562 = vector.shape_cast %swap3A_561 : vector<1x16xf32> to vector<16xf32>
        %swap3A_563 = vector.shape_cast %get3A_558 : vector<16xf32> to vector<1x16xf32>
        tpu.vector_store %arg9[%swap3A_559, %swap3A_560], %swap3A_563 {add = true, strides = array<i32>} : memref<200x128xf32, #tpu.memory_space<vmem>>, vector<1x16xf32>,
        %get3A_564 = arith.index_cast %add3A_536 : i32 to index
        %get3A_565 = arith.constant 48 : index
        %get3A_566 = tpu.vector_load %arg6[%get3A_564, %get3A_565] {strides = array<i32>} : memref<200x128xf32, #tpu.memory_space<vmem>>, vector<1x16xf32>,
        %get3A_567 = vector.shape_cast %get3A_566 : vector<1x16xf32> to vector<16xf32>
        %swap3A_568 = arith.index_cast %add3A_536 : i32 to index
        %swap3A_569 = arith.constant 48 : index
        %swap3A_570 = tpu.vector_load %arg9[%swap3A_568, %swap3A_569] {strides = array<i32>} : memref<200x128xf32, #tpu.memory_space<vmem>>, vector<1x16xf32>,
        %swap3A_571 = vector.shape_cast %swap3A_570 : vector<1x16xf32> to vector<16xf32>
        %swap3A_572 = vector.shape_cast %get3A_567 : vector<16xf32> to vector<1x16xf32>
        tpu.vector_store %arg9[%swap3A_568, %swap3A_569], %swap3A_572 {add = true, strides = array<i32>} : memref<200x128xf32, #tpu.memory_space<vmem>>, vector<1x16xf32>,
        %get3A_573 = arith.index_cast %add3A_536 : i32 to index
        %get3A_574 = arith.constant 64 : index
        %get3A_575 = tpu.vector_load %arg6[%get3A_573, %get3A_574] {strides = array<i32>} : memref<200x128xf32, #tpu.memory_space<vmem>>, vector<1x16xf32>,
        %get3A_576 = vector.shape_cast %get3A_575 : vector<1x16xf32> to vector<16xf32>
        %swap3A_577 = arith.index_cast %add3A_536 : i32 to index
        %swap3A_578 = arith.constant 64 : index
        %swap3A_579 = tpu.vector_load %arg9[%swap3A_577, %swap3A_578] {strides = array<i32>} : memref<200x128xf32, #tpu.memory_space<vmem>>, vector<1x16xf32>,
        %swap3A_580 = vector.shape_cast %swap3A_579 : vector<1x16xf32> to vector<16xf32>
        %swap3A_581 = vector.shape_cast %get3A_576 : vector<16xf32> to vector<1x16xf32>
        tpu.vector_store %arg9[%swap3A_577, %swap3A_578], %swap3A_581 {add = true, strides = array<i32>} : memref<200x128xf32, #tpu.memory_space<vmem>>, vector<1x16xf32>,
        %get3A_582 = arith.index_cast %add3A_536 : i32 to index
        %get3A_583 = arith.constant 80 : index
        %get3A_584 = tpu.vector_load %arg6[%get3A_582, %get3A_583] {strides = array<i32>} : memref<200x128xf32, #tpu.memory_space<vmem>>, vector<1x16xf32>,
        %get3A_585 = vector.shape_cast %get3A_584 : vector<1x16xf32> to vector<16xf32>
        %swap3A_586 = arith.index_cast %add3A_536 : i32 to index
        %swap3A_587 = arith.constant 80 : index
        %swap3A_588 = tpu.vector_load %arg9[%swap3A_586, %swap3A_587] {strides = array<i32>} : memref<200x128xf32, #tpu.memory_space<vmem>>, vector<1x16xf32>,
        %swap3A_589 = vector.shape_cast %swap3A_588 : vector<1x16xf32> to vector<16xf32>
        %swap3A_590 = vector.shape_cast %get3A_585 : vector<16xf32> to vector<1x16xf32>
        tpu.vector_store %arg9[%swap3A_586, %swap3A_587], %swap3A_590 {add = true, strides = array<i32>} : memref<200x128xf32, #tpu.memory_space<vmem>>, vector<1x16xf32>,
        %get3A_591 = arith.index_cast %add3A_536 : i32 to index
        %get3A_592 = arith.constant 96 : index
        %get3A_593 = tpu.vector_load %arg6[%get3A_591, %get3A_592] {strides = array<i32>} : memref<200x128xf32, #tpu.memory_space<vmem>>, vector<1x16xf32>,
        %get3A_594 = vector.shape_cast %get3A_593 : vector<1x16xf32> to vector<16xf32>
        %swap3A_595 = arith.index_cast %add3A_536 : i32 to index
        %swap3A_596 = arith.constant 96 : index
        %swap3A_597 = tpu.vector_load %arg9[%swap3A_595, %swap3A_596] {strides = array<i32>} : memref<200x128xf32, #tpu.memory_space<vmem>>, vector<1x16xf32>,
        %swap3A_598 = vector.shape_cast %swap3A_597 : vector<1x16xf32> to vector<16xf32>
        %swap3A_599 = vector.shape_cast %get3A_594 : vector<16xf32> to vector<1x16xf32>
        tpu.vector_store %arg9[%swap3A_595, %swap3A_596], %swap3A_599 {add = true, strides = array<i32>} : memref<200x128xf32, #tpu.memory_space<vmem>>, vector<1x16xf32>,
        %get3A_600 = arith.index_cast %add3A_536 : i32 to index
        %get3A_601 = arith.constant 112 : index
        %get3A_602 = tpu.vector_load %arg6[%get3A_600, %get3A_601] {strides = array<i32>} : memref<200x128xf32, #tpu.memory_space<vmem>>, vector<1x16xf32>,
        %get3A_603 = vector.shape_cast %get3A_602 : vector<1x16xf32> to vector<16xf32>
        %swap3A_604 = arith.index_cast %add3A_536 : i32 to index
        %swap3A_605 = arith.constant 112 : index
        %swap3A_606 = tpu.vector_load %arg9[%swap3A_604, %swap3A_605] {strides = array<i32>} : memref<200x128xf32, #tpu.memory_space<vmem>>, vector<1x16xf32>,
        %swap3A_607 = vector.shape_cast %swap3A_606 : vector<1x16xf32> to vector<16xf32>
        %swap3A_608 = vector.shape_cast %get3A_603 : vector<16xf32> to vector<1x16xf32>
        tpu.vector_store %arg9[%swap3A_604, %swap3A_605], %swap3A_608 {add = true, strides = array<i32>} : memref<200x128xf32, #tpu.memory_space<vmem>>, vector<1x16xf32>,
      }
      %scan3A_201 = arith.constant 50 : i32
      %mul3A_202 = arith.constant 200 : i32
      %mul3A_203 = arith.muli %mul3A_2, %mul3A_202 : i32
      %dma_wait3A_204 = arith.constant 0 : i32
      %dma_wait3A_205 = tpu.memref_slice %arg5[%mul3A_203, %dma_wait3A_204] : memref<819200x128xf32, #tpu.memory_space<hbm>> -> memref<200x128xf32, #tpu.memory_space<hbm>>
      %dma_wait3A_206 = arith.constant 0 : i32
      %dma_wait3A_207 = tpu.memref_slice %arg5[%mul3A_203, %dma_wait3A_206] : memref<819200x128xf32, #tpu.memory_space<hbm>> -> memref<200x128xf32, #tpu.memory_space<hbm>>
      tpu.wait_dma2 semaphore(%arg14 : memref<!tpu.dma_semaphore, #tpu.memory_space<semaphore_mem>>) src(%arg8 : memref<200x128xf32, #tpu.memory_space<vmem>>) dst(%dma_wait3A_207 : memref<200x128xf32, #tpu.memory_space<hbm>>)
      %add3A_208 = arith.constant 1 : i32
      %add3A_209 = arith.addi %mul3A_120, %add3A_208 : i32
      %add3A_210 = arith.constant 2 : i32
      %add3A_211 = arith.addi %add3A_209, %add3A_210 : i32
      %mul3A_212 = arith.constant 200 : i32
      %mul3A_213 = arith.muli %add3A_211, %mul3A_212 : i32
      %add3A_214 = arith.constant 0 : i32
      %add3A_215 = arith.addi %mul3A_213, %add3A_214 : i32
      %dma_start3A_216 = arith.constant 0 : i32
      %dma_start3A_217 = arith.constant 0 : i32
      %dma_start3A_218 = tpu.memref_slice %arg8[%dma_start3A_216, %dma_start3A_217] : memref<200x128xf32, #tpu.memory_space<vmem>> -> memref<104x128xf32, #tpu.memory_space<vmem>>
      %dma_start3A_219 = tpu.memref_slice %arg7[%add3A_215] : memref<25600xi32, #tpu.memory_space<vmem>> -> memref<104xi32, #tpu.memory_space<vmem>>
      %dma_start3A_220 = arith.constant 0 : i32
      %dma_start3A_221 = arith.constant 0 : i32
      %dma_start3A_222 = tpu.memref_slice %arg3[%dma_start3A_220, %dma_start3A_221] : memref<100000x128xf32, #tpu.memory_space<hbm>> -> memref<100000x128xf32, #tpu.memory_space<hbm>>
      tpu.enqueue_indirect_dma source(%dma_start3A_222 : memref<100000x128xf32, #tpu.memory_space<hbm>>) target(%dma_start3A_218 : memref<104x128xf32, #tpu.memory_space<vmem>>) offsets(%dma_start3A_219 : memref<104xi32, #tpu.memory_space<vmem>>) semaphore(%arg11 : memref<!tpu.dma_semaphore, #tpu.memory_space<semaphore_mem>>)
      %mul3A_223 = arith.constant 200 : i32
      %mul3A_224 = arith.muli %add3A_211, %mul3A_223 : i32
      %add3A_225 = arith.constant 104 : i32
      %add3A_226 = arith.addi %mul3A_224, %add3A_225 : i32
      %dma_start3A_227 = arith.constant 104 : i32
      %dma_start3A_228 = arith.constant 0 : i32
      %dma_start3A_229 = tpu.memref_slice %arg8[%dma_start3A_227, %dma_start3A_228] : memref<200x128xf32, #tpu.memory_space<vmem>> -> memref<96x128xf32, #tpu.memory_space<vmem>>
      %dma_start3A_230 = tpu.memref_slice %arg7[%add3A_226] : memref<25600xi32, #tpu.memory_space<vmem>> -> memref<96xi32, #tpu.memory_space<vmem>>
      %dma_start3A_231 = arith.constant 0 : i32
      %dma_start3A_232 = arith.constant 0 : i32
      %dma_start3A_233 = tpu.memref_slice %arg3[%dma_start3A_231, %dma_start3A_232] : memref<100000x128xf32, #tpu.memory_space<hbm>> -> memref<100000x128xf32, #tpu.memory_space<hbm>>
      tpu.enqueue_indirect_dma source(%dma_start3A_233 : memref<100000x128xf32, #tpu.memory_space<hbm>>) target(%dma_start3A_229 : memref<96x128xf32, #tpu.memory_space<vmem>>) offsets(%dma_start3A_230 : memref<96xi32, #tpu.memory_space<vmem>>) semaphore(%arg11 : memref<!tpu.dma_semaphore, #tpu.memory_space<semaphore_mem>>)
      %add3A_234 = arith.constant 1 : i32
      %add3A_235 = arith.addi %mul3A_120, %add3A_234 : i32
      %add3A_236 = arith.addi %mul3A_2, %add3A_235 : i32
      %mul3A_237 = arith.constant 200 : i32
      %mul3A_238 = arith.muli %add3A_236, %mul3A_237 : i32
      %dma_start3A_239 = arith.constant 0 : i32
      %dma_start3A_240 = tpu.memref_slice %arg5[%mul3A_238, %dma_start3A_239] : memref<819200x128xf32, #tpu.memory_space<hbm>> -> memref<200x128xf32, #tpu.memory_space<hbm>>
      %dma_start3A_241 = arith.constant 0 : i32
      %dma_start3A_242 = tpu.memref_slice %arg5[%mul3A_238, %dma_start3A_241] : memref<819200x128xf32, #tpu.memory_space<hbm>> -> memref<200x128xf32, #tpu.memory_space<hbm>>
      tpu.enqueue_dma source(%arg9 : memref<200x128xf32, #tpu.memory_space<vmem>>) target(%dma_start3A_242 : memref<200x128xf32, #tpu.memory_space<hbm>>) target_semaphore(%arg15 : memref<!tpu.dma_semaphore, #tpu.memory_space<semaphore_mem>>)
      %dma_wait3A_243 = arith.constant 0 : i32
      %dma_wait3A_244 = arith.constant 0 : i32
      %dma_wait3A_245 = tpu.memref_slice %arg10[%dma_wait3A_243, %dma_wait3A_244] : memref<200x128xf32, #tpu.memory_space<vmem>> -> memref<104x128xf32, #tpu.memory_space<vmem>>
      %dma_wait3A_246 = arith.constant 0 : i32
      %dma_wait3A_247 = tpu.memref_slice %arg7[%dma_wait3A_246] : memref<25600xi32, #tpu.memory_space<vmem>> -> memref<104xi32, #tpu.memory_space<vmem>>
      %dma_wait3A_248 = arith.constant 0 : i32
      %dma_wait3A_249 = arith.constant 0 : i32
      %dma_wait3A_250 = tpu.memref_slice %arg3[%dma_wait3A_248, %dma_wait3A_249] : memref<100000x128xf32, #tpu.memory_space<hbm>> -> memref<100000x128xf32, #tpu.memory_space<hbm>>
      tpu.wait_indirect_dma semaphore(%arg13 : memref<!tpu.dma_semaphore, #tpu.memory_space<semaphore_mem>>) src(%dma_wait3A_250 : memref<100000x128xf32, #tpu.memory_space<hbm>>) dst(%dma_wait3A_245 : memref<104x128xf32, #tpu.memory_space<vmem>>)
      %dma_wait3A_251 = arith.constant 104 : i32
      %dma_wait3A_252 = arith.constant 0 : i32
      %dma_wait3A_253 = tpu.memref_slice %arg10[%dma_wait3A_251, %dma_wait3A_252] : memref<200x128xf32, #tpu.memory_space<vmem>> -> memref<96x128xf32, #tpu.memory_space<vmem>>
      %dma_wait3A_254 = arith.constant 0 : i32
      %dma_wait3A_255 = tpu.memref_slice %arg7[%dma_wait3A_254] : memref<25600xi32, #tpu.memory_space<vmem>> -> memref<96xi32, #tpu.memory_space<vmem>>
      %dma_wait3A_256 = arith.constant 0 : i32
      %dma_wait3A_257 = arith.constant 0 : i32
      %dma_wait3A_258 = tpu.memref_slice %arg3[%dma_wait3A_256, %dma_wait3A_257] : memref<100000x128xf32, #tpu.memory_space<hbm>> -> memref<100000x128xf32, #tpu.memory_space<hbm>>
      tpu.wait_indirect_dma semaphore(%arg13 : memref<!tpu.dma_semaphore, #tpu.memory_space<semaphore_mem>>) src(%dma_wait3A_258 : memref<100000x128xf32, #tpu.memory_space<hbm>>) dst(%dma_wait3A_253 : memref<96x128xf32, #tpu.memory_space<vmem>>)
      %scan3A_259 = arith.constant 0 : i32
      %scan3A_260 = arith.constant 0 : i32
      %scan3A_261 = arith.constant 50 : i32
      %scan3A_262 = arith.addi %scan3A_260, %scan3A_261 : i32
      %scan3A_263 = arith.constant 1 : i32
      scf.for %scan3A_306 = %scan3A_260 to %scan3A_262 step %scan3A_263  : i32 {
        %mul3A_307 = arith.constant 4 : i32
        %mul3A_308 = arith.muli %scan3A_306, %mul3A_307 : i32
        %add3A_309 = arith.constant 0 : i32
        %add3A_310 = arith.addi %mul3A_308, %add3A_309 : i32
        %get3A = arith.index_cast %add3A_310 : i32 to index
        %get3A_311 = arith.constant 0 : index
        %get3A_312 = tpu.vector_load %arg6[%get3A, %get3A_311] {strides = array<i32>} : memref<200x128xf32, #tpu.memory_space<vmem>>, vector<1x16xf32>,
        %get3A_313 = vector.shape_cast %get3A_312 : vector<1x16xf32> to vector<16xf32>
        %swap3A = arith.index_cast %add3A_310 : i32 to index
        %swap3A_314 = arith.constant 0 : index
        %swap3A_315 = tpu.vector_load %arg10[%swap3A, %swap3A_314] {strides = array<i32>} : memref<200x128xf32, #tpu.memory_space<vmem>>, vector<1x16xf32>,
        %swap3A_316 = vector.shape_cast %swap3A_315 : vector<1x16xf32> to vector<16xf32>
        %swap3A_317 = vector.shape_cast %get3A_313 : vector<16xf32> to vector<1x16xf32>
        tpu.vector_store %arg10[%swap3A, %swap3A_314], %swap3A_317 {add = true, strides = array<i32>} : memref<200x128xf32, #tpu.memory_space<vmem>>, vector<1x16xf32>,
        %get3A_318 = arith.index_cast %add3A_310 : i32 to index
        %get3A_319 = arith.constant 16 : index
        %get3A_320 = tpu.vector_load %arg6[%get3A_318, %get3A_319] {strides = array<i32>} : memref<200x128xf32, #tpu.memory_space<vmem>>, vector<1x16xf32>,
        %get3A_321 = vector.shape_cast %get3A_320 : vector<1x16xf32> to vector<16xf32>
        %swap3A_322 = arith.index_cast %add3A_310 : i32 to index
        %swap3A_323 = arith.constant 16 : index
        %swap3A_324 = tpu.vector_load %arg10[%swap3A_322, %swap3A_323] {strides = array<i32>} : memref<200x128xf32, #tpu.memory_space<vmem>>, vector<1x16xf32>,
        %swap3A_325 = vector.shape_cast %swap3A_324 : vector<1x16xf32> to vector<16xf32>
        %swap3A_326 = vector.shape_cast %get3A_321 : vector<16xf32> to vector<1x16xf32>
        tpu.vector_store %arg10[%swap3A_322, %swap3A_323], %swap3A_326 {add = true, strides = array<i32>} : memref<200x128xf32, #tpu.memory_space<vmem>>, vector<1x16xf32>,
        %get3A_327 = arith.index_cast %add3A_310 : i32 to index
        %get3A_328 = arith.constant 32 : index
        %get3A_329 = tpu.vector_load %arg6[%get3A_327, %get3A_328] {strides = array<i32>} : memref<200x128xf32, #tpu.memory_space<vmem>>, vector<1x16xf32>,
        %get3A_330 = vector.shape_cast %get3A_329 : vector<1x16xf32> to vector<16xf32>
        %swap3A_331 = arith.index_cast %add3A_310 : i32 to index
        %swap3A_332 = arith.constant 32 : index
        %swap3A_333 = tpu.vector_load %arg10[%swap3A_331, %swap3A_332] {strides = array<i32>} : memref<200x128xf32, #tpu.memory_space<vmem>>, vector<1x16xf32>,
        %swap3A_334 = vector.shape_cast %swap3A_333 : vector<1x16xf32> to vector<16xf32>
        %swap3A_335 = vector.shape_cast %get3A_330 : vector<16xf32> to vector<1x16xf32>
        tpu.vector_store %arg10[%swap3A_331, %swap3A_332], %swap3A_335 {add = true, strides = array<i32>} : memref<200x128xf32, #tpu.memory_space<vmem>>, vector<1x16xf32>,
        %get3A_336 = arith.index_cast %add3A_310 : i32 to index
        %get3A_337 = arith.constant 48 : index
        %get3A_338 = tpu.vector_load %arg6[%get3A_336, %get3A_337] {strides = array<i32>} : memref<200x128xf32, #tpu.memory_space<vmem>>, vector<1x16xf32>,
        %get3A_339 = vector.shape_cast %get3A_338 : vector<1x16xf32> to vector<16xf32>
        %swap3A_340 = arith.index_cast %add3A_310 : i32 to index
        %swap3A_341 = arith.constant 48 : index
        %swap3A_342 = tpu.vector_load %arg10[%swap3A_340, %swap3A_341] {strides = array<i32>} : memref<200x128xf32, #tpu.memory_space<vmem>>, vector<1x16xf32>,
        %swap3A_343 = vector.shape_cast %swap3A_342 : vector<1x16xf32> to vector<16xf32>
        %swap3A_344 = vector.shape_cast %get3A_339 : vector<16xf32> to vector<1x16xf32>
        tpu.vector_store %arg10[%swap3A_340, %swap3A_341], %swap3A_344 {add = true, strides = array<i32>} : memref<200x128xf32, #tpu.memory_space<vmem>>, vector<1x16xf32>,
        %get3A_345 = arith.index_cast %add3A_310 : i32 to index
        %get3A_346 = arith.constant 64 : index
        %get3A_347 = tpu.vector_load %arg6[%get3A_345, %get3A_346] {strides = array<i32>} : memref<200x128xf32, #tpu.memory_space<vmem>>, vector<1x16xf32>,
        %get3A_348 = vector.shape_cast %get3A_347 : vector<1x16xf32> to vector<16xf32>
        %swap3A_349 = arith.index_cast %add3A_310 : i32 to index
        %swap3A_350 = arith.constant 64 : index
        %swap3A_351 = tpu.vector_load %arg10[%swap3A_349, %swap3A_350] {strides = array<i32>} : memref<200x128xf32, #tpu.memory_space<vmem>>, vector<1x16xf32>,
        %swap3A_352 = vector.shape_cast %swap3A_351 : vector<1x16xf32> to vector<16xf32>
        %swap3A_353 = vector.shape_cast %get3A_348 : vector<16xf32> to vector<1x16xf32>
        tpu.vector_store %arg10[%swap3A_349, %swap3A_350], %swap3A_353 {add = true, strides = array<i32>} : memref<200x128xf32, #tpu.memory_space<vmem>>, vector<1x16xf32>,
        %get3A_354 = arith.index_cast %add3A_310 : i32 to index
        %get3A_355 = arith.constant 80 : index
        %get3A_356 = tpu.vector_load %arg6[%get3A_354, %get3A_355] {strides = array<i32>} : memref<200x128xf32, #tpu.memory_space<vmem>>, vector<1x16xf32>,
        %get3A_357 = vector.shape_cast %get3A_356 : vector<1x16xf32> to vector<16xf32>
        %swap3A_358 = arith.index_cast %add3A_310 : i32 to index
        %swap3A_359 = arith.constant 80 : index
        %swap3A_360 = tpu.vector_load %arg10[%swap3A_358, %swap3A_359] {strides = array<i32>} : memref<200x128xf32, #tpu.memory_space<vmem>>, vector<1x16xf32>,
        %swap3A_361 = vector.shape_cast %swap3A_360 : vector<1x16xf32> to vector<16xf32>
        %swap3A_362 = vector.shape_cast %get3A_357 : vector<16xf32> to vector<1x16xf32>
        tpu.vector_store %arg10[%swap3A_358, %swap3A_359], %swap3A_362 {add = true, strides = array<i32>} : memref<200x128xf32, #tpu.memory_space<vmem>>, vector<1x16xf32>,
        %get3A_363 = arith.index_cast %add3A_310 : i32 to index
        %get3A_364 = arith.constant 96 : index
        %get3A_365 = tpu.vector_load %arg6[%get3A_363, %get3A_364] {strides = array<i32>} : memref<200x128xf32, #tpu.memory_space<vmem>>, vector<1x16xf32>,
        %get3A_366 = vector.shape_cast %get3A_365 : vector<1x16xf32> to vector<16xf32>
        %swap3A_367 = arith.index_cast %add3A_310 : i32 to index
        %swap3A_368 = arith.constant 96 : index
        %swap3A_369 = tpu.vector_load %arg10[%swap3A_367, %swap3A_368] {strides = array<i32>} : memref<200x128xf32, #tpu.memory_space<vmem>>, vector<1x16xf32>,
        %swap3A_370 = vector.shape_cast %swap3A_369 : vector<1x16xf32> to vector<16xf32>
        %swap3A_371 = vector.shape_cast %get3A_366 : vector<16xf32> to vector<1x16xf32>
        tpu.vector_store %arg10[%swap3A_367, %swap3A_368], %swap3A_371 {add = true, strides = array<i32>} : memref<200x128xf32, #tpu.memory_space<vmem>>, vector<1x16xf32>,
        %get3A_372 = arith.index_cast %add3A_310 : i32 to index
        %get3A_373 = arith.constant 112 : index
        %get3A_374 = tpu.vector_load %arg6[%get3A_372, %get3A_373] {strides = array<i32>} : memref<200x128xf32, #tpu.memory_space<vmem>>, vector<1x16xf32>,
        %get3A_375 = vector.shape_cast %get3A_374 : vector<1x16xf32> to vector<16xf32>
        %swap3A_376 = arith.index_cast %add3A_310 : i32 to index
        %swap3A_377 = arith.constant 112 : index
        %swap3A_378 = tpu.vector_load %arg10[%swap3A_376, %swap3A_377] {strides = array<i32>} : memref<200x128xf32, #tpu.memory_space<vmem>>, vector<1x16xf32>,
        %swap3A_379 = vector.shape_cast %swap3A_378 : vector<1x16xf32> to vector<16xf32>
        %swap3A_380 = vector.shape_cast %get3A_375 : vector<16xf32> to vector<1x16xf32>
        tpu.vector_store %arg10[%swap3A_376, %swap3A_377], %swap3A_380 {add = true, strides = array<i32>} : memref<200x128xf32, #tpu.memory_space<vmem>>, vector<1x16xf32>,
        %mul3A_381 = arith.constant 4 : i32
        %mul3A_382 = arith.muli %scan3A_306, %mul3A_381 : i32
        %add3A_383 = arith.constant 1 : i32
        %add3A_384 = arith.addi %mul3A_382, %add3A_383 : i32
        %get3A_385 = arith.index_cast %add3A_384 : i32 to index
        %get3A_386 = arith.constant 0 : index
        %get3A_387 = tpu.vector_load %arg6[%get3A_385, %get3A_386] {strides = array<i32>} : memref<200x128xf32, #tpu.memory_space<vmem>>, vector<1x16xf32>,
        %get3A_388 = vector.shape_cast %get3A_387 : vector<1x16xf32> to vector<16xf32>
        %swap3A_389 = arith.index_cast %add3A_384 : i32 to index
        %swap3A_390 = arith.constant 0 : index
        %swap3A_391 = tpu.vector_load %arg10[%swap3A_389, %swap3A_390] {strides = array<i32>} : memref<200x128xf32, #tpu.memory_space<vmem>>, vector<1x16xf32>,
        %swap3A_392 = vector.shape_cast %swap3A_391 : vector<1x16xf32> to vector<16xf32>
        %swap3A_393 = vector.shape_cast %get3A_388 : vector<16xf32> to vector<1x16xf32>
        tpu.vector_store %arg10[%swap3A_389, %swap3A_390], %swap3A_393 {add = true, strides = array<i32>} : memref<200x128xf32, #tpu.memory_space<vmem>>, vector<1x16xf32>,
        %get3A_394 = arith.index_cast %add3A_384 : i32 to index
        %get3A_395 = arith.constant 16 : index
        %get3A_396 = tpu.vector_load %arg6[%get3A_394, %get3A_395] {strides = array<i32>} : memref<200x128xf32, #tpu.memory_space<vmem>>, vector<1x16xf32>,
        %get3A_397 = vector.shape_cast %get3A_396 : vector<1x16xf32> to vector<16xf32>
        %swap3A_398 = arith.index_cast %add3A_384 : i32 to index
        %swap3A_399 = arith.constant 16 : index
        %swap3A_400 = tpu.vector_load %arg10[%swap3A_398, %swap3A_399] {strides = array<i32>} : memref<200x128xf32, #tpu.memory_space<vmem>>, vector<1x16xf32>,
        %swap3A_401 = vector.shape_cast %swap3A_400 : vector<1x16xf32> to vector<16xf32>
        %swap3A_402 = vector.shape_cast %get3A_397 : vector<16xf32> to vector<1x16xf32>
        tpu.vector_store %arg10[%swap3A_398, %swap3A_399], %swap3A_402 {add = true, strides = array<i32>} : memref<200x128xf32, #tpu.memory_space<vmem>>, vector<1x16xf32>,
        %get3A_403 = arith.index_cast %add3A_384 : i32 to index
        %get3A_404 = arith.constant 32 : index
        %get3A_405 = tpu.vector_load %arg6[%get3A_403, %get3A_404] {strides = array<i32>} : memref<200x128xf32, #tpu.memory_space<vmem>>, vector<1x16xf32>,
        %get3A_406 = vector.shape_cast %get3A_405 : vector<1x16xf32> to vector<16xf32>
        %swap3A_407 = arith.index_cast %add3A_384 : i32 to index
        %swap3A_408 = arith.constant 32 : index
        %swap3A_409 = tpu.vector_load %arg10[%swap3A_407, %swap3A_408] {strides = array<i32>} : memref<200x128xf32, #tpu.memory_space<vmem>>, vector<1x16xf32>,
        %swap3A_410 = vector.shape_cast %swap3A_409 : vector<1x16xf32> to vector<16xf32>
        %swap3A_411 = vector.shape_cast %get3A_406 : vector<16xf32> to vector<1x16xf32>
        tpu.vector_store %arg10[%swap3A_407, %swap3A_408], %swap3A_411 {add = true, strides = array<i32>} : memref<200x128xf32, #tpu.memory_space<vmem>>, vector<1x16xf32>,
        %get3A_412 = arith.index_cast %add3A_384 : i32 to index
        %get3A_413 = arith.constant 48 : index
        %get3A_414 = tpu.vector_load %arg6[%get3A_412, %get3A_413] {strides = array<i32>} : memref<200x128xf32, #tpu.memory_space<vmem>>, vector<1x16xf32>,
        %get3A_415 = vector.shape_cast %get3A_414 : vector<1x16xf32> to vector<16xf32>
        %swap3A_416 = arith.index_cast %add3A_384 : i32 to index
        %swap3A_417 = arith.constant 48 : index
        %swap3A_418 = tpu.vector_load %arg10[%swap3A_416, %swap3A_417] {strides = array<i32>} : memref<200x128xf32, #tpu.memory_space<vmem>>, vector<1x16xf32>,
        %swap3A_419 = vector.shape_cast %swap3A_418 : vector<1x16xf32> to vector<16xf32>
        %swap3A_420 = vector.shape_cast %get3A_415 : vector<16xf32> to vector<1x16xf32>
        tpu.vector_store %arg10[%swap3A_416, %swap3A_417], %swap3A_420 {add = true, strides = array<i32>} : memref<200x128xf32, #tpu.memory_space<vmem>>, vector<1x16xf32>,
        %get3A_421 = arith.index_cast %add3A_384 : i32 to index
        %get3A_422 = arith.constant 64 : index
        %get3A_423 = tpu.vector_load %arg6[%get3A_421, %get3A_422] {strides = array<i32>} : memref<200x128xf32, #tpu.memory_space<vmem>>, vector<1x16xf32>,
        %get3A_424 = vector.shape_cast %get3A_423 : vector<1x16xf32> to vector<16xf32>
        %swap3A_425 = arith.index_cast %add3A_384 : i32 to index
        %swap3A_426 = arith.constant 64 : index
        %swap3A_427 = tpu.vector_load %arg10[%swap3A_425, %swap3A_426] {strides = array<i32>} : memref<200x128xf32, #tpu.memory_space<vmem>>, vector<1x16xf32>,
        %swap3A_428 = vector.shape_cast %swap3A_427 : vector<1x16xf32> to vector<16xf32>
        %swap3A_429 = vector.shape_cast %get3A_424 : vector<16xf32> to vector<1x16xf32>
        tpu.vector_store %arg10[%swap3A_425, %swap3A_426], %swap3A_429 {add = true, strides = array<i32>} : memref<200x128xf32, #tpu.memory_space<vmem>>, vector<1x16xf32>,
        %get3A_430 = arith.index_cast %add3A_384 : i32 to index
        %get3A_431 = arith.constant 80 : index
        %get3A_432 = tpu.vector_load %arg6[%get3A_430, %get3A_431] {strides = array<i32>} : memref<200x128xf32, #tpu.memory_space<vmem>>, vector<1x16xf32>,
        %get3A_433 = vector.shape_cast %get3A_432 : vector<1x16xf32> to vector<16xf32>
        %swap3A_434 = arith.index_cast %add3A_384 : i32 to index
        %swap3A_435 = arith.constant 80 : index
        %swap3A_436 = tpu.vector_load %arg10[%swap3A_434, %swap3A_435] {strides = array<i32>} : memref<200x128xf32, #tpu.memory_space<vmem>>, vector<1x16xf32>,
        %swap3A_437 = vector.shape_cast %swap3A_436 : vector<1x16xf32> to vector<16xf32>
        %swap3A_438 = vector.shape_cast %get3A_433 : vector<16xf32> to vector<1x16xf32>
        tpu.vector_store %arg10[%swap3A_434, %swap3A_435], %swap3A_438 {add = true, strides = array<i32>} : memref<200x128xf32, #tpu.memory_space<vmem>>, vector<1x16xf32>,
        %get3A_439 = arith.index_cast %add3A_384 : i32 to index
        %get3A_440 = arith.constant 96 : index
        %get3A_441 = tpu.vector_load %arg6[%get3A_439, %get3A_440] {strides = array<i32>} : memref<200x128xf32, #tpu.memory_space<vmem>>, vector<1x16xf32>,
        %get3A_442 = vector.shape_cast %get3A_441 : vector<1x16xf32> to vector<16xf32>
        %swap3A_443 = arith.index_cast %add3A_384 : i32 to index
        %swap3A_444 = arith.constant 96 : index
        %swap3A_445 = tpu.vector_load %arg10[%swap3A_443, %swap3A_444] {strides = array<i32>} : memref<200x128xf32, #tpu.memory_space<vmem>>, vector<1x16xf32>,
        %swap3A_446 = vector.shape_cast %swap3A_445 : vector<1x16xf32> to vector<16xf32>
        %swap3A_447 = vector.shape_cast %get3A_442 : vector<16xf32> to vector<1x16xf32>
        tpu.vector_store %arg10[%swap3A_443, %swap3A_444], %swap3A_447 {add = true, strides = array<i32>} : memref<200x128xf32, #tpu.memory_space<vmem>>, vector<1x16xf32>,
        %get3A_448 = arith.index_cast %add3A_384 : i32 to index
        %get3A_449 = arith.constant 112 : index
        %get3A_450 = tpu.vector_load %arg6[%get3A_448, %get3A_449] {strides = array<i32>} : memref<200x128xf32, #tpu.memory_space<vmem>>, vector<1x16xf32>,
        %get3A_451 = vector.shape_cast %get3A_450 : vector<1x16xf32> to vector<16xf32>
        %swap3A_452 = arith.index_cast %add3A_384 : i32 to index
        %swap3A_453 = arith.constant 112 : index
        %swap3A_454 = tpu.vector_load %arg10[%swap3A_452, %swap3A_453] {strides = array<i32>} : memref<200x128xf32, #tpu.memory_space<vmem>>, vector<1x16xf32>,
        %swap3A_455 = vector.shape_cast %swap3A_454 : vector<1x16xf32> to vector<16xf32>
        %swap3A_456 = vector.shape_cast %get3A_451 : vector<16xf32> to vector<1x16xf32>
        tpu.vector_store %arg10[%swap3A_452, %swap3A_453], %swap3A_456 {add = true, strides = array<i32>} : memref<200x128xf32, #tpu.memory_space<vmem>>, vector<1x16xf32>,
        %mul3A_457 = arith.constant 4 : i32
        %mul3A_458 = arith.muli %scan3A_306, %mul3A_457 : i32
        %add3A_459 = arith.constant 2 : i32
        %add3A_460 = arith.addi %mul3A_458, %add3A_459 : i32
        %get3A_461 = arith.index_cast %add3A_460 : i32 to index
        %get3A_462 = arith.constant 0 : index
        %get3A_463 = tpu.vector_load %arg6[%get3A_461, %get3A_462] {strides = array<i32>} : memref<200x128xf32, #tpu.memory_space<vmem>>, vector<1x16xf32>,
        %get3A_464 = vector.shape_cast %get3A_463 : vector<1x16xf32> to vector<16xf32>
        %swap3A_465 = arith.index_cast %add3A_460 : i32 to index
        %swap3A_466 = arith.constant 0 : index
        %swap3A_467 = tpu.vector_load %arg10[%swap3A_465, %swap3A_466] {strides = array<i32>} : memref<200x128xf32, #tpu.memory_space<vmem>>, vector<1x16xf32>,
        %swap3A_468 = vector.shape_cast %swap3A_467 : vector<1x16xf32> to vector<16xf32>
        %swap3A_469 = vector.shape_cast %get3A_464 : vector<16xf32> to vector<1x16xf32>
        tpu.vector_store %arg10[%swap3A_465, %swap3A_466], %swap3A_469 {add = true, strides = array<i32>} : memref<200x128xf32, #tpu.memory_space<vmem>>, vector<1x16xf32>,
        %get3A_470 = arith.index_cast %add3A_460 : i32 to index
        %get3A_471 = arith.constant 16 : index
        %get3A_472 = tpu.vector_load %arg6[%get3A_470, %get3A_471] {strides = array<i32>} : memref<200x128xf32, #tpu.memory_space<vmem>>, vector<1x16xf32>,
        %get3A_473 = vector.shape_cast %get3A_472 : vector<1x16xf32> to vector<16xf32>
        %swap3A_474 = arith.index_cast %add3A_460 : i32 to index
        %swap3A_475 = arith.constant 16 : index
        %swap3A_476 = tpu.vector_load %arg10[%swap3A_474, %swap3A_475] {strides = array<i32>} : memref<200x128xf32, #tpu.memory_space<vmem>>, vector<1x16xf32>,
        %swap3A_477 = vector.shape_cast %swap3A_476 : vector<1x16xf32> to vector<16xf32>
        %swap3A_478 = vector.shape_cast %get3A_473 : vector<16xf32> to vector<1x16xf32>
        tpu.vector_store %arg10[%swap3A_474, %swap3A_475], %swap3A_478 {add = true, strides = array<i32>} : memref<200x128xf32, #tpu.memory_space<vmem>>, vector<1x16xf32>,
        %get3A_479 = arith.index_cast %add3A_460 : i32 to index
        %get3A_480 = arith.constant 32 : index
        %get3A_481 = tpu.vector_load %arg6[%get3A_479, %get3A_480] {strides = array<i32>} : memref<200x128xf32, #tpu.memory_space<vmem>>, vector<1x16xf32>,
        %get3A_482 = vector.shape_cast %get3A_481 : vector<1x16xf32> to vector<16xf32>
        %swap3A_483 = arith.index_cast %add3A_460 : i32 to index
        %swap3A_484 = arith.constant 32 : index
        %swap3A_485 = tpu.vector_load %arg10[%swap3A_483, %swap3A_484] {strides = array<i32>} : memref<200x128xf32, #tpu.memory_space<vmem>>, vector<1x16xf32>,
        %swap3A_486 = vector.shape_cast %swap3A_485 : vector<1x16xf32> to vector<16xf32>
        %swap3A_487 = vector.shape_cast %get3A_482 : vector<16xf32> to vector<1x16xf32>
        tpu.vector_store %arg10[%swap3A_483, %swap3A_484], %swap3A_487 {add = true, strides = array<i32>} : memref<200x128xf32, #tpu.memory_space<vmem>>, vector<1x16xf32>,
        %get3A_488 = arith.index_cast %add3A_460 : i32 to index
        %get3A_489 = arith.constant 48 : index
        %get3A_490 = tpu.vector_load %arg6[%get3A_488, %get3A_489] {strides = array<i32>} : memref<200x128xf32, #tpu.memory_space<vmem>>, vector<1x16xf32>,
        %get3A_491 = vector.shape_cast %get3A_490 : vector<1x16xf32> to vector<16xf32>
        %swap3A_492 = arith.index_cast %add3A_460 : i32 to index
        %swap3A_493 = arith.constant 48 : index
        %swap3A_494 = tpu.vector_load %arg10[%swap3A_492, %swap3A_493] {strides = array<i32>} : memref<200x128xf32, #tpu.memory_space<vmem>>, vector<1x16xf32>,
        %swap3A_495 = vector.shape_cast %swap3A_494 : vector<1x16xf32> to vector<16xf32>
        %swap3A_496 = vector.shape_cast %get3A_491 : vector<16xf32> to vector<1x16xf32>
        tpu.vector_store %arg10[%swap3A_492, %swap3A_493], %swap3A_496 {add = true, strides = array<i32>} : memref<200x128xf32, #tpu.memory_space<vmem>>, vector<1x16xf32>,
        %get3A_497 = arith.index_cast %add3A_460 : i32 to index
        %get3A_498 = arith.constant 64 : index
        %get3A_499 = tpu.vector_load %arg6[%get3A_497, %get3A_498] {strides = array<i32>} : memref<200x128xf32, #tpu.memory_space<vmem>>, vector<1x16xf32>,
        %get3A_500 = vector.shape_cast %get3A_499 : vector<1x16xf32> to vector<16xf32>
        %swap3A_501 = arith.index_cast %add3A_460 : i32 to index
        %swap3A_502 = arith.constant 64 : index
        %swap3A_503 = tpu.vector_load %arg10[%swap3A_501, %swap3A_502] {strides = array<i32>} : memref<200x128xf32, #tpu.memory_space<vmem>>, vector<1x16xf32>,
        %swap3A_504 = vector.shape_cast %swap3A_503 : vector<1x16xf32> to vector<16xf32>
        %swap3A_505 = vector.shape_cast %get3A_500 : vector<16xf32> to vector<1x16xf32>
        tpu.vector_store %arg10[%swap3A_501, %swap3A_502], %swap3A_505 {add = true, strides = array<i32>} : memref<200x128xf32, #tpu.memory_space<vmem>>, vector<1x16xf32>,
        %get3A_506 = arith.index_cast %add3A_460 : i32 to index
        %get3A_507 = arith.constant 80 : index
        %get3A_508 = tpu.vector_load %arg6[%get3A_506, %get3A_507] {strides = array<i32>} : memref<200x128xf32, #tpu.memory_space<vmem>>, vector<1x16xf32>,
        %get3A_509 = vector.shape_cast %get3A_508 : vector<1x16xf32> to vector<16xf32>
        %swap3A_510 = arith.index_cast %add3A_460 : i32 to index
        %swap3A_511 = arith.constant 80 : index
        %swap3A_512 = tpu.vector_load %arg10[%swap3A_510, %swap3A_511] {strides = array<i32>} : memref<200x128xf32, #tpu.memory_space<vmem>>, vector<1x16xf32>,
        %swap3A_513 = vector.shape_cast %swap3A_512 : vector<1x16xf32> to vector<16xf32>
        %swap3A_514 = vector.shape_cast %get3A_509 : vector<16xf32> to vector<1x16xf32>
        tpu.vector_store %arg10[%swap3A_510, %swap3A_511], %swap3A_514 {add = true, strides = array<i32>} : memref<200x128xf32, #tpu.memory_space<vmem>>, vector<1x16xf32>,
        %get3A_515 = arith.index_cast %add3A_460 : i32 to index
        %get3A_516 = arith.constant 96 : index
        %get3A_517 = tpu.vector_load %arg6[%get3A_515, %get3A_516] {strides = array<i32>} : memref<200x128xf32, #tpu.memory_space<vmem>>, vector<1x16xf32>,
        %get3A_518 = vector.shape_cast %get3A_517 : vector<1x16xf32> to vector<16xf32>
        %swap3A_519 = arith.index_cast %add3A_460 : i32 to index
        %swap3A_520 = arith.constant 96 : index
        %swap3A_521 = tpu.vector_load %arg10[%swap3A_519, %swap3A_520] {strides = array<i32>} : memref<200x128xf32, #tpu.memory_space<vmem>>, vector<1x16xf32>,
        %swap3A_522 = vector.shape_cast %swap3A_521 : vector<1x16xf32> to vector<16xf32>
        %swap3A_523 = vector.shape_cast %get3A_518 : vector<16xf32> to vector<1x16xf32>
        tpu.vector_store %arg10[%swap3A_519, %swap3A_520], %swap3A_523 {add = true, strides = array<i32>} : memref<200x128xf32, #tpu.memory_space<vmem>>, vector<1x16xf32>,
        %get3A_524 = arith.index_cast %add3A_460 : i32 to index
        %get3A_525 = arith.constant 112 : index
        %get3A_526 = tpu.vector_load %arg6[%get3A_524, %get3A_525] {strides = array<i32>} : memref<200x128xf32, #tpu.memory_space<vmem>>, vector<1x16xf32>,
        %get3A_527 = vector.shape_cast %get3A_526 : vector<1x16xf32> to vector<16xf32>
        %swap3A_528 = arith.index_cast %add3A_460 : i32 to index
        %swap3A_529 = arith.constant 112 : index
        %swap3A_530 = tpu.vector_load %arg10[%swap3A_528, %swap3A_529] {strides = array<i32>} : memref<200x128xf32, #tpu.memory_space<vmem>>, vector<1x16xf32>,
        %swap3A_531 = vector.shape_cast %swap3A_530 : vector<1x16xf32> to vector<16xf32>
        %swap3A_532 = vector.shape_cast %get3A_527 : vector<16xf32> to vector<1x16xf32>
        tpu.vector_store %arg10[%swap3A_528, %swap3A_529], %swap3A_532 {add = true, strides = array<i32>} : memref<200x128xf32, #tpu.memory_space<vmem>>, vector<1x16xf32>,
        %mul3A_533 = arith.constant 4 : i32
        %mul3A_534 = arith.muli %scan3A_306, %mul3A_533 : i32
        %add3A_535 = arith.constant 3 : i32
        %add3A_536 = arith.addi %mul3A_534, %add3A_535 : i32
        %get3A_537 = arith.index_cast %add3A_536 : i32 to index
        %get3A_538 = arith.constant 0 : index
        %get3A_539 = tpu.vector_load %arg6[%get3A_537, %get3A_538] {strides = array<i32>} : memref<200x128xf32, #tpu.memory_space<vmem>>, vector<1x16xf32>,
        %get3A_540 = vector.shape_cast %get3A_539 : vector<1x16xf32> to vector<16xf32>
        %swap3A_541 = arith.index_cast %add3A_536 : i32 to index
        %swap3A_542 = arith.constant 0 : index
        %swap3A_543 = tpu.vector_load %arg10[%swap3A_541, %swap3A_542] {strides = array<i32>} : memref<200x128xf32, #tpu.memory_space<vmem>>, vector<1x16xf32>,
        %swap3A_544 = vector.shape_cast %swap3A_543 : vector<1x16xf32> to vector<16xf32>
        %swap3A_545 = vector.shape_cast %get3A_540 : vector<16xf32> to vector<1x16xf32>
        tpu.vector_store %arg10[%swap3A_541, %swap3A_542], %swap3A_545 {add = true, strides = array<i32>} : memref<200x128xf32, #tpu.memory_space<vmem>>, vector<1x16xf32>,
        %get3A_546 = arith.index_cast %add3A_536 : i32 to index
        %get3A_547 = arith.constant 16 : index
        %get3A_548 = tpu.vector_load %arg6[%get3A_546, %get3A_547] {strides = array<i32>} : memref<200x128xf32, #tpu.memory_space<vmem>>, vector<1x16xf32>,
        %get3A_549 = vector.shape_cast %get3A_548 : vector<1x16xf32> to vector<16xf32>
        %swap3A_550 = arith.index_cast %add3A_536 : i32 to index
        %swap3A_551 = arith.constant 16 : index
        %swap3A_552 = tpu.vector_load %arg10[%swap3A_550, %swap3A_551] {strides = array<i32>} : memref<200x128xf32, #tpu.memory_space<vmem>>, vector<1x16xf32>,
        %swap3A_553 = vector.shape_cast %swap3A_552 : vector<1x16xf32> to vector<16xf32>
        %swap3A_554 = vector.shape_cast %get3A_549 : vector<16xf32> to vector<1x16xf32>
        tpu.vector_store %arg10[%swap3A_550, %swap3A_551], %swap3A_554 {add = true, strides = array<i32>} : memref<200x128xf32, #tpu.memory_space<vmem>>, vector<1x16xf32>,
        %get3A_555 = arith.index_cast %add3A_536 : i32 to index
        %get3A_556 = arith.constant 32 : index
        %get3A_557 = tpu.vector_load %arg6[%get3A_555, %get3A_556] {strides = array<i32>} : memref<200x128xf32, #tpu.memory_space<vmem>>, vector<1x16xf32>,
        %get3A_558 = vector.shape_cast %get3A_557 : vector<1x16xf32> to vector<16xf32>
        %swap3A_559 = arith.index_cast %add3A_536 : i32 to index
        %swap3A_560 = arith.constant 32 : index
        %swap3A_561 = tpu.vector_load %arg10[%swap3A_559, %swap3A_560] {strides = array<i32>} : memref<200x128xf32, #tpu.memory_space<vmem>>, vector<1x16xf32>,
        %swap3A_562 = vector.shape_cast %swap3A_561 : vector<1x16xf32> to vector<16xf32>
        %swap3A_563 = vector.shape_cast %get3A_558 : vector<16xf32> to vector<1x16xf32>
        tpu.vector_store %arg10[%swap3A_559, %swap3A_560], %swap3A_563 {add = true, strides = array<i32>} : memref<200x128xf32, #tpu.memory_space<vmem>>, vector<1x16xf32>,
        %get3A_564 = arith.index_cast %add3A_536 : i32 to index
        %get3A_565 = arith.constant 48 : index
        %get3A_566 = tpu.vector_load %arg6[%get3A_564, %get3A_565] {strides = array<i32>} : memref<200x128xf32, #tpu.memory_space<vmem>>, vector<1x16xf32>,
        %get3A_567 = vector.shape_cast %get3A_566 : vector<1x16xf32> to vector<16xf32>
        %swap3A_568 = arith.index_cast %add3A_536 : i32 to index
        %swap3A_569 = arith.constant 48 : index
        %swap3A_570 = tpu.vector_load %arg10[%swap3A_568, %swap3A_569] {strides = array<i32>} : memref<200x128xf32, #tpu.memory_space<vmem>>, vector<1x16xf32>,
        %swap3A_571 = vector.shape_cast %swap3A_570 : vector<1x16xf32> to vector<16xf32>
        %swap3A_572 = vector.shape_cast %get3A_567 : vector<16xf32> to vector<1x16xf32>
        tpu.vector_store %arg10[%swap3A_568, %swap3A_569], %swap3A_572 {add = true, strides = array<i32>} : memref<200x128xf32, #tpu.memory_space<vmem>>, vector<1x16xf32>,
        %get3A_573 = arith.index_cast %add3A_536 : i32 to index
        %get3A_574 = arith.constant 64 : index
        %get3A_575 = tpu.vector_load %arg6[%get3A_573, %get3A_574] {strides = array<i32>} : memref<200x128xf32, #tpu.memory_space<vmem>>, vector<1x16xf32>,
        %get3A_576 = vector.shape_cast %get3A_575 : vector<1x16xf32> to vector<16xf32>
        %swap3A_577 = arith.index_cast %add3A_536 : i32 to index
        %swap3A_578 = arith.constant 64 : index
        %swap3A_579 = tpu.vector_load %arg10[%swap3A_577, %swap3A_578] {strides = array<i32>} : memref<200x128xf32, #tpu.memory_space<vmem>>, vector<1x16xf32>,
        %swap3A_580 = vector.shape_cast %swap3A_579 : vector<1x16xf32> to vector<16xf32>
        %swap3A_581 = vector.shape_cast %get3A_576 : vector<16xf32> to vector<1x16xf32>
        tpu.vector_store %arg10[%swap3A_577, %swap3A_578], %swap3A_581 {add = true, strides = array<i32>} : memref<200x128xf32, #tpu.memory_space<vmem>>, vector<1x16xf32>,
        %get3A_582 = arith.index_cast %add3A_536 : i32 to index
        %get3A_583 = arith.constant 80 : index
        %get3A_584 = tpu.vector_load %arg6[%get3A_582, %get3A_583] {strides = array<i32>} : memref<200x128xf32, #tpu.memory_space<vmem>>, vector<1x16xf32>,
        %get3A_585 = vector.shape_cast %get3A_584 : vector<1x16xf32> to vector<16xf32>
        %swap3A_586 = arith.index_cast %add3A_536 : i32 to index
        %swap3A_587 = arith.constant 80 : index
        %swap3A_588 = tpu.vector_load %arg10[%swap3A_586, %swap3A_587] {strides = array<i32>} : memref<200x128xf32, #tpu.memory_space<vmem>>, vector<1x16xf32>,
        %swap3A_589 = vector.shape_cast %swap3A_588 : vector<1x16xf32> to vector<16xf32>
        %swap3A_590 = vector.shape_cast %get3A_585 : vector<16xf32> to vector<1x16xf32>
        tpu.vector_store %arg10[%swap3A_586, %swap3A_587], %swap3A_590 {add = true, strides = array<i32>} : memref<200x128xf32, #tpu.memory_space<vmem>>, vector<1x16xf32>,
        %get3A_591 = arith.index_cast %add3A_536 : i32 to index
        %get3A_592 = arith.constant 96 : index
        %get3A_593 = tpu.vector_load %arg6[%get3A_591, %get3A_592] {strides = array<i32>} : memref<200x128xf32, #tpu.memory_space<vmem>>, vector<1x16xf32>,
        %get3A_594 = vector.shape_cast %get3A_593 : vector<1x16xf32> to vector<16xf32>
        %swap3A_595 = arith.index_cast %add3A_536 : i32 to index
        %swap3A_596 = arith.constant 96 : index
        %swap3A_597 = tpu.vector_load %arg10[%swap3A_595, %swap3A_596] {strides = array<i32>} : memref<200x128xf32, #tpu.memory_space<vmem>>, vector<1x16xf32>,
        %swap3A_598 = vector.shape_cast %swap3A_597 : vector<1x16xf32> to vector<16xf32>
        %swap3A_599 = vector.shape_cast %get3A_594 : vector<16xf32> to vector<1x16xf32>
        tpu.vector_store %arg10[%swap3A_595, %swap3A_596], %swap3A_599 {add = true, strides = array<i32>} : memref<200x128xf32, #tpu.memory_space<vmem>>, vector<1x16xf32>,
        %get3A_600 = arith.index_cast %add3A_536 : i32 to index
        %get3A_601 = arith.constant 112 : index
        %get3A_602 = tpu.vector_load %arg6[%get3A_600, %get3A_601] {strides = array<i32>} : memref<200x128xf32, #tpu.memory_space<vmem>>, vector<1x16xf32>,
        %get3A_603 = vector.shape_cast %get3A_602 : vector<1x16xf32> to vector<16xf32>
        %swap3A_604 = arith.index_cast %add3A_536 : i32 to index
        %swap3A_605 = arith.constant 112 : index
        %swap3A_606 = tpu.vector_load %arg10[%swap3A_604, %swap3A_605] {strides = array<i32>} : memref<200x128xf32, #tpu.memory_space<vmem>>, vector<1x16xf32>,
        %swap3A_607 = vector.shape_cast %swap3A_606 : vector<1x16xf32> to vector<16xf32>
        %swap3A_608 = vector.shape_cast %get3A_603 : vector<16xf32> to vector<1x16xf32>
        tpu.vector_store %arg10[%swap3A_604, %swap3A_605], %swap3A_608 {add = true, strides = array<i32>} : memref<200x128xf32, #tpu.memory_space<vmem>>, vector<1x16xf32>,
      }
      %scan3A_264 = arith.constant 50 : i32
      %mul3A_265 = arith.constant 200 : i32
      %mul3A_266 = arith.muli %mul3A_2, %mul3A_265 : i32
      %dma_wait3A_267 = arith.constant 0 : i32
      %dma_wait3A_268 = tpu.memref_slice %arg5[%mul3A_266, %dma_wait3A_267] : memref<819200x128xf32, #tpu.memory_space<hbm>> -> memref<200x128xf32, #tpu.memory_space<hbm>>
      %dma_wait3A_269 = arith.constant 0 : i32
      %dma_wait3A_270 = tpu.memref_slice %arg5[%mul3A_266, %dma_wait3A_269] : memref<819200x128xf32, #tpu.memory_space<hbm>> -> memref<200x128xf32, #tpu.memory_space<hbm>>
      tpu.wait_dma2 semaphore(%arg15 : memref<!tpu.dma_semaphore, #tpu.memory_space<semaphore_mem>>) src(%arg9 : memref<200x128xf32, #tpu.memory_space<vmem>>) dst(%dma_wait3A_270 : memref<200x128xf32, #tpu.memory_space<hbm>>)
      %add3A_271 = arith.constant 2 : i32
      %add3A_272 = arith.addi %mul3A_120, %add3A_271 : i32
      %add3A_273 = arith.constant 2 : i32
      %add3A_274 = arith.addi %add3A_272, %add3A_273 : i32
      %mul3A_275 = arith.constant 200 : i32
      %mul3A_276 = arith.muli %add3A_274, %mul3A_275 : i32
      %add3A_277 = arith.constant 0 : i32
      %add3A_278 = arith.addi %mul3A_276, %add3A_277 : i32
      %dma_start3A_279 = arith.constant 0 : i32
      %dma_start3A_280 = arith.constant 0 : i32
      %dma_start3A_281 = tpu.memref_slice %arg9[%dma_start3A_279, %dma_start3A_280] : memref<200x128xf32, #tpu.memory_space<vmem>> -> memref<104x128xf32, #tpu.memory_space<vmem>>
      %dma_start3A_282 = tpu.memref_slice %arg7[%add3A_278] : memref<25600xi32, #tpu.memory_space<vmem>> -> memref<104xi32, #tpu.memory_space<vmem>>
      %dma_start3A_283 = arith.constant 0 : i32
      %dma_start3A_284 = arith.constant 0 : i32
      %dma_start3A_285 = tpu.memref_slice %arg3[%dma_start3A_283, %dma_start3A_284] : memref<100000x128xf32, #tpu.memory_space<hbm>> -> memref<100000x128xf32, #tpu.memory_space<hbm>>
      tpu.enqueue_indirect_dma source(%dma_start3A_285 : memref<100000x128xf32, #tpu.memory_space<hbm>>) target(%dma_start3A_281 : memref<104x128xf32, #tpu.memory_space<vmem>>) offsets(%dma_start3A_282 : memref<104xi32, #tpu.memory_space<vmem>>) semaphore(%arg12 : memref<!tpu.dma_semaphore, #tpu.memory_space<semaphore_mem>>)
      %mul3A_286 = arith.constant 200 : i32
      %mul3A_287 = arith.muli %add3A_274, %mul3A_286 : i32
      %add3A_288 = arith.constant 104 : i32
      %add3A_289 = arith.addi %mul3A_287, %add3A_288 : i32
      %dma_start3A_290 = arith.constant 104 : i32
      %dma_start3A_291 = arith.constant 0 : i32
      %dma_start3A_292 = tpu.memref_slice %arg9[%dma_start3A_290, %dma_start3A_291] : memref<200x128xf32, #tpu.memory_space<vmem>> -> memref<96x128xf32, #tpu.memory_space<vmem>>
      %dma_start3A_293 = tpu.memref_slice %arg7[%add3A_289] : memref<25600xi32, #tpu.memory_space<vmem>> -> memref<96xi32, #tpu.memory_space<vmem>>
      %dma_start3A_294 = arith.constant 0 : i32
      %dma_start3A_295 = arith.constant 0 : i32
      %dma_start3A_296 = tpu.memref_slice %arg3[%dma_start3A_294, %dma_start3A_295] : memref<100000x128xf32, #tpu.memory_space<hbm>> -> memref<100000x128xf32, #tpu.memory_space<hbm>>
      tpu.enqueue_indirect_dma source(%dma_start3A_296 : memref<100000x128xf32, #tpu.memory_space<hbm>>) target(%dma_start3A_292 : memref<96x128xf32, #tpu.memory_space<vmem>>) offsets(%dma_start3A_293 : memref<96xi32, #tpu.memory_space<vmem>>) semaphore(%arg12 : memref<!tpu.dma_semaphore, #tpu.memory_space<semaphore_mem>>)
      %add3A_297 = arith.constant 2 : i32
      %add3A_298 = arith.addi %mul3A_120, %add3A_297 : i32
      %add3A_299 = arith.addi %mul3A_2, %add3A_298 : i32
      %mul3A_300 = arith.constant 200 : i32
      %mul3A_301 = arith.muli %add3A_299, %mul3A_300 : i32
      %dma_start3A_302 = arith.constant 0 : i32
      %dma_start3A_303 = tpu.memref_slice %arg5[%mul3A_301, %dma_start3A_302] : memref<819200x128xf32, #tpu.memory_space<hbm>> -> memref<200x128xf32, #tpu.memory_space<hbm>>
      %dma_start3A_304 = arith.constant 0 : i32
      %dma_start3A_305 = tpu.memref_slice %arg5[%mul3A_301, %dma_start3A_304] : memref<819200x128xf32, #tpu.memory_space<hbm>> -> memref<200x128xf32, #tpu.memory_space<hbm>>
      tpu.enqueue_dma source(%arg10 : memref<200x128xf32, #tpu.memory_space<vmem>>) target(%dma_start3A_305 : memref<200x128xf32, #tpu.memory_space<hbm>>) target_semaphore(%arg16 : memref<!tpu.dma_semaphore, #tpu.memory_space<semaphore_mem>>)
    }
    %scan3A_40 = arith.constant 42 : i32
    %dma_wait3A = arith.constant 0 : i32
    %dma_wait3A_41 = arith.constant 0 : i32
    %dma_wait3A_42 = tpu.memref_slice %arg8[%dma_wait3A, %dma_wait3A_41] : memref<200x128xf32, #tpu.memory_space<vmem>> -> memref<104x128xf32, #tpu.memory_space<vmem>>
    %dma_wait3A_43 = arith.constant 0 : i32
    %dma_wait3A_44 = tpu.memref_slice %arg7[%dma_wait3A_43] : memref<25600xi32, #tpu.memory_space<vmem>> -> memref<104xi32, #tpu.memory_space<vmem>>
    %dma_wait3A_45 = arith.constant 0 : i32
    %dma_wait3A_46 = arith.constant 0 : i32
    %dma_wait3A_47 = tpu.memref_slice %arg3[%dma_wait3A_45, %dma_wait3A_46] : memref<100000x128xf32, #tpu.memory_space<hbm>> -> memref<100000x128xf32, #tpu.memory_space<hbm>>
    tpu.wait_indirect_dma semaphore(%arg11 : memref<!tpu.dma_semaphore, #tpu.memory_space<semaphore_mem>>) src(%dma_wait3A_47 : memref<100000x128xf32, #tpu.memory_space<hbm>>) dst(%dma_wait3A_42 : memref<104x128xf32, #tpu.memory_space<vmem>>)
    %dma_wait3A_48 = arith.constant 104 : i32
    %dma_wait3A_49 = arith.constant 0 : i32
    %dma_wait3A_50 = tpu.memref_slice %arg8[%dma_wait3A_48, %dma_wait3A_49] : memref<200x128xf32, #tpu.memory_space<vmem>> -> memref<96x128xf32, #tpu.memory_space<vmem>>
    %dma_wait3A_51 = arith.constant 0 : i32
    %dma_wait3A_52 = tpu.memref_slice %arg7[%dma_wait3A_51] : memref<25600xi32, #tpu.memory_space<vmem>> -> memref<96xi32, #tpu.memory_space<vmem>>
    %dma_wait3A_53 = arith.constant 0 : i32
    %dma_wait3A_54 = arith.constant 0 : i32
    %dma_wait3A_55 = tpu.memref_slice %arg3[%dma_wait3A_53, %dma_wait3A_54] : memref<100000x128xf32, #tpu.memory_space<hbm>> -> memref<100000x128xf32, #tpu.memory_space<hbm>>
    tpu.wait_indirect_dma semaphore(%arg11 : memref<!tpu.dma_semaphore, #tpu.memory_space<semaphore_mem>>) src(%dma_wait3A_55 : memref<100000x128xf32, #tpu.memory_space<hbm>>) dst(%dma_wait3A_50 : memref<96x128xf32, #tpu.memory_space<vmem>>)
    %scan3A_56 = arith.constant 0 : i32
    %scan3A_57 = arith.constant 0 : i32
    %scan3A_58 = arith.constant 50 : i32
    %scan3A_59 = arith.addi %scan3A_57, %scan3A_58 : i32
    %scan3A_60 = arith.constant 1 : i32
    scf.for %scan3A_118 = %scan3A_57 to %scan3A_59 step %scan3A_60  : i32 {
      %mul3A_119 = arith.constant 4 : i32
      %mul3A_120 = arith.muli %scan3A_118, %mul3A_119 : i32
      %add3A_121 = arith.constant 0 : i32
      %add3A_122 = arith.addi %mul3A_120, %add3A_121 : i32
      %get3A = arith.index_cast %add3A_122 : i32 to index
      %get3A_123 = arith.constant 0 : index
      %get3A_124 = tpu.vector_load %arg6[%get3A, %get3A_123] {strides = array<i32>} : memref<200x128xf32, #tpu.memory_space<vmem>>, vector<1x16xf32>,
      %get3A_125 = vector.shape_cast %get3A_124 : vector<1x16xf32> to vector<16xf32>
      %swap3A = arith.index_cast %add3A_122 : i32 to index
      %swap3A_126 = arith.constant 0 : index
      %swap3A_127 = tpu.vector_load %arg8[%swap3A, %swap3A_126] {strides = array<i32>} : memref<200x128xf32, #tpu.memory_space<vmem>>, vector<1x16xf32>,
      %swap3A_128 = vector.shape_cast %swap3A_127 : vector<1x16xf32> to vector<16xf32>
      %swap3A_129 = vector.shape_cast %get3A_125 : vector<16xf32> to vector<1x16xf32>
      tpu.vector_store %arg8[%swap3A, %swap3A_126], %swap3A_129 {add = true, strides = array<i32>} : memref<200x128xf32, #tpu.memory_space<vmem>>, vector<1x16xf32>,
      %get3A_130 = arith.index_cast %add3A_122 : i32 to index
      %get3A_131 = arith.constant 16 : index
      %get3A_132 = tpu.vector_load %arg6[%get3A_130, %get3A_131] {strides = array<i32>} : memref<200x128xf32, #tpu.memory_space<vmem>>, vector<1x16xf32>,
      %get3A_133 = vector.shape_cast %get3A_132 : vector<1x16xf32> to vector<16xf32>
      %swap3A_134 = arith.index_cast %add3A_122 : i32 to index
      %swap3A_135 = arith.constant 16 : index
      %swap3A_136 = tpu.vector_load %arg8[%swap3A_134, %swap3A_135] {strides = array<i32>} : memref<200x128xf32, #tpu.memory_space<vmem>>, vector<1x16xf32>,
      %swap3A_137 = vector.shape_cast %swap3A_136 : vector<1x16xf32> to vector<16xf32>
      %swap3A_138 = vector.shape_cast %get3A_133 : vector<16xf32> to vector<1x16xf32>
      tpu.vector_store %arg8[%swap3A_134, %swap3A_135], %swap3A_138 {add = true, strides = array<i32>} : memref<200x128xf32, #tpu.memory_space<vmem>>, vector<1x16xf32>,
      %get3A_139 = arith.index_cast %add3A_122 : i32 to index
      %get3A_140 = arith.constant 32 : index
      %get3A_141 = tpu.vector_load %arg6[%get3A_139, %get3A_140] {strides = array<i32>} : memref<200x128xf32, #tpu.memory_space<vmem>>, vector<1x16xf32>,
      %get3A_142 = vector.shape_cast %get3A_141 : vector<1x16xf32> to vector<16xf32>
      %swap3A_143 = arith.index_cast %add3A_122 : i32 to index
      %swap3A_144 = arith.constant 32 : index
      %swap3A_145 = tpu.vector_load %arg8[%swap3A_143, %swap3A_144] {strides = array<i32>} : memref<200x128xf32, #tpu.memory_space<vmem>>, vector<1x16xf32>,
      %swap3A_146 = vector.shape_cast %swap3A_145 : vector<1x16xf32> to vector<16xf32>
      %swap3A_147 = vector.shape_cast %get3A_142 : vector<16xf32> to vector<1x16xf32>
      tpu.vector_store %arg8[%swap3A_143, %swap3A_144], %swap3A_147 {add = true, strides = array<i32>} : memref<200x128xf32, #tpu.memory_space<vmem>>, vector<1x16xf32>,
      %get3A_148 = arith.index_cast %add3A_122 : i32 to index
      %get3A_149 = arith.constant 48 : index
      %get3A_150 = tpu.vector_load %arg6[%get3A_148, %get3A_149] {strides = array<i32>} : memref<200x128xf32, #tpu.memory_space<vmem>>, vector<1x16xf32>,
      %get3A_151 = vector.shape_cast %get3A_150 : vector<1x16xf32> to vector<16xf32>
      %swap3A_152 = arith.index_cast %add3A_122 : i32 to index
      %swap3A_153 = arith.constant 48 : index
      %swap3A_154 = tpu.vector_load %arg8[%swap3A_152, %swap3A_153] {strides = array<i32>} : memref<200x128xf32, #tpu.memory_space<vmem>>, vector<1x16xf32>,
      %swap3A_155 = vector.shape_cast %swap3A_154 : vector<1x16xf32> to vector<16xf32>
      %swap3A_156 = vector.shape_cast %get3A_151 : vector<16xf32> to vector<1x16xf32>
      tpu.vector_store %arg8[%swap3A_152, %swap3A_153], %swap3A_156 {add = true, strides = array<i32>} : memref<200x128xf32, #tpu.memory_space<vmem>>, vector<1x16xf32>,
      %get3A_157 = arith.index_cast %add3A_122 : i32 to index
      %get3A_158 = arith.constant 64 : index
      %get3A_159 = tpu.vector_load %arg6[%get3A_157, %get3A_158] {strides = array<i32>} : memref<200x128xf32, #tpu.memory_space<vmem>>, vector<1x16xf32>,
      %get3A_160 = vector.shape_cast %get3A_159 : vector<1x16xf32> to vector<16xf32>
      %swap3A_161 = arith.index_cast %add3A_122 : i32 to index
      %swap3A_162 = arith.constant 64 : index
      %swap3A_163 = tpu.vector_load %arg8[%swap3A_161, %swap3A_162] {strides = array<i32>} : memref<200x128xf32, #tpu.memory_space<vmem>>, vector<1x16xf32>,
      %swap3A_164 = vector.shape_cast %swap3A_163 : vector<1x16xf32> to vector<16xf32>
      %swap3A_165 = vector.shape_cast %get3A_160 : vector<16xf32> to vector<1x16xf32>
      tpu.vector_store %arg8[%swap3A_161, %swap3A_162], %swap3A_165 {add = true, strides = array<i32>} : memref<200x128xf32, #tpu.memory_space<vmem>>, vector<1x16xf32>,
      %get3A_166 = arith.index_cast %add3A_122 : i32 to index
      %get3A_167 = arith.constant 80 : index
      %get3A_168 = tpu.vector_load %arg6[%get3A_166, %get3A_167] {strides = array<i32>} : memref<200x128xf32, #tpu.memory_space<vmem>>, vector<1x16xf32>,
      %get3A_169 = vector.shape_cast %get3A_168 : vector<1x16xf32> to vector<16xf32>
      %swap3A_170 = arith.index_cast %add3A_122 : i32 to index
      %swap3A_171 = arith.constant 80 : index
      %swap3A_172 = tpu.vector_load %arg8[%swap3A_170, %swap3A_171] {strides = array<i32>} : memref<200x128xf32, #tpu.memory_space<vmem>>, vector<1x16xf32>,
      %swap3A_173 = vector.shape_cast %swap3A_172 : vector<1x16xf32> to vector<16xf32>
      %swap3A_174 = vector.shape_cast %get3A_169 : vector<16xf32> to vector<1x16xf32>
      tpu.vector_store %arg8[%swap3A_170, %swap3A_171], %swap3A_174 {add = true, strides = array<i32>} : memref<200x128xf32, #tpu.memory_space<vmem>>, vector<1x16xf32>,
      %get3A_175 = arith.index_cast %add3A_122 : i32 to index
      %get3A_176 = arith.constant 96 : index
      %get3A_177 = tpu.vector_load %arg6[%get3A_175, %get3A_176] {strides = array<i32>} : memref<200x128xf32, #tpu.memory_space<vmem>>, vector<1x16xf32>,
      %get3A_178 = vector.shape_cast %get3A_177 : vector<1x16xf32> to vector<16xf32>
      %swap3A_179 = arith.index_cast %add3A_122 : i32 to index
      %swap3A_180 = arith.constant 96 : index
      %swap3A_181 = tpu.vector_load %arg8[%swap3A_179, %swap3A_180] {strides = array<i32>} : memref<200x128xf32, #tpu.memory_space<vmem>>, vector<1x16xf32>,
      %swap3A_182 = vector.shape_cast %swap3A_181 : vector<1x16xf32> to vector<16xf32>
      %swap3A_183 = vector.shape_cast %get3A_178 : vector<16xf32> to vector<1x16xf32>
      tpu.vector_store %arg8[%swap3A_179, %swap3A_180], %swap3A_183 {add = true, strides = array<i32>} : memref<200x128xf32, #tpu.memory_space<vmem>>, vector<1x16xf32>,
      %get3A_184 = arith.index_cast %add3A_122 : i32 to index
      %get3A_185 = arith.constant 112 : index
      %get3A_186 = tpu.vector_load %arg6[%get3A_184, %get3A_185] {strides = array<i32>} : memref<200x128xf32, #tpu.memory_space<vmem>>, vector<1x16xf32>,
      %get3A_187 = vector.shape_cast %get3A_186 : vector<1x16xf32> to vector<16xf32>
      %swap3A_188 = arith.index_cast %add3A_122 : i32 to index
      %swap3A_189 = arith.constant 112 : index
      %swap3A_190 = tpu.vector_load %arg8[%swap3A_188, %swap3A_189] {strides = array<i32>} : memref<200x128xf32, #tpu.memory_space<vmem>>, vector<1x16xf32>,
      %swap3A_191 = vector.shape_cast %swap3A_190 : vector<1x16xf32> to vector<16xf32>
      %swap3A_192 = vector.shape_cast %get3A_187 : vector<16xf32> to vector<1x16xf32>
      tpu.vector_store %arg8[%swap3A_188, %swap3A_189], %swap3A_192 {add = true, strides = array<i32>} : memref<200x128xf32, #tpu.memory_space<vmem>>, vector<1x16xf32>,
      %mul3A_193 = arith.constant 4 : i32
      %mul3A_194 = arith.muli %scan3A_118, %mul3A_193 : i32
      %add3A_195 = arith.constant 1 : i32
      %add3A_196 = arith.addi %mul3A_194, %add3A_195 : i32
      %get3A_197 = arith.index_cast %add3A_196 : i32 to index
      %get3A_198 = arith.constant 0 : index
      %get3A_199 = tpu.vector_load %arg6[%get3A_197, %get3A_198] {strides = array<i32>} : memref<200x128xf32, #tpu.memory_space<vmem>>, vector<1x16xf32>,
      %get3A_200 = vector.shape_cast %get3A_199 : vector<1x16xf32> to vector<16xf32>
      %swap3A_201 = arith.index_cast %add3A_196 : i32 to index
      %swap3A_202 = arith.constant 0 : index
      %swap3A_203 = tpu.vector_load %arg8[%swap3A_201, %swap3A_202] {strides = array<i32>} : memref<200x128xf32, #tpu.memory_space<vmem>>, vector<1x16xf32>,
      %swap3A_204 = vector.shape_cast %swap3A_203 : vector<1x16xf32> to vector<16xf32>
      %swap3A_205 = vector.shape_cast %get3A_200 : vector<16xf32> to vector<1x16xf32>
      tpu.vector_store %arg8[%swap3A_201, %swap3A_202], %swap3A_205 {add = true, strides = array<i32>} : memref<200x128xf32, #tpu.memory_space<vmem>>, vector<1x16xf32>,
      %get3A_206 = arith.index_cast %add3A_196 : i32 to index
      %get3A_207 = arith.constant 16 : index
      %get3A_208 = tpu.vector_load %arg6[%get3A_206, %get3A_207] {strides = array<i32>} : memref<200x128xf32, #tpu.memory_space<vmem>>, vector<1x16xf32>,
      %get3A_209 = vector.shape_cast %get3A_208 : vector<1x16xf32> to vector<16xf32>
      %swap3A_210 = arith.index_cast %add3A_196 : i32 to index
      %swap3A_211 = arith.constant 16 : index
      %swap3A_212 = tpu.vector_load %arg8[%swap3A_210, %swap3A_211] {strides = array<i32>} : memref<200x128xf32, #tpu.memory_space<vmem>>, vector<1x16xf32>,
      %swap3A_213 = vector.shape_cast %swap3A_212 : vector<1x16xf32> to vector<16xf32>
      %swap3A_214 = vector.shape_cast %get3A_209 : vector<16xf32> to vector<1x16xf32>
      tpu.vector_store %arg8[%swap3A_210, %swap3A_211], %swap3A_214 {add = true, strides = array<i32>} : memref<200x128xf32, #tpu.memory_space<vmem>>, vector<1x16xf32>,
      %get3A_215 = arith.index_cast %add3A_196 : i32 to index
      %get3A_216 = arith.constant 32 : index
      %get3A_217 = tpu.vector_load %arg6[%get3A_215, %get3A_216] {strides = array<i32>} : memref<200x128xf32, #tpu.memory_space<vmem>>, vector<1x16xf32>,
      %get3A_218 = vector.shape_cast %get3A_217 : vector<1x16xf32> to vector<16xf32>
      %swap3A_219 = arith.index_cast %add3A_196 : i32 to index
      %swap3A_220 = arith.constant 32 : index
      %swap3A_221 = tpu.vector_load %arg8[%swap3A_219, %swap3A_220] {strides = array<i32>} : memref<200x128xf32, #tpu.memory_space<vmem>>, vector<1x16xf32>,
      %swap3A_222 = vector.shape_cast %swap3A_221 : vector<1x16xf32> to vector<16xf32>
      %swap3A_223 = vector.shape_cast %get3A_218 : vector<16xf32> to vector<1x16xf32>
      tpu.vector_store %arg8[%swap3A_219, %swap3A_220], %swap3A_223 {add = true, strides = array<i32>} : memref<200x128xf32, #tpu.memory_space<vmem>>, vector<1x16xf32>,
      %get3A_224 = arith.index_cast %add3A_196 : i32 to index
      %get3A_225 = arith.constant 48 : index
      %get3A_226 = tpu.vector_load %arg6[%get3A_224, %get3A_225] {strides = array<i32>} : memref<200x128xf32, #tpu.memory_space<vmem>>, vector<1x16xf32>,
      %get3A_227 = vector.shape_cast %get3A_226 : vector<1x16xf32> to vector<16xf32>
      %swap3A_228 = arith.index_cast %add3A_196 : i32 to index
      %swap3A_229 = arith.constant 48 : index
      %swap3A_230 = tpu.vector_load %arg8[%swap3A_228, %swap3A_229] {strides = array<i32>} : memref<200x128xf32, #tpu.memory_space<vmem>>, vector<1x16xf32>,
      %swap3A_231 = vector.shape_cast %swap3A_230 : vector<1x16xf32> to vector<16xf32>
      %swap3A_232 = vector.shape_cast %get3A_227 : vector<16xf32> to vector<1x16xf32>
      tpu.vector_store %arg8[%swap3A_228, %swap3A_229], %swap3A_232 {add = true, strides = array<i32>} : memref<200x128xf32, #tpu.memory_space<vmem>>, vector<1x16xf32>,
      %get3A_233 = arith.index_cast %add3A_196 : i32 to index
      %get3A_234 = arith.constant 64 : index
      %get3A_235 = tpu.vector_load %arg6[%get3A_233, %get3A_234] {strides = array<i32>} : memref<200x128xf32, #tpu.memory_space<vmem>>, vector<1x16xf32>,
      %get3A_236 = vector.shape_cast %get3A_235 : vector<1x16xf32> to vector<16xf32>
      %swap3A_237 = arith.index_cast %add3A_196 : i32 to index
      %swap3A_238 = arith.constant 64 : index
      %swap3A_239 = tpu.vector_load %arg8[%swap3A_237, %swap3A_238] {strides = array<i32>} : memref<200x128xf32, #tpu.memory_space<vmem>>, vector<1x16xf32>,
      %swap3A_240 = vector.shape_cast %swap3A_239 : vector<1x16xf32> to vector<16xf32>
      %swap3A_241 = vector.shape_cast %get3A_236 : vector<16xf32> to vector<1x16xf32>
      tpu.vector_store %arg8[%swap3A_237, %swap3A_238], %swap3A_241 {add = true, strides = array<i32>} : memref<200x128xf32, #tpu.memory_space<vmem>>, vector<1x16xf32>,
      %get3A_242 = arith.index_cast %add3A_196 : i32 to index
      %get3A_243 = arith.constant 80 : index
      %get3A_244 = tpu.vector_load %arg6[%get3A_242, %get3A_243] {strides = array<i32>} : memref<200x128xf32, #tpu.memory_space<vmem>>, vector<1x16xf32>,
      %get3A_245 = vector.shape_cast %get3A_244 : vector<1x16xf32> to vector<16xf32>
      %swap3A_246 = arith.index_cast %add3A_196 : i32 to index
      %swap3A_247 = arith.constant 80 : index
      %swap3A_248 = tpu.vector_load %arg8[%swap3A_246, %swap3A_247] {strides = array<i32>} : memref<200x128xf32, #tpu.memory_space<vmem>>, vector<1x16xf32>,
      %swap3A_249 = vector.shape_cast %swap3A_248 : vector<1x16xf32> to vector<16xf32>
      %swap3A_250 = vector.shape_cast %get3A_245 : vector<16xf32> to vector<1x16xf32>
      tpu.vector_store %arg8[%swap3A_246, %swap3A_247], %swap3A_250 {add = true, strides = array<i32>} : memref<200x128xf32, #tpu.memory_space<vmem>>, vector<1x16xf32>,
      %get3A_251 = arith.index_cast %add3A_196 : i32 to index
      %get3A_252 = arith.constant 96 : index
      %get3A_253 = tpu.vector_load %arg6[%get3A_251, %get3A_252] {strides = array<i32>} : memref<200x128xf32, #tpu.memory_space<vmem>>, vector<1x16xf32>,
      %get3A_254 = vector.shape_cast %get3A_253 : vector<1x16xf32> to vector<16xf32>
      %swap3A_255 = arith.index_cast %add3A_196 : i32 to index
      %swap3A_256 = arith.constant 96 : index
      %swap3A_257 = tpu.vector_load %arg8[%swap3A_255, %swap3A_256] {strides = array<i32>} : memref<200x128xf32, #tpu.memory_space<vmem>>, vector<1x16xf32>,
      %swap3A_258 = vector.shape_cast %swap3A_257 : vector<1x16xf32> to vector<16xf32>
      %swap3A_259 = vector.shape_cast %get3A_254 : vector<16xf32> to vector<1x16xf32>
      tpu.vector_store %arg8[%swap3A_255, %swap3A_256], %swap3A_259 {add = true, strides = array<i32>} : memref<200x128xf32, #tpu.memory_space<vmem>>, vector<1x16xf32>,
      %get3A_260 = arith.index_cast %add3A_196 : i32 to index
      %get3A_261 = arith.constant 112 : index
      %get3A_262 = tpu.vector_load %arg6[%get3A_260, %get3A_261] {strides = array<i32>} : memref<200x128xf32, #tpu.memory_space<vmem>>, vector<1x16xf32>,
      %get3A_263 = vector.shape_cast %get3A_262 : vector<1x16xf32> to vector<16xf32>
      %swap3A_264 = arith.index_cast %add3A_196 : i32 to index
      %swap3A_265 = arith.constant 112 : index
      %swap3A_266 = tpu.vector_load %arg8[%swap3A_264, %swap3A_265] {strides = array<i32>} : memref<200x128xf32, #tpu.memory_space<vmem>>, vector<1x16xf32>,
      %swap3A_267 = vector.shape_cast %swap3A_266 : vector<1x16xf32> to vector<16xf32>
      %swap3A_268 = vector.shape_cast %get3A_263 : vector<16xf32> to vector<1x16xf32>
      tpu.vector_store %arg8[%swap3A_264, %swap3A_265], %swap3A_268 {add = true, strides = array<i32>} : memref<200x128xf32, #tpu.memory_space<vmem>>, vector<1x16xf32>,
      %mul3A_269 = arith.constant 4 : i32
      %mul3A_270 = arith.muli %scan3A_118, %mul3A_269 : i32
      %add3A_271 = arith.constant 2 : i32
      %add3A_272 = arith.addi %mul3A_270, %add3A_271 : i32
      %get3A_273 = arith.index_cast %add3A_272 : i32 to index
      %get3A_274 = arith.constant 0 : index
      %get3A_275 = tpu.vector_load %arg6[%get3A_273, %get3A_274] {strides = array<i32>} : memref<200x128xf32, #tpu.memory_space<vmem>>, vector<1x16xf32>,
      %get3A_276 = vector.shape_cast %get3A_275 : vector<1x16xf32> to vector<16xf32>
      %swap3A_277 = arith.index_cast %add3A_272 : i32 to index
      %swap3A_278 = arith.constant 0 : index
      %swap3A_279 = tpu.vector_load %arg8[%swap3A_277, %swap3A_278] {strides = array<i32>} : memref<200x128xf32, #tpu.memory_space<vmem>>, vector<1x16xf32>,
      %swap3A_280 = vector.shape_cast %swap3A_279 : vector<1x16xf32> to vector<16xf32>
      %swap3A_281 = vector.shape_cast %get3A_276 : vector<16xf32> to vector<1x16xf32>
      tpu.vector_store %arg8[%swap3A_277, %swap3A_278], %swap3A_281 {add = true, strides = array<i32>} : memref<200x128xf32, #tpu.memory_space<vmem>>, vector<1x16xf32>,
      %get3A_282 = arith.index_cast %add3A_272 : i32 to index
      %get3A_283 = arith.constant 16 : index
      %get3A_284 = tpu.vector_load %arg6[%get3A_282, %get3A_283] {strides = array<i32>} : memref<200x128xf32, #tpu.memory_space<vmem>>, vector<1x16xf32>,
      %get3A_285 = vector.shape_cast %get3A_284 : vector<1x16xf32> to vector<16xf32>
      %swap3A_286 = arith.index_cast %add3A_272 : i32 to index
      %swap3A_287 = arith.constant 16 : index
      %swap3A_288 = tpu.vector_load %arg8[%swap3A_286, %swap3A_287] {strides = array<i32>} : memref<200x128xf32, #tpu.memory_space<vmem>>, vector<1x16xf32>,
      %swap3A_289 = vector.shape_cast %swap3A_288 : vector<1x16xf32> to vector<16xf32>
      %swap3A_290 = vector.shape_cast %get3A_285 : vector<16xf32> to vector<1x16xf32>
      tpu.vector_store %arg8[%swap3A_286, %swap3A_287], %swap3A_290 {add = true, strides = array<i32>} : memref<200x128xf32, #tpu.memory_space<vmem>>, vector<1x16xf32>,
      %get3A_291 = arith.index_cast %add3A_272 : i32 to index
      %get3A_292 = arith.constant 32 : index
      %get3A_293 = tpu.vector_load %arg6[%get3A_291, %get3A_292] {strides = array<i32>} : memref<200x128xf32, #tpu.memory_space<vmem>>, vector<1x16xf32>,
      %get3A_294 = vector.shape_cast %get3A_293 : vector<1x16xf32> to vector<16xf32>
      %swap3A_295 = arith.index_cast %add3A_272 : i32 to index
      %swap3A_296 = arith.constant 32 : index
      %swap3A_297 = tpu.vector_load %arg8[%swap3A_295, %swap3A_296] {strides = array<i32>} : memref<200x128xf32, #tpu.memory_space<vmem>>, vector<1x16xf32>,
      %swap3A_298 = vector.shape_cast %swap3A_297 : vector<1x16xf32> to vector<16xf32>
      %swap3A_299 = vector.shape_cast %get3A_294 : vector<16xf32> to vector<1x16xf32>
      tpu.vector_store %arg8[%swap3A_295, %swap3A_296], %swap3A_299 {add = true, strides = array<i32>} : memref<200x128xf32, #tpu.memory_space<vmem>>, vector<1x16xf32>,
      %get3A_300 = arith.index_cast %add3A_272 : i32 to index
      %get3A_301 = arith.constant 48 : index
      %get3A_302 = tpu.vector_load %arg6[%get3A_300, %get3A_301] {strides = array<i32>} : memref<200x128xf32, #tpu.memory_space<vmem>>, vector<1x16xf32>,
      %get3A_303 = vector.shape_cast %get3A_302 : vector<1x16xf32> to vector<16xf32>
      %swap3A_304 = arith.index_cast %add3A_272 : i32 to index
      %swap3A_305 = arith.constant 48 : index
      %swap3A_306 = tpu.vector_load %arg8[%swap3A_304, %swap3A_305] {strides = array<i32>} : memref<200x128xf32, #tpu.memory_space<vmem>>, vector<1x16xf32>,
      %swap3A_307 = vector.shape_cast %swap3A_306 : vector<1x16xf32> to vector<16xf32>
      %swap3A_308 = vector.shape_cast %get3A_303 : vector<16xf32> to vector<1x16xf32>
      tpu.vector_store %arg8[%swap3A_304, %swap3A_305], %swap3A_308 {add = true, strides = array<i32>} : memref<200x128xf32, #tpu.memory_space<vmem>>, vector<1x16xf32>,
      %get3A_309 = arith.index_cast %add3A_272 : i32 to index
      %get3A_310 = arith.constant 64 : index
      %get3A_311 = tpu.vector_load %arg6[%get3A_309, %get3A_310] {strides = array<i32>} : memref<200x128xf32, #tpu.memory_space<vmem>>, vector<1x16xf32>,
      %get3A_312 = vector.shape_cast %get3A_311 : vector<1x16xf32> to vector<16xf32>
      %swap3A_313 = arith.index_cast %add3A_272 : i32 to index
      %swap3A_314 = arith.constant 64 : index
      %swap3A_315 = tpu.vector_load %arg8[%swap3A_313, %swap3A_314] {strides = array<i32>} : memref<200x128xf32, #tpu.memory_space<vmem>>, vector<1x16xf32>,
      %swap3A_316 = vector.shape_cast %swap3A_315 : vector<1x16xf32> to vector<16xf32>
      %swap3A_317 = vector.shape_cast %get3A_312 : vector<16xf32> to vector<1x16xf32>
      tpu.vector_store %arg8[%swap3A_313, %swap3A_314], %swap3A_317 {add = true, strides = array<i32>} : memref<200x128xf32, #tpu.memory_space<vmem>>, vector<1x16xf32>,
      %get3A_318 = arith.index_cast %add3A_272 : i32 to index
      %get3A_319 = arith.constant 80 : index
      %get3A_320 = tpu.vector_load %arg6[%get3A_318, %get3A_319] {strides = array<i32>} : memref<200x128xf32, #tpu.memory_space<vmem>>, vector<1x16xf32>,
      %get3A_321 = vector.shape_cast %get3A_320 : vector<1x16xf32> to vector<16xf32>
      %swap3A_322 = arith.index_cast %add3A_272 : i32 to index
      %swap3A_323 = arith.constant 80 : index
      %swap3A_324 = tpu.vector_load %arg8[%swap3A_322, %swap3A_323] {strides = array<i32>} : memref<200x128xf32, #tpu.memory_space<vmem>>, vector<1x16xf32>,
      %swap3A_325 = vector.shape_cast %swap3A_324 : vector<1x16xf32> to vector<16xf32>
      %swap3A_326 = vector.shape_cast %get3A_321 : vector<16xf32> to vector<1x16xf32>
      tpu.vector_store %arg8[%swap3A_322, %swap3A_323], %swap3A_326 {add = true, strides = array<i32>} : memref<200x128xf32, #tpu.memory_space<vmem>>, vector<1x16xf32>,
      %get3A_327 = arith.index_cast %add3A_272 : i32 to index
      %get3A_328 = arith.constant 96 : index
      %get3A_329 = tpu.vector_load %arg6[%get3A_327, %get3A_328] {strides = array<i32>} : memref<200x128xf32, #tpu.memory_space<vmem>>, vector<1x16xf32>,
      %get3A_330 = vector.shape_cast %get3A_329 : vector<1x16xf32> to vector<16xf32>
      %swap3A_331 = arith.index_cast %add3A_272 : i32 to index
      %swap3A_332 = arith.constant 96 : index
      %swap3A_333 = tpu.vector_load %arg8[%swap3A_331, %swap3A_332] {strides = array<i32>} : memref<200x128xf32, #tpu.memory_space<vmem>>, vector<1x16xf32>,
      %swap3A_334 = vector.shape_cast %swap3A_333 : vector<1x16xf32> to vector<16xf32>
      %swap3A_335 = vector.shape_cast %get3A_330 : vector<16xf32> to vector<1x16xf32>
      tpu.vector_store %arg8[%swap3A_331, %swap3A_332], %swap3A_335 {add = true, strides = array<i32>} : memref<200x128xf32, #tpu.memory_space<vmem>>, vector<1x16xf32>,
      %get3A_336 = arith.index_cast %add3A_272 : i32 to index
      %get3A_337 = arith.constant 112 : index
      %get3A_338 = tpu.vector_load %arg6[%get3A_336, %get3A_337] {strides = array<i32>} : memref<200x128xf32, #tpu.memory_space<vmem>>, vector<1x16xf32>,
      %get3A_339 = vector.shape_cast %get3A_338 : vector<1x16xf32> to vector<16xf32>
      %swap3A_340 = arith.index_cast %add3A_272 : i32 to index
      %swap3A_341 = arith.constant 112 : index
      %swap3A_342 = tpu.vector_load %arg8[%swap3A_340, %swap3A_341] {strides = array<i32>} : memref<200x128xf32, #tpu.memory_space<vmem>>, vector<1x16xf32>,
      %swap3A_343 = vector.shape_cast %swap3A_342 : vector<1x16xf32> to vector<16xf32>
      %swap3A_344 = vector.shape_cast %get3A_339 : vector<16xf32> to vector<1x16xf32>
      tpu.vector_store %arg8[%swap3A_340, %swap3A_341], %swap3A_344 {add = true, strides = array<i32>} : memref<200x128xf32, #tpu.memory_space<vmem>>, vector<1x16xf32>,
      %mul3A_345 = arith.constant 4 : i32
      %mul3A_346 = arith.muli %scan3A_118, %mul3A_345 : i32
      %add3A_347 = arith.constant 3 : i32
      %add3A_348 = arith.addi %mul3A_346, %add3A_347 : i32
      %get3A_349 = arith.index_cast %add3A_348 : i32 to index
      %get3A_350 = arith.constant 0 : index
      %get3A_351 = tpu.vector_load %arg6[%get3A_349, %get3A_350] {strides = array<i32>} : memref<200x128xf32, #tpu.memory_space<vmem>>, vector<1x16xf32>,
      %get3A_352 = vector.shape_cast %get3A_351 : vector<1x16xf32> to vector<16xf32>
      %swap3A_353 = arith.index_cast %add3A_348 : i32 to index
      %swap3A_354 = arith.constant 0 : index
      %swap3A_355 = tpu.vector_load %arg8[%swap3A_353, %swap3A_354] {strides = array<i32>} : memref<200x128xf32, #tpu.memory_space<vmem>>, vector<1x16xf32>,
      %swap3A_356 = vector.shape_cast %swap3A_355 : vector<1x16xf32> to vector<16xf32>
      %swap3A_357 = vector.shape_cast %get3A_352 : vector<16xf32> to vector<1x16xf32>
      tpu.vector_store %arg8[%swap3A_353, %swap3A_354], %swap3A_357 {add = true, strides = array<i32>} : memref<200x128xf32, #tpu.memory_space<vmem>>, vector<1x16xf32>,
      %get3A_358 = arith.index_cast %add3A_348 : i32 to index
      %get3A_359 = arith.constant 16 : index
      %get3A_360 = tpu.vector_load %arg6[%get3A_358, %get3A_359] {strides = array<i32>} : memref<200x128xf32, #tpu.memory_space<vmem>>, vector<1x16xf32>,
      %get3A_361 = vector.shape_cast %get3A_360 : vector<1x16xf32> to vector<16xf32>
      %swap3A_362 = arith.index_cast %add3A_348 : i32 to index
      %swap3A_363 = arith.constant 16 : index
      %swap3A_364 = tpu.vector_load %arg8[%swap3A_362, %swap3A_363] {strides = array<i32>} : memref<200x128xf32, #tpu.memory_space<vmem>>, vector<1x16xf32>,
      %swap3A_365 = vector.shape_cast %swap3A_364 : vector<1x16xf32> to vector<16xf32>
      %swap3A_366 = vector.shape_cast %get3A_361 : vector<16xf32> to vector<1x16xf32>
      tpu.vector_store %arg8[%swap3A_362, %swap3A_363], %swap3A_366 {add = true, strides = array<i32>} : memref<200x128xf32, #tpu.memory_space<vmem>>, vector<1x16xf32>,
      %get3A_367 = arith.index_cast %add3A_348 : i32 to index
      %get3A_368 = arith.constant 32 : index
      %get3A_369 = tpu.vector_load %arg6[%get3A_367, %get3A_368] {strides = array<i32>} : memref<200x128xf32, #tpu.memory_space<vmem>>, vector<1x16xf32>,
      %get3A_370 = vector.shape_cast %get3A_369 : vector<1x16xf32> to vector<16xf32>
      %swap3A_371 = arith.index_cast %add3A_348 : i32 to index
      %swap3A_372 = arith.constant 32 : index
      %swap3A_373 = tpu.vector_load %arg8[%swap3A_371, %swap3A_372] {strides = array<i32>} : memref<200x128xf32, #tpu.memory_space<vmem>>, vector<1x16xf32>,
      %swap3A_374 = vector.shape_cast %swap3A_373 : vector<1x16xf32> to vector<16xf32>
      %swap3A_375 = vector.shape_cast %get3A_370 : vector<16xf32> to vector<1x16xf32>
      tpu.vector_store %arg8[%swap3A_371, %swap3A_372], %swap3A_375 {add = true, strides = array<i32>} : memref<200x128xf32, #tpu.memory_space<vmem>>, vector<1x16xf32>,
      %get3A_376 = arith.index_cast %add3A_348 : i32 to index
      %get3A_377 = arith.constant 48 : index
      %get3A_378 = tpu.vector_load %arg6[%get3A_376, %get3A_377] {strides = array<i32>} : memref<200x128xf32, #tpu.memory_space<vmem>>, vector<1x16xf32>,
      %get3A_379 = vector.shape_cast %get3A_378 : vector<1x16xf32> to vector<16xf32>
      %swap3A_380 = arith.index_cast %add3A_348 : i32 to index
      %swap3A_381 = arith.constant 48 : index
      %swap3A_382 = tpu.vector_load %arg8[%swap3A_380, %swap3A_381] {strides = array<i32>} : memref<200x128xf32, #tpu.memory_space<vmem>>, vector<1x16xf32>,
      %swap3A_383 = vector.shape_cast %swap3A_382 : vector<1x16xf32> to vector<16xf32>
      %swap3A_384 = vector.shape_cast %get3A_379 : vector<16xf32> to vector<1x16xf32>
      tpu.vector_store %arg8[%swap3A_380, %swap3A_381], %swap3A_384 {add = true, strides = array<i32>} : memref<200x128xf32, #tpu.memory_space<vmem>>, vector<1x16xf32>,
      %get3A_385 = arith.index_cast %add3A_348 : i32 to index
      %get3A_386 = arith.constant 64 : index
      %get3A_387 = tpu.vector_load %arg6[%get3A_385, %get3A_386] {strides = array<i32>} : memref<200x128xf32, #tpu.memory_space<vmem>>, vector<1x16xf32>,
      %get3A_388 = vector.shape_cast %get3A_387 : vector<1x16xf32> to vector<16xf32>
      %swap3A_389 = arith.index_cast %add3A_348 : i32 to index
      %swap3A_390 = arith.constant 64 : index
      %swap3A_391 = tpu.vector_load %arg8[%swap3A_389, %swap3A_390] {strides = array<i32>} : memref<200x128xf32, #tpu.memory_space<vmem>>, vector<1x16xf32>,
      %swap3A_392 = vector.shape_cast %swap3A_391 : vector<1x16xf32> to vector<16xf32>
      %swap3A_393 = vector.shape_cast %get3A_388 : vector<16xf32> to vector<1x16xf32>
      tpu.vector_store %arg8[%swap3A_389, %swap3A_390], %swap3A_393 {add = true, strides = array<i32>} : memref<200x128xf32, #tpu.memory_space<vmem>>, vector<1x16xf32>,
      %get3A_394 = arith.index_cast %add3A_348 : i32 to index
      %get3A_395 = arith.constant 80 : index
      %get3A_396 = tpu.vector_load %arg6[%get3A_394, %get3A_395] {strides = array<i32>} : memref<200x128xf32, #tpu.memory_space<vmem>>, vector<1x16xf32>,
      %get3A_397 = vector.shape_cast %get3A_396 : vector<1x16xf32> to vector<16xf32>
      %swap3A_398 = arith.index_cast %add3A_348 : i32 to index
      %swap3A_399 = arith.constant 80 : index
      %swap3A_400 = tpu.vector_load %arg8[%swap3A_398, %swap3A_399] {strides = array<i32>} : memref<200x128xf32, #tpu.memory_space<vmem>>, vector<1x16xf32>,
      %swap3A_401 = vector.shape_cast %swap3A_400 : vector<1x16xf32> to vector<16xf32>
      %swap3A_402 = vector.shape_cast %get3A_397 : vector<16xf32> to vector<1x16xf32>
      tpu.vector_store %arg8[%swap3A_398, %swap3A_399], %swap3A_402 {add = true, strides = array<i32>} : memref<200x128xf32, #tpu.memory_space<vmem>>, vector<1x16xf32>,
      %get3A_403 = arith.index_cast %add3A_348 : i32 to index
      %get3A_404 = arith.constant 96 : index
      %get3A_405 = tpu.vector_load %arg6[%get3A_403, %get3A_404] {strides = array<i32>} : memref<200x128xf32, #tpu.memory_space<vmem>>, vector<1x16xf32>,
      %get3A_406 = vector.shape_cast %get3A_405 : vector<1x16xf32> to vector<16xf32>
      %swap3A_407 = arith.index_cast %add3A_348 : i32 to index
      %swap3A_408 = arith.constant 96 : index
      %swap3A_409 = tpu.vector_load %arg8[%swap3A_407, %swap3A_408] {strides = array<i32>} : memref<200x128xf32, #tpu.memory_space<vmem>>, vector<1x16xf32>,
      %swap3A_410 = vector.shape_cast %swap3A_409 : vector<1x16xf32> to vector<16xf32>
      %swap3A_411 = vector.shape_cast %get3A_406 : vector<16xf32> to vector<1x16xf32>
      tpu.vector_store %arg8[%swap3A_407, %swap3A_408], %swap3A_411 {add = true, strides = array<i32>} : memref<200x128xf32, #tpu.memory_space<vmem>>, vector<1x16xf32>,
      %get3A_412 = arith.index_cast %add3A_348 : i32 to index
      %get3A_413 = arith.constant 112 : index
      %get3A_414 = tpu.vector_load %arg6[%get3A_412, %get3A_413] {strides = array<i32>} : memref<200x128xf32, #tpu.memory_space<vmem>>, vector<1x16xf32>,
      %get3A_415 = vector.shape_cast %get3A_414 : vector<1x16xf32> to vector<16xf32>
      %swap3A_416 = arith.index_cast %add3A_348 : i32 to index
      %swap3A_417 = arith.constant 112 : index
      %swap3A_418 = tpu.vector_load %arg8[%swap3A_416, %swap3A_417] {strides = array<i32>} : memref<200x128xf32, #tpu.memory_space<vmem>>, vector<1x16xf32>,
      %swap3A_419 = vector.shape_cast %swap3A_418 : vector<1x16xf32> to vector<16xf32>
      %swap3A_420 = vector.shape_cast %get3A_415 : vector<16xf32> to vector<1x16xf32>
      tpu.vector_store %arg8[%swap3A_416, %swap3A_417], %swap3A_420 {add = true, strides = array<i32>} : memref<200x128xf32, #tpu.memory_space<vmem>>, vector<1x16xf32>,
    }
    %scan3A_61 = arith.constant 50 : i32
    %add3A_62 = arith.constant 126 : i32
    %add3A_63 = arith.addi %mul3A_2, %add3A_62 : i32
    %mul3A_64 = arith.constant 200 : i32
    %mul3A_65 = arith.muli %add3A_63, %mul3A_64 : i32
    %dma_start3A_66 = arith.constant 0 : i32
    %dma_start3A_67 = tpu.memref_slice %arg5[%mul3A_65, %dma_start3A_66] : memref<819200x128xf32, #tpu.memory_space<hbm>> -> memref<200x128xf32, #tpu.memory_space<hbm>>
    %dma_start3A_68 = arith.constant 0 : i32
    %dma_start3A_69 = tpu.memref_slice %arg5[%mul3A_65, %dma_start3A_68] : memref<819200x128xf32, #tpu.memory_space<hbm>> -> memref<200x128xf32, #tpu.memory_space<hbm>>
    tpu.enqueue_dma source(%arg8 : memref<200x128xf32, #tpu.memory_space<vmem>>) target(%dma_start3A_69 : memref<200x128xf32, #tpu.memory_space<hbm>>) target_semaphore(%arg14 : memref<!tpu.dma_semaphore, #tpu.memory_space<semaphore_mem>>)
    %dma_wait3A_70 = arith.constant 0 : i32
    %dma_wait3A_71 = arith.constant 0 : i32
    %dma_wait3A_72 = tpu.memref_slice %arg9[%dma_wait3A_70, %dma_wait3A_71] : memref<200x128xf32, #tpu.memory_space<vmem>> -> memref<104x128xf32, #tpu.memory_space<vmem>>
    %dma_wait3A_73 = arith.constant 0 : i32
    %dma_wait3A_74 = tpu.memref_slice %arg7[%dma_wait3A_73] : memref<25600xi32, #tpu.memory_space<vmem>> -> memref<104xi32, #tpu.memory_space<vmem>>
    %dma_wait3A_75 = arith.constant 0 : i32
    %dma_wait3A_76 = arith.constant 0 : i32
    %dma_wait3A_77 = tpu.memref_slice %arg3[%dma_wait3A_75, %dma_wait3A_76] : memref<100000x128xf32, #tpu.memory_space<hbm>> -> memref<100000x128xf32, #tpu.memory_space<hbm>>
    tpu.wait_indirect_dma semaphore(%arg12 : memref<!tpu.dma_semaphore, #tpu.memory_space<semaphore_mem>>) src(%dma_wait3A_77 : memref<100000x128xf32, #tpu.memory_space<hbm>>) dst(%dma_wait3A_72 : memref<104x128xf32, #tpu.memory_space<vmem>>)
    %dma_wait3A_78 = arith.constant 104 : i32
    %dma_wait3A_79 = arith.constant 0 : i32
    %dma_wait3A_80 = tpu.memref_slice %arg9[%dma_wait3A_78, %dma_wait3A_79] : memref<200x128xf32, #tpu.memory_space<vmem>> -> memref<96x128xf32, #tpu.memory_space<vmem>>
    %dma_wait3A_81 = arith.constant 0 : i32
    %dma_wait3A_82 = tpu.memref_slice %arg7[%dma_wait3A_81] : memref<25600xi32, #tpu.memory_space<vmem>> -> memref<96xi32, #tpu.memory_space<vmem>>
    %dma_wait3A_83 = arith.constant 0 : i32
    %dma_wait3A_84 = arith.constant 0 : i32
    %dma_wait3A_85 = tpu.memref_slice %arg3[%dma_wait3A_83, %dma_wait3A_84] : memref<100000x128xf32, #tpu.memory_space<hbm>> -> memref<100000x128xf32, #tpu.memory_space<hbm>>
    tpu.wait_indirect_dma semaphore(%arg12 : memref<!tpu.dma_semaphore, #tpu.memory_space<semaphore_mem>>) src(%dma_wait3A_85 : memref<100000x128xf32, #tpu.memory_space<hbm>>) dst(%dma_wait3A_80 : memref<96x128xf32, #tpu.memory_space<vmem>>)
    %scan3A_86 = arith.constant 0 : i32
    %scan3A_87 = arith.constant 0 : i32
    %scan3A_88 = arith.constant 50 : i32
    %scan3A_89 = arith.addi %scan3A_87, %scan3A_88 : i32
    %scan3A_90 = arith.constant 1 : i32
    scf.for %scan3A_118 = %scan3A_87 to %scan3A_89 step %scan3A_90  : i32 {
      %mul3A_119 = arith.constant 4 : i32
      %mul3A_120 = arith.muli %scan3A_118, %mul3A_119 : i32
      %add3A_121 = arith.constant 0 : i32
      %add3A_122 = arith.addi %mul3A_120, %add3A_121 : i32
      %get3A = arith.index_cast %add3A_122 : i32 to index
      %get3A_123 = arith.constant 0 : index
      %get3A_124 = tpu.vector_load %arg6[%get3A, %get3A_123] {strides = array<i32>} : memref<200x128xf32, #tpu.memory_space<vmem>>, vector<1x16xf32>,
      %get3A_125 = vector.shape_cast %get3A_124 : vector<1x16xf32> to vector<16xf32>
      %swap3A = arith.index_cast %add3A_122 : i32 to index
      %swap3A_126 = arith.constant 0 : index
      %swap3A_127 = tpu.vector_load %arg9[%swap3A, %swap3A_126] {strides = array<i32>} : memref<200x128xf32, #tpu.memory_space<vmem>>, vector<1x16xf32>,
      %swap3A_128 = vector.shape_cast %swap3A_127 : vector<1x16xf32> to vector<16xf32>
      %swap3A_129 = vector.shape_cast %get3A_125 : vector<16xf32> to vector<1x16xf32>
      tpu.vector_store %arg9[%swap3A, %swap3A_126], %swap3A_129 {add = true, strides = array<i32>} : memref<200x128xf32, #tpu.memory_space<vmem>>, vector<1x16xf32>,
      %get3A_130 = arith.index_cast %add3A_122 : i32 to index
      %get3A_131 = arith.constant 16 : index
      %get3A_132 = tpu.vector_load %arg6[%get3A_130, %get3A_131] {strides = array<i32>} : memref<200x128xf32, #tpu.memory_space<vmem>>, vector<1x16xf32>,
      %get3A_133 = vector.shape_cast %get3A_132 : vector<1x16xf32> to vector<16xf32>
      %swap3A_134 = arith.index_cast %add3A_122 : i32 to index
      %swap3A_135 = arith.constant 16 : index
      %swap3A_136 = tpu.vector_load %arg9[%swap3A_134, %swap3A_135] {strides = array<i32>} : memref<200x128xf32, #tpu.memory_space<vmem>>, vector<1x16xf32>,
      %swap3A_137 = vector.shape_cast %swap3A_136 : vector<1x16xf32> to vector<16xf32>
      %swap3A_138 = vector.shape_cast %get3A_133 : vector<16xf32> to vector<1x16xf32>
      tpu.vector_store %arg9[%swap3A_134, %swap3A_135], %swap3A_138 {add = true, strides = array<i32>} : memref<200x128xf32, #tpu.memory_space<vmem>>, vector<1x16xf32>,
      %get3A_139 = arith.index_cast %add3A_122 : i32 to index
      %get3A_140 = arith.constant 32 : index
      %get3A_141 = tpu.vector_load %arg6[%get3A_139, %get3A_140] {strides = array<i32>} : memref<200x128xf32, #tpu.memory_space<vmem>>, vector<1x16xf32>,
      %get3A_142 = vector.shape_cast %get3A_141 : vector<1x16xf32> to vector<16xf32>
      %swap3A_143 = arith.index_cast %add3A_122 : i32 to index
      %swap3A_144 = arith.constant 32 : index
      %swap3A_145 = tpu.vector_load %arg9[%swap3A_143, %swap3A_144] {strides = array<i32>} : memref<200x128xf32, #tpu.memory_space<vmem>>, vector<1x16xf32>,
      %swap3A_146 = vector.shape_cast %swap3A_145 : vector<1x16xf32> to vector<16xf32>
      %swap3A_147 = vector.shape_cast %get3A_142 : vector<16xf32> to vector<1x16xf32>
      tpu.vector_store %arg9[%swap3A_143, %swap3A_144], %swap3A_147 {add = true, strides = array<i32>} : memref<200x128xf32, #tpu.memory_space<vmem>>, vector<1x16xf32>,
      %get3A_148 = arith.index_cast %add3A_122 : i32 to index
      %get3A_149 = arith.constant 48 : index
      %get3A_150 = tpu.vector_load %arg6[%get3A_148, %get3A_149] {strides = array<i32>} : memref<200x128xf32, #tpu.memory_space<vmem>>, vector<1x16xf32>,
      %get3A_151 = vector.shape_cast %get3A_150 : vector<1x16xf32> to vector<16xf32>
      %swap3A_152 = arith.index_cast %add3A_122 : i32 to index
      %swap3A_153 = arith.constant 48 : index
      %swap3A_154 = tpu.vector_load %arg9[%swap3A_152, %swap3A_153] {strides = array<i32>} : memref<200x128xf32, #tpu.memory_space<vmem>>, vector<1x16xf32>,
      %swap3A_155 = vector.shape_cast %swap3A_154 : vector<1x16xf32> to vector<16xf32>
      %swap3A_156 = vector.shape_cast %get3A_151 : vector<16xf32> to vector<1x16xf32>
      tpu.vector_store %arg9[%swap3A_152, %swap3A_153], %swap3A_156 {add = true, strides = array<i32>} : memref<200x128xf32, #tpu.memory_space<vmem>>, vector<1x16xf32>,
      %get3A_157 = arith.index_cast %add3A_122 : i32 to index
      %get3A_158 = arith.constant 64 : index
      %get3A_159 = tpu.vector_load %arg6[%get3A_157, %get3A_158] {strides = array<i32>} : memref<200x128xf32, #tpu.memory_space<vmem>>, vector<1x16xf32>,
      %get3A_160 = vector.shape_cast %get3A_159 : vector<1x16xf32> to vector<16xf32>
      %swap3A_161 = arith.index_cast %add3A_122 : i32 to index
      %swap3A_162 = arith.constant 64 : index
      %swap3A_163 = tpu.vector_load %arg9[%swap3A_161, %swap3A_162] {strides = array<i32>} : memref<200x128xf32, #tpu.memory_space<vmem>>, vector<1x16xf32>,
      %swap3A_164 = vector.shape_cast %swap3A_163 : vector<1x16xf32> to vector<16xf32>
      %swap3A_165 = vector.shape_cast %get3A_160 : vector<16xf32> to vector<1x16xf32>
      tpu.vector_store %arg9[%swap3A_161, %swap3A_162], %swap3A_165 {add = true, strides = array<i32>} : memref<200x128xf32, #tpu.memory_space<vmem>>, vector<1x16xf32>,
      %get3A_166 = arith.index_cast %add3A_122 : i32 to index
      %get3A_167 = arith.constant 80 : index
      %get3A_168 = tpu.vector_load %arg6[%get3A_166, %get3A_167] {strides = array<i32>} : memref<200x128xf32, #tpu.memory_space<vmem>>, vector<1x16xf32>,
      %get3A_169 = vector.shape_cast %get3A_168 : vector<1x16xf32> to vector<16xf32>
      %swap3A_170 = arith.index_cast %add3A_122 : i32 to index
      %swap3A_171 = arith.constant 80 : index
      %swap3A_172 = tpu.vector_load %arg9[%swap3A_170, %swap3A_171] {strides = array<i32>} : memref<200x128xf32, #tpu.memory_space<vmem>>, vector<1x16xf32>,
      %swap3A_173 = vector.shape_cast %swap3A_172 : vector<1x16xf32> to vector<16xf32>
      %swap3A_174 = vector.shape_cast %get3A_169 : vector<16xf32> to vector<1x16xf32>
      tpu.vector_store %arg9[%swap3A_170, %swap3A_171], %swap3A_174 {add = true, strides = array<i32>} : memref<200x128xf32, #tpu.memory_space<vmem>>, vector<1x16xf32>,
      %get3A_175 = arith.index_cast %add3A_122 : i32 to index
      %get3A_176 = arith.constant 96 : index
      %get3A_177 = tpu.vector_load %arg6[%get3A_175, %get3A_176] {strides = array<i32>} : memref<200x128xf32, #tpu.memory_space<vmem>>, vector<1x16xf32>,
      %get3A_178 = vector.shape_cast %get3A_177 : vector<1x16xf32> to vector<16xf32>
      %swap3A_179 = arith.index_cast %add3A_122 : i32 to index
      %swap3A_180 = arith.constant 96 : index
      %swap3A_181 = tpu.vector_load %arg9[%swap3A_179, %swap3A_180] {strides = array<i32>} : memref<200x128xf32, #tpu.memory_space<vmem>>, vector<1x16xf32>,
      %swap3A_182 = vector.shape_cast %swap3A_181 : vector<1x16xf32> to vector<16xf32>
      %swap3A_183 = vector.shape_cast %get3A_178 : vector<16xf32> to vector<1x16xf32>
      tpu.vector_store %arg9[%swap3A_179, %swap3A_180], %swap3A_183 {add = true, strides = array<i32>} : memref<200x128xf32, #tpu.memory_space<vmem>>, vector<1x16xf32>,
      %get3A_184 = arith.index_cast %add3A_122 : i32 to index
      %get3A_185 = arith.constant 112 : index
      %get3A_186 = tpu.vector_load %arg6[%get3A_184, %get3A_185] {strides = array<i32>} : memref<200x128xf32, #tpu.memory_space<vmem>>, vector<1x16xf32>,
      %get3A_187 = vector.shape_cast %get3A_186 : vector<1x16xf32> to vector<16xf32>
      %swap3A_188 = arith.index_cast %add3A_122 : i32 to index
      %swap3A_189 = arith.constant 112 : index
      %swap3A_190 = tpu.vector_load %arg9[%swap3A_188, %swap3A_189] {strides = array<i32>} : memref<200x128xf32, #tpu.memory_space<vmem>>, vector<1x16xf32>,
      %swap3A_191 = vector.shape_cast %swap3A_190 : vector<1x16xf32> to vector<16xf32>
      %swap3A_192 = vector.shape_cast %get3A_187 : vector<16xf32> to vector<1x16xf32>
      tpu.vector_store %arg9[%swap3A_188, %swap3A_189], %swap3A_192 {add = true, strides = array<i32>} : memref<200x128xf32, #tpu.memory_space<vmem>>, vector<1x16xf32>,
      %mul3A_193 = arith.constant 4 : i32
      %mul3A_194 = arith.muli %scan3A_118, %mul3A_193 : i32
      %add3A_195 = arith.constant 1 : i32
      %add3A_196 = arith.addi %mul3A_194, %add3A_195 : i32
      %get3A_197 = arith.index_cast %add3A_196 : i32 to index
      %get3A_198 = arith.constant 0 : index
      %get3A_199 = tpu.vector_load %arg6[%get3A_197, %get3A_198] {strides = array<i32>} : memref<200x128xf32, #tpu.memory_space<vmem>>, vector<1x16xf32>,
      %get3A_200 = vector.shape_cast %get3A_199 : vector<1x16xf32> to vector<16xf32>
      %swap3A_201 = arith.index_cast %add3A_196 : i32 to index
      %swap3A_202 = arith.constant 0 : index
      %swap3A_203 = tpu.vector_load %arg9[%swap3A_201, %swap3A_202] {strides = array<i32>} : memref<200x128xf32, #tpu.memory_space<vmem>>, vector<1x16xf32>,
      %swap3A_204 = vector.shape_cast %swap3A_203 : vector<1x16xf32> to vector<16xf32>
      %swap3A_205 = vector.shape_cast %get3A_200 : vector<16xf32> to vector<1x16xf32>
      tpu.vector_store %arg9[%swap3A_201, %swap3A_202], %swap3A_205 {add = true, strides = array<i32>} : memref<200x128xf32, #tpu.memory_space<vmem>>, vector<1x16xf32>,
      %get3A_206 = arith.index_cast %add3A_196 : i32 to index
      %get3A_207 = arith.constant 16 : index
      %get3A_208 = tpu.vector_load %arg6[%get3A_206, %get3A_207] {strides = array<i32>} : memref<200x128xf32, #tpu.memory_space<vmem>>, vector<1x16xf32>,
      %get3A_209 = vector.shape_cast %get3A_208 : vector<1x16xf32> to vector<16xf32>
      %swap3A_210 = arith.index_cast %add3A_196 : i32 to index
      %swap3A_211 = arith.constant 16 : index
      %swap3A_212 = tpu.vector_load %arg9[%swap3A_210, %swap3A_211] {strides = array<i32>} : memref<200x128xf32, #tpu.memory_space<vmem>>, vector<1x16xf32>,
      %swap3A_213 = vector.shape_cast %swap3A_212 : vector<1x16xf32> to vector<16xf32>
      %swap3A_214 = vector.shape_cast %get3A_209 : vector<16xf32> to vector<1x16xf32>
      tpu.vector_store %arg9[%swap3A_210, %swap3A_211], %swap3A_214 {add = true, strides = array<i32>} : memref<200x128xf32, #tpu.memory_space<vmem>>, vector<1x16xf32>,
      %get3A_215 = arith.index_cast %add3A_196 : i32 to index
      %get3A_216 = arith.constant 32 : index
      %get3A_217 = tpu.vector_load %arg6[%get3A_215, %get3A_216] {strides = array<i32>} : memref<200x128xf32, #tpu.memory_space<vmem>>, vector<1x16xf32>,
      %get3A_218 = vector.shape_cast %get3A_217 : vector<1x16xf32> to vector<16xf32>
      %swap3A_219 = arith.index_cast %add3A_196 : i32 to index
      %swap3A_220 = arith.constant 32 : index
      %swap3A_221 = tpu.vector_load %arg9[%swap3A_219, %swap3A_220] {strides = array<i32>} : memref<200x128xf32, #tpu.memory_space<vmem>>, vector<1x16xf32>,
      %swap3A_222 = vector.shape_cast %swap3A_221 : vector<1x16xf32> to vector<16xf32>
      %swap3A_223 = vector.shape_cast %get3A_218 : vector<16xf32> to vector<1x16xf32>
      tpu.vector_store %arg9[%swap3A_219, %swap3A_220], %swap3A_223 {add = true, strides = array<i32>} : memref<200x128xf32, #tpu.memory_space<vmem>>, vector<1x16xf32>,
      %get3A_224 = arith.index_cast %add3A_196 : i32 to index
      %get3A_225 = arith.constant 48 : index
      %get3A_226 = tpu.vector_load %arg6[%get3A_224, %get3A_225] {strides = array<i32>} : memref<200x128xf32, #tpu.memory_space<vmem>>, vector<1x16xf32>,
      %get3A_227 = vector.shape_cast %get3A_226 : vector<1x16xf32> to vector<16xf32>
      %swap3A_228 = arith.index_cast %add3A_196 : i32 to index
      %swap3A_229 = arith.constant 48 : index
      %swap3A_230 = tpu.vector_load %arg9[%swap3A_228, %swap3A_229] {strides = array<i32>} : memref<200x128xf32, #tpu.memory_space<vmem>>, vector<1x16xf32>,
      %swap3A_231 = vector.shape_cast %swap3A_230 : vector<1x16xf32> to vector<16xf32>
      %swap3A_232 = vector.shape_cast %get3A_227 : vector<16xf32> to vector<1x16xf32>
      tpu.vector_store %arg9[%swap3A_228, %swap3A_229], %swap3A_232 {add = true, strides = array<i32>} : memref<200x128xf32, #tpu.memory_space<vmem>>, vector<1x16xf32>,
      %get3A_233 = arith.index_cast %add3A_196 : i32 to index
      %get3A_234 = arith.constant 64 : index
      %get3A_235 = tpu.vector_load %arg6[%get3A_233, %get3A_234] {strides = array<i32>} : memref<200x128xf32, #tpu.memory_space<vmem>>, vector<1x16xf32>,
      %get3A_236 = vector.shape_cast %get3A_235 : vector<1x16xf32> to vector<16xf32>
      %swap3A_237 = arith.index_cast %add3A_196 : i32 to index
      %swap3A_238 = arith.constant 64 : index
      %swap3A_239 = tpu.vector_load %arg9[%swap3A_237, %swap3A_238] {strides = array<i32>} : memref<200x128xf32, #tpu.memory_space<vmem>>, vector<1x16xf32>,
      %swap3A_240 = vector.shape_cast %swap3A_239 : vector<1x16xf32> to vector<16xf32>
      %swap3A_241 = vector.shape_cast %get3A_236 : vector<16xf32> to vector<1x16xf32>
      tpu.vector_store %arg9[%swap3A_237, %swap3A_238], %swap3A_241 {add = true, strides = array<i32>} : memref<200x128xf32, #tpu.memory_space<vmem>>, vector<1x16xf32>,
      %get3A_242 = arith.index_cast %add3A_196 : i32 to index
      %get3A_243 = arith.constant 80 : index
      %get3A_244 = tpu.vector_load %arg6[%get3A_242, %get3A_243] {strides = array<i32>} : memref<200x128xf32, #tpu.memory_space<vmem>>, vector<1x16xf32>,
      %get3A_245 = vector.shape_cast %get3A_244 : vector<1x16xf32> to vector<16xf32>
      %swap3A_246 = arith.index_cast %add3A_196 : i32 to index
      %swap3A_247 = arith.constant 80 : index
      %swap3A_248 = tpu.vector_load %arg9[%swap3A_246, %swap3A_247] {strides = array<i32>} : memref<200x128xf32, #tpu.memory_space<vmem>>, vector<1x16xf32>,
      %swap3A_249 = vector.shape_cast %swap3A_248 : vector<1x16xf32> to vector<16xf32>
      %swap3A_250 = vector.shape_cast %get3A_245 : vector<16xf32> to vector<1x16xf32>
      tpu.vector_store %arg9[%swap3A_246, %swap3A_247], %swap3A_250 {add = true, strides = array<i32>} : memref<200x128xf32, #tpu.memory_space<vmem>>, vector<1x16xf32>,
      %get3A_251 = arith.index_cast %add3A_196 : i32 to index
      %get3A_252 = arith.constant 96 : index
      %get3A_253 = tpu.vector_load %arg6[%get3A_251, %get3A_252] {strides = array<i32>} : memref<200x128xf32, #tpu.memory_space<vmem>>, vector<1x16xf32>,
      %get3A_254 = vector.shape_cast %get3A_253 : vector<1x16xf32> to vector<16xf32>
      %swap3A_255 = arith.index_cast %add3A_196 : i32 to index
      %swap3A_256 = arith.constant 96 : index
      %swap3A_257 = tpu.vector_load %arg9[%swap3A_255, %swap3A_256] {strides = array<i32>} : memref<200x128xf32, #tpu.memory_space<vmem>>, vector<1x16xf32>,
      %swap3A_258 = vector.shape_cast %swap3A_257 : vector<1x16xf32> to vector<16xf32>
      %swap3A_259 = vector.shape_cast %get3A_254 : vector<16xf32> to vector<1x16xf32>
      tpu.vector_store %arg9[%swap3A_255, %swap3A_256], %swap3A_259 {add = true, strides = array<i32>} : memref<200x128xf32, #tpu.memory_space<vmem>>, vector<1x16xf32>,
      %get3A_260 = arith.index_cast %add3A_196 : i32 to index
      %get3A_261 = arith.constant 112 : index
      %get3A_262 = tpu.vector_load %arg6[%get3A_260, %get3A_261] {strides = array<i32>} : memref<200x128xf32, #tpu.memory_space<vmem>>, vector<1x16xf32>,
      %get3A_263 = vector.shape_cast %get3A_262 : vector<1x16xf32> to vector<16xf32>
      %swap3A_264 = arith.index_cast %add3A_196 : i32 to index
      %swap3A_265 = arith.constant 112 : index
      %swap3A_266 = tpu.vector_load %arg9[%swap3A_264, %swap3A_265] {strides = array<i32>} : memref<200x128xf32, #tpu.memory_space<vmem>>, vector<1x16xf32>,
      %swap3A_267 = vector.shape_cast %swap3A_266 : vector<1x16xf32> to vector<16xf32>
      %swap3A_268 = vector.shape_cast %get3A_263 : vector<16xf32> to vector<1x16xf32>
      tpu.vector_store %arg9[%swap3A_264, %swap3A_265], %swap3A_268 {add = true, strides = array<i32>} : memref<200x128xf32, #tpu.memory_space<vmem>>, vector<1x16xf32>,
      %mul3A_269 = arith.constant 4 : i32
      %mul3A_270 = arith.muli %scan3A_118, %mul3A_269 : i32
      %add3A_271 = arith.constant 2 : i32
      %add3A_272 = arith.addi %mul3A_270, %add3A_271 : i32
      %get3A_273 = arith.index_cast %add3A_272 : i32 to index
      %get3A_274 = arith.constant 0 : index
      %get3A_275 = tpu.vector_load %arg6[%get3A_273, %get3A_274] {strides = array<i32>} : memref<200x128xf32, #tpu.memory_space<vmem>>, vector<1x16xf32>,
      %get3A_276 = vector.shape_cast %get3A_275 : vector<1x16xf32> to vector<16xf32>
      %swap3A_277 = arith.index_cast %add3A_272 : i32 to index
      %swap3A_278 = arith.constant 0 : index
      %swap3A_279 = tpu.vector_load %arg9[%swap3A_277, %swap3A_278] {strides = array<i32>} : memref<200x128xf32, #tpu.memory_space<vmem>>, vector<1x16xf32>,
      %swap3A_280 = vector.shape_cast %swap3A_279 : vector<1x16xf32> to vector<16xf32>
      %swap3A_281 = vector.shape_cast %get3A_276 : vector<16xf32> to vector<1x16xf32>
      tpu.vector_store %arg9[%swap3A_277, %swap3A_278], %swap3A_281 {add = true, strides = array<i32>} : memref<200x128xf32, #tpu.memory_space<vmem>>, vector<1x16xf32>,
      %get3A_282 = arith.index_cast %add3A_272 : i32 to index
      %get3A_283 = arith.constant 16 : index
      %get3A_284 = tpu.vector_load %arg6[%get3A_282, %get3A_283] {strides = array<i32>} : memref<200x128xf32, #tpu.memory_space<vmem>>, vector<1x16xf32>,
      %get3A_285 = vector.shape_cast %get3A_284 : vector<1x16xf32> to vector<16xf32>
      %swap3A_286 = arith.index_cast %add3A_272 : i32 to index
      %swap3A_287 = arith.constant 16 : index
      %swap3A_288 = tpu.vector_load %arg9[%swap3A_286, %swap3A_287] {strides = array<i32>} : memref<200x128xf32, #tpu.memory_space<vmem>>, vector<1x16xf32>,
      %swap3A_289 = vector.shape_cast %swap3A_288 : vector<1x16xf32> to vector<16xf32>
      %swap3A_290 = vector.shape_cast %get3A_285 : vector<16xf32> to vector<1x16xf32>
      tpu.vector_store %arg9[%swap3A_286, %swap3A_287], %swap3A_290 {add = true, strides = array<i32>} : memref<200x128xf32, #tpu.memory_space<vmem>>, vector<1x16xf32>,
      %get3A_291 = arith.index_cast %add3A_272 : i32 to index
      %get3A_292 = arith.constant 32 : index
      %get3A_293 = tpu.vector_load %arg6[%get3A_291, %get3A_292] {strides = array<i32>} : memref<200x128xf32, #tpu.memory_space<vmem>>, vector<1x16xf32>,
      %get3A_294 = vector.shape_cast %get3A_293 : vector<1x16xf32> to vector<16xf32>
      %swap3A_295 = arith.index_cast %add3A_272 : i32 to index
      %swap3A_296 = arith.constant 32 : index
      %swap3A_297 = tpu.vector_load %arg9[%swap3A_295, %swap3A_296] {strides = array<i32>} : memref<200x128xf32, #tpu.memory_space<vmem>>, vector<1x16xf32>,
      %swap3A_298 = vector.shape_cast %swap3A_297 : vector<1x16xf32> to vector<16xf32>
      %swap3A_299 = vector.shape_cast %get3A_294 : vector<16xf32> to vector<1x16xf32>
      tpu.vector_store %arg9[%swap3A_295, %swap3A_296], %swap3A_299 {add = true, strides = array<i32>} : memref<200x128xf32, #tpu.memory_space<vmem>>, vector<1x16xf32>,
      %get3A_300 = arith.index_cast %add3A_272 : i32 to index
      %get3A_301 = arith.constant 48 : index
      %get3A_302 = tpu.vector_load %arg6[%get3A_300, %get3A_301] {strides = array<i32>} : memref<200x128xf32, #tpu.memory_space<vmem>>, vector<1x16xf32>,
      %get3A_303 = vector.shape_cast %get3A_302 : vector<1x16xf32> to vector<16xf32>
      %swap3A_304 = arith.index_cast %add3A_272 : i32 to index
      %swap3A_305 = arith.constant 48 : index
      %swap3A_306 = tpu.vector_load %arg9[%swap3A_304, %swap3A_305] {strides = array<i32>} : memref<200x128xf32, #tpu.memory_space<vmem>>, vector<1x16xf32>,
      %swap3A_307 = vector.shape_cast %swap3A_306 : vector<1x16xf32> to vector<16xf32>
      %swap3A_308 = vector.shape_cast %get3A_303 : vector<16xf32> to vector<1x16xf32>
      tpu.vector_store %arg9[%swap3A_304, %swap3A_305], %swap3A_308 {add = true, strides = array<i32>} : memref<200x128xf32, #tpu.memory_space<vmem>>, vector<1x16xf32>,
      %get3A_309 = arith.index_cast %add3A_272 : i32 to index
      %get3A_310 = arith.constant 64 : index
      %get3A_311 = tpu.vector_load %arg6[%get3A_309, %get3A_310] {strides = array<i32>} : memref<200x128xf32, #tpu.memory_space<vmem>>, vector<1x16xf32>,
      %get3A_312 = vector.shape_cast %get3A_311 : vector<1x16xf32> to vector<16xf32>
      %swap3A_313 = arith.index_cast %add3A_272 : i32 to index
      %swap3A_314 = arith.constant 64 : index
      %swap3A_315 = tpu.vector_load %arg9[%swap3A_313, %swap3A_314] {strides = array<i32>} : memref<200x128xf32, #tpu.memory_space<vmem>>, vector<1x16xf32>,
      %swap3A_316 = vector.shape_cast %swap3A_315 : vector<1x16xf32> to vector<16xf32>
      %swap3A_317 = vector.shape_cast %get3A_312 : vector<16xf32> to vector<1x16xf32>
      tpu.vector_store %arg9[%swap3A_313, %swap3A_314], %swap3A_317 {add = true, strides = array<i32>} : memref<200x128xf32, #tpu.memory_space<vmem>>, vector<1x16xf32>,
      %get3A_318 = arith.index_cast %add3A_272 : i32 to index
      %get3A_319 = arith.constant 80 : index
      %get3A_320 = tpu.vector_load %arg6[%get3A_318, %get3A_319] {strides = array<i32>} : memref<200x128xf32, #tpu.memory_space<vmem>>, vector<1x16xf32>,
      %get3A_321 = vector.shape_cast %get3A_320 : vector<1x16xf32> to vector<16xf32>
      %swap3A_322 = arith.index_cast %add3A_272 : i32 to index
      %swap3A_323 = arith.constant 80 : index
      %swap3A_324 = tpu.vector_load %arg9[%swap3A_322, %swap3A_323] {strides = array<i32>} : memref<200x128xf32, #tpu.memory_space<vmem>>, vector<1x16xf32>,
      %swap3A_325 = vector.shape_cast %swap3A_324 : vector<1x16xf32> to vector<16xf32>
      %swap3A_326 = vector.shape_cast %get3A_321 : vector<16xf32> to vector<1x16xf32>
      tpu.vector_store %arg9[%swap3A_322, %swap3A_323], %swap3A_326 {add = true, strides = array<i32>} : memref<200x128xf32, #tpu.memory_space<vmem>>, vector<1x16xf32>,
      %get3A_327 = arith.index_cast %add3A_272 : i32 to index
      %get3A_328 = arith.constant 96 : index
      %get3A_329 = tpu.vector_load %arg6[%get3A_327, %get3A_328] {strides = array<i32>} : memref<200x128xf32, #tpu.memory_space<vmem>>, vector<1x16xf32>,
      %get3A_330 = vector.shape_cast %get3A_329 : vector<1x16xf32> to vector<16xf32>
      %swap3A_331 = arith.index_cast %add3A_272 : i32 to index
      %swap3A_332 = arith.constant 96 : index
      %swap3A_333 = tpu.vector_load %arg9[%swap3A_331, %swap3A_332] {strides = array<i32>} : memref<200x128xf32, #tpu.memory_space<vmem>>, vector<1x16xf32>,
      %swap3A_334 = vector.shape_cast %swap3A_333 : vector<1x16xf32> to vector<16xf32>
      %swap3A_335 = vector.shape_cast %get3A_330 : vector<16xf32> to vector<1x16xf32>
      tpu.vector_store %arg9[%swap3A_331, %swap3A_332], %swap3A_335 {add = true, strides = array<i32>} : memref<200x128xf32, #tpu.memory_space<vmem>>, vector<1x16xf32>,
      %get3A_336 = arith.index_cast %add3A_272 : i32 to index
      %get3A_337 = arith.constant 112 : index
      %get3A_338 = tpu.vector_load %arg6[%get3A_336, %get3A_337] {strides = array<i32>} : memref<200x128xf32, #tpu.memory_space<vmem>>, vector<1x16xf32>,
      %get3A_339 = vector.shape_cast %get3A_338 : vector<1x16xf32> to vector<16xf32>
      %swap3A_340 = arith.index_cast %add3A_272 : i32 to index
      %swap3A_341 = arith.constant 112 : index
      %swap3A_342 = tpu.vector_load %arg9[%swap3A_340, %swap3A_341] {strides = array<i32>} : memref<200x128xf32, #tpu.memory_space<vmem>>, vector<1x16xf32>,
      %swap3A_343 = vector.shape_cast %swap3A_342 : vector<1x16xf32> to vector<16xf32>
      %swap3A_344 = vector.shape_cast %get3A_339 : vector<16xf32> to vector<1x16xf32>
      tpu.vector_store %arg9[%swap3A_340, %swap3A_341], %swap3A_344 {add = true, strides = array<i32>} : memref<200x128xf32, #tpu.memory_space<vmem>>, vector<1x16xf32>,
      %mul3A_345 = arith.constant 4 : i32
      %mul3A_346 = arith.muli %scan3A_118, %mul3A_345 : i32
      %add3A_347 = arith.constant 3 : i32
      %add3A_348 = arith.addi %mul3A_346, %add3A_347 : i32
      %get3A_349 = arith.index_cast %add3A_348 : i32 to index
      %get3A_350 = arith.constant 0 : index
      %get3A_351 = tpu.vector_load %arg6[%get3A_349, %get3A_350] {strides = array<i32>} : memref<200x128xf32, #tpu.memory_space<vmem>>, vector<1x16xf32>,
      %get3A_352 = vector.shape_cast %get3A_351 : vector<1x16xf32> to vector<16xf32>
      %swap3A_353 = arith.index_cast %add3A_348 : i32 to index
      %swap3A_354 = arith.constant 0 : index
      %swap3A_355 = tpu.vector_load %arg9[%swap3A_353, %swap3A_354] {strides = array<i32>} : memref<200x128xf32, #tpu.memory_space<vmem>>, vector<1x16xf32>,
      %swap3A_356 = vector.shape_cast %swap3A_355 : vector<1x16xf32> to vector<16xf32>
      %swap3A_357 = vector.shape_cast %get3A_352 : vector<16xf32> to vector<1x16xf32>
      tpu.vector_store %arg9[%swap3A_353, %swap3A_354], %swap3A_357 {add = true, strides = array<i32>} : memref<200x128xf32, #tpu.memory_space<vmem>>, vector<1x16xf32>,
      %get3A_358 = arith.index_cast %add3A_348 : i32 to index
      %get3A_359 = arith.constant 16 : index
      %get3A_360 = tpu.vector_load %arg6[%get3A_358, %get3A_359] {strides = array<i32>} : memref<200x128xf32, #tpu.memory_space<vmem>>, vector<1x16xf32>,
      %get3A_361 = vector.shape_cast %get3A_360 : vector<1x16xf32> to vector<16xf32>
      %swap3A_362 = arith.index_cast %add3A_348 : i32 to index
      %swap3A_363 = arith.constant 16 : index
      %swap3A_364 = tpu.vector_load %arg9[%swap3A_362, %swap3A_363] {strides = array<i32>} : memref<200x128xf32, #tpu.memory_space<vmem>>, vector<1x16xf32>,
      %swap3A_365 = vector.shape_cast %swap3A_364 : vector<1x16xf32> to vector<16xf32>
      %swap3A_366 = vector.shape_cast %get3A_361 : vector<16xf32> to vector<1x16xf32>
      tpu.vector_store %arg9[%swap3A_362, %swap3A_363], %swap3A_366 {add = true, strides = array<i32>} : memref<200x128xf32, #tpu.memory_space<vmem>>, vector<1x16xf32>,
      %get3A_367 = arith.index_cast %add3A_348 : i32 to index
      %get3A_368 = arith.constant 32 : index
      %get3A_369 = tpu.vector_load %arg6[%get3A_367, %get3A_368] {strides = array<i32>} : memref<200x128xf32, #tpu.memory_space<vmem>>, vector<1x16xf32>,
      %get3A_370 = vector.shape_cast %get3A_369 : vector<1x16xf32> to vector<16xf32>
      %swap3A_371 = arith.index_cast %add3A_348 : i32 to index
      %swap3A_372 = arith.constant 32 : index
      %swap3A_373 = tpu.vector_load %arg9[%swap3A_371, %swap3A_372] {strides = array<i32>} : memref<200x128xf32, #tpu.memory_space<vmem>>, vector<1x16xf32>,
      %swap3A_374 = vector.shape_cast %swap3A_373 : vector<1x16xf32> to vector<16xf32>
      %swap3A_375 = vector.shape_cast %get3A_370 : vector<16xf32> to vector<1x16xf32>
      tpu.vector_store %arg9[%swap3A_371, %swap3A_372], %swap3A_375 {add = true, strides = array<i32>} : memref<200x128xf32, #tpu.memory_space<vmem>>, vector<1x16xf32>,
      %get3A_376 = arith.index_cast %add3A_348 : i32 to index
      %get3A_377 = arith.constant 48 : index
      %get3A_378 = tpu.vector_load %arg6[%get3A_376, %get3A_377] {strides = array<i32>} : memref<200x128xf32, #tpu.memory_space<vmem>>, vector<1x16xf32>,
      %get3A_379 = vector.shape_cast %get3A_378 : vector<1x16xf32> to vector<16xf32>
      %swap3A_380 = arith.index_cast %add3A_348 : i32 to index
      %swap3A_381 = arith.constant 48 : index
      %swap3A_382 = tpu.vector_load %arg9[%swap3A_380, %swap3A_381] {strides = array<i32>} : memref<200x128xf32, #tpu.memory_space<vmem>>, vector<1x16xf32>,
      %swap3A_383 = vector.shape_cast %swap3A_382 : vector<1x16xf32> to vector<16xf32>
      %swap3A_384 = vector.shape_cast %get3A_379 : vector<16xf32> to vector<1x16xf32>
      tpu.vector_store %arg9[%swap3A_380, %swap3A_381], %swap3A_384 {add = true, strides = array<i32>} : memref<200x128xf32, #tpu.memory_space<vmem>>, vector<1x16xf32>,
      %get3A_385 = arith.index_cast %add3A_348 : i32 to index
      %get3A_386 = arith.constant 64 : index
      %get3A_387 = tpu.vector_load %arg6[%get3A_385, %get3A_386] {strides = array<i32>} : memref<200x128xf32, #tpu.memory_space<vmem>>, vector<1x16xf32>,
      %get3A_388 = vector.shape_cast %get3A_387 : vector<1x16xf32> to vector<16xf32>
      %swap3A_389 = arith.index_cast %add3A_348 : i32 to index
      %swap3A_390 = arith.constant 64 : index
      %swap3A_391 = tpu.vector_load %arg9[%swap3A_389, %swap3A_390] {strides = array<i32>} : memref<200x128xf32, #tpu.memory_space<vmem>>, vector<1x16xf32>,
      %swap3A_392 = vector.shape_cast %swap3A_391 : vector<1x16xf32> to vector<16xf32>
      %swap3A_393 = vector.shape_cast %get3A_388 : vector<16xf32> to vector<1x16xf32>
      tpu.vector_store %arg9[%swap3A_389, %swap3A_390], %swap3A_393 {add = true, strides = array<i32>} : memref<200x128xf32, #tpu.memory_space<vmem>>, vector<1x16xf32>,
      %get3A_394 = arith.index_cast %add3A_348 : i32 to index
      %get3A_395 = arith.constant 80 : index
      %get3A_396 = tpu.vector_load %arg6[%get3A_394, %get3A_395] {strides = array<i32>} : memref<200x128xf32, #tpu.memory_space<vmem>>, vector<1x16xf32>,
      %get3A_397 = vector.shape_cast %get3A_396 : vector<1x16xf32> to vector<16xf32>
      %swap3A_398 = arith.index_cast %add3A_348 : i32 to index
      %swap3A_399 = arith.constant 80 : index
      %swap3A_400 = tpu.vector_load %arg9[%swap3A_398, %swap3A_399] {strides = array<i32>} : memref<200x128xf32, #tpu.memory_space<vmem>>, vector<1x16xf32>,
      %swap3A_401 = vector.shape_cast %swap3A_400 : vector<1x16xf32> to vector<16xf32>
      %swap3A_402 = vector.shape_cast %get3A_397 : vector<16xf32> to vector<1x16xf32>
      tpu.vector_store %arg9[%swap3A_398, %swap3A_399], %swap3A_402 {add = true, strides = array<i32>} : memref<200x128xf32, #tpu.memory_space<vmem>>, vector<1x16xf32>,
      %get3A_403 = arith.index_cast %add3A_348 : i32 to index
      %get3A_404 = arith.constant 96 : index
      %get3A_405 = tpu.vector_load %arg6[%get3A_403, %get3A_404] {strides = array<i32>} : memref<200x128xf32, #tpu.memory_space<vmem>>, vector<1x16xf32>,
      %get3A_406 = vector.shape_cast %get3A_405 : vector<1x16xf32> to vector<16xf32>
      %swap3A_407 = arith.index_cast %add3A_348 : i32 to index
      %swap3A_408 = arith.constant 96 : index
      %swap3A_409 = tpu.vector_load %arg9[%swap3A_407, %swap3A_408] {strides = array<i32>} : memref<200x128xf32, #tpu.memory_space<vmem>>, vector<1x16xf32>,
      %swap3A_410 = vector.shape_cast %swap3A_409 : vector<1x16xf32> to vector<16xf32>
      %swap3A_411 = vector.shape_cast %get3A_406 : vector<16xf32> to vector<1x16xf32>
      tpu.vector_store %arg9[%swap3A_407, %swap3A_408], %swap3A_411 {add = true, strides = array<i32>} : memref<200x128xf32, #tpu.memory_space<vmem>>, vector<1x16xf32>,
      %get3A_412 = arith.index_cast %add3A_348 : i32 to index
      %get3A_413 = arith.constant 112 : index
      %get3A_414 = tpu.vector_load %arg6[%get3A_412, %get3A_413] {strides = array<i32>} : memref<200x128xf32, #tpu.memory_space<vmem>>, vector<1x16xf32>,
      %get3A_415 = vector.shape_cast %get3A_414 : vector<1x16xf32> to vector<16xf32>
      %swap3A_416 = arith.index_cast %add3A_348 : i32 to index
      %swap3A_417 = arith.constant 112 : index
      %swap3A_418 = tpu.vector_load %arg9[%swap3A_416, %swap3A_417] {strides = array<i32>} : memref<200x128xf32, #tpu.memory_space<vmem>>, vector<1x16xf32>,
      %swap3A_419 = vector.shape_cast %swap3A_418 : vector<1x16xf32> to vector<16xf32>
      %swap3A_420 = vector.shape_cast %get3A_415 : vector<16xf32> to vector<1x16xf32>
      tpu.vector_store %arg9[%swap3A_416, %swap3A_417], %swap3A_420 {add = true, strides = array<i32>} : memref<200x128xf32, #tpu.memory_space<vmem>>, vector<1x16xf32>,
    }
    %scan3A_91 = arith.constant 50 : i32
    %add3A_92 = arith.constant 127 : i32
    %add3A_93 = arith.addi %mul3A_2, %add3A_92 : i32
    %mul3A_94 = arith.constant 200 : i32
    %mul3A_95 = arith.muli %add3A_93, %mul3A_94 : i32
    %dma_start3A_96 = arith.constant 0 : i32
    %dma_start3A_97 = tpu.memref_slice %arg5[%mul3A_95, %dma_start3A_96] : memref<819200x128xf32, #tpu.memory_space<hbm>> -> memref<200x128xf32, #tpu.memory_space<hbm>>
    %dma_start3A_98 = arith.constant 0 : i32
    %dma_start3A_99 = tpu.memref_slice %arg5[%mul3A_95, %dma_start3A_98] : memref<819200x128xf32, #tpu.memory_space<hbm>> -> memref<200x128xf32, #tpu.memory_space<hbm>>
    tpu.enqueue_dma source(%arg9 : memref<200x128xf32, #tpu.memory_space<vmem>>) target(%dma_start3A_99 : memref<200x128xf32, #tpu.memory_space<hbm>>) target_semaphore(%arg15 : memref<!tpu.dma_semaphore, #tpu.memory_space<semaphore_mem>>)
    %mul3A_100 = arith.constant 200 : i32
    %mul3A_101 = arith.muli %mul3A_2, %mul3A_100 : i32
    %dma_wait3A_102 = arith.constant 0 : i32
    %dma_wait3A_103 = tpu.memref_slice %arg5[%mul3A_101, %dma_wait3A_102] : memref<819200x128xf32, #tpu.memory_space<hbm>> -> memref<200x128xf32, #tpu.memory_space<hbm>>
    %dma_wait3A_104 = arith.constant 0 : i32
    %dma_wait3A_105 = tpu.memref_slice %arg5[%mul3A_101, %dma_wait3A_104] : memref<819200x128xf32, #tpu.memory_space<hbm>> -> memref<200x128xf32, #tpu.memory_space<hbm>>
    tpu.wait_dma2 semaphore(%arg14 : memref<!tpu.dma_semaphore, #tpu.memory_space<semaphore_mem>>) src(%arg8 : memref<200x128xf32, #tpu.memory_space<vmem>>) dst(%dma_wait3A_105 : memref<200x128xf32, #tpu.memory_space<hbm>>)
    %mul3A_106 = arith.constant 200 : i32
    %mul3A_107 = arith.muli %mul3A_2, %mul3A_106 : i32
    %dma_wait3A_108 = arith.constant 0 : i32
    %dma_wait3A_109 = tpu.memref_slice %arg5[%mul3A_107, %dma_wait3A_108] : memref<819200x128xf32, #tpu.memory_space<hbm>> -> memref<200x128xf32, #tpu.memory_space<hbm>>
    %dma_wait3A_110 = arith.constant 0 : i32
    %dma_wait3A_111 = tpu.memref_slice %arg5[%mul3A_107, %dma_wait3A_110] : memref<819200x128xf32, #tpu.memory_space<hbm>> -> memref<200x128xf32, #tpu.memory_space<hbm>>
    tpu.wait_dma2 semaphore(%arg15 : memref<!tpu.dma_semaphore, #tpu.memory_space<semaphore_mem>>) src(%arg9 : memref<200x128xf32, #tpu.memory_space<vmem>>) dst(%dma_wait3A_111 : memref<200x128xf32, #tpu.memory_space<hbm>>)
    %mul3A_112 = arith.constant 200 : i32
    %mul3A_113 = arith.muli %mul3A_2, %mul3A_112 : i32
    %dma_wait3A_114 = arith.constant 0 : i32
    %dma_wait3A_115 = tpu.memref_slice %arg5[%mul3A_113, %dma_wait3A_114] : memref<819200x128xf32, #tpu.memory_space<hbm>> -> memref<200x128xf32, #tpu.memory_space<hbm>>
    %dma_wait3A_116 = arith.constant 0 : i32
    %dma_wait3A_117 = tpu.memref_slice %arg5[%mul3A_113, %dma_wait3A_116] : memref<819200x128xf32, #tpu.memory_space<hbm>> -> memref<200x128xf32, #tpu.memory_space<hbm>>
    tpu.wait_dma2 semaphore(%arg16 : memref<!tpu.dma_semaphore, #tpu.memory_space<semaphore_mem>>) src(%arg10 : memref<200x128xf32, #tpu.memory_space<vmem>>) dst(%dma_wait3A_117 : memref<200x128xf32, #tpu.memory_space<hbm>>)
    return
  }
}

</mosaic_0001>

<sc_bundles>
// kernel: kernel.3.cloned.1.call-start
scs
__scs_entry_jumppad:
0x0: {  	(pc) =	sbr.rel $0x88, $3  }
0x1: {  	(tag) =	ssettag $0x0;
	lr =	simm.s32 $0x1  }
0x2: {  	[smem:$0x3F9E] =	sst lr;
	_ =	strace $0xD0000000  }
0x3: {  	_ = 	snop  }
0x4: {  	_ = 	snop  }
0x5: {  	_ = 	snop  }
0x6: {  	_ = 	snop  }
0x7: {  	_ = 	snop  }
__scs_overlays_trampoline_lowered:
0x8: {  	[smem:$0x3FAD] =	sst s0  }
0x9: {  	[smem:$0x3FAE] =	sst s1  }
0xa: {  	[smem:$0x3FAF] =	sst s2  }
0xb: {  	[smem:$0x3FB0] =	sst s3  }
0xc: {  	[smem:$0x3FB1] =	sst s4  }
0xd: {  	[smem:$0x3FB2] =	sst s5  }
0xe: {  	[smem:$0x3FB3] =	sst s6  }
0xf: {  	[smem:$0x3FB4] =	sst s7  }
0x10: {  	[smem:$0x3FB5] =	sst s8  }
0x11: {  	[smem:$0x3FB6] =	sst s9;
	s0 =	simm.s32 @!p0 $0x0  }
0x12: {  	s1 =	sld [smem:$0x3F9C];
	s0 =	simm.s32 @p0 $0x1  }
0x13: {  	[smem:$0x3FB7] =	sst s0;
	s0 =	simm.s32 @!p1 $0x0  }
0x14: {  	s2 =	sld [smem:$0x3F9B];
	s0 =	simm.s32 @p1 $0x1  }
0x15: {  	[smem:$0x3FB8] =	sst s0;
	s0 =	simm.s32 @!p2 $0x0  }
0x16: {  	s3 =	sld [smem:$0x3FDB];
	s0 =	simm.s32 @p2 $0x1  }
0x17: {  	s4 =	simm.s32 $0x1BF5;
	[smem:$0x3FBA] =	sst s0  }
0x18: {  	s0 =	sld [smem:$0x3F9D];
	_ =	swait.ge [sflag:s4], $0x0  }
0x19: {  	s7 =	sld [smem:$0x3F9E]  }
0x1a: {  	s8 =	sadd.s32 $0xFFFFE003, lr  }
0x1b: {  	s9 =	sadd.s32 $0xFFFFFEF7, lr;
	s5 =	simm.s32 $0xFFFFFFFF;
	p2 =	slt.u32 s8, $0xFFFFF086  }
0x1c: {  	p1 =	slt.u32 s9, $0xF7A;
	s5 =	simm.s32 @!p2 $0x0  }
0x1d: {  	s5 =	simm.s32 @p1 $0x1;
	p0 =	seq.s32 s7, s2  }
0x1e: {  	s7 =	smul.u32 @!p0 $0xF7A, s2;
	p2 =	seq.s32 @!p0 s5, $0x0  }
0x1f: {  	s9 =	smul.u32 $0xF7A, s1;
	s8 =	simm.s32 @!p0 $0x1BF5;
	p2 =	por !p2, p0  }
0x20: {  	[sflag:s8] =	ssyncset.s32 @!p0 $0xFFFFF086;
	s6 =	sadd.s32 @!p0 s3, s7;
	s7 =	simm.s32 @!p0 $0x108  }
0x21: {  	s3 =	sadd.s32 s3, s9;
	s6 =	sadd.s32 @!p0 $0x88, s6;
	s7 =	simm.s32 @p2 $0x1082  }
0x22: {  	[simem:s7], [sflag:s8] =	dma.local @!p0 [hbm:s6], $0xF7A  }
0x23: {  	s9 =	sor.u32 $0xD0000000, s2;
	s6 =	simm.s32 $0x108;
	_ =	swait.ge @!p0 [sflag:s8], $0x0  }
0x24: {  	s3 =	sadd.s32 $0x88, s3;
	s6 =	simm.s32 @!p1 $0x1082;
	[sflag:s4] =	ssyncset.s32 $0xFFFFF086  }
0x25: {  	[simem:s6], [sflag:s4] =	dma.local [hbm:s3], $0xF7A  }
0x26: {  	[smem:$0x3F9E] =	sst s1;
	(tag) =	ssettag s2;
	_ =	strace s9  }
0x27: {  	s1 =	sld [smem:$0x3FAE]  }
0x28: {  	s2 =	sld [smem:$0x3FAF]  }
0x29: {  	s4 =	sld [smem:$0x3FB1]  }
0x2a: {  	p0 =	seq.s32 s5, $0x0;
	s5 =	sld [smem:$0x3FB2]  }
0x2b: {  	s6 =	sld [smem:$0x3FB3]  }
0x2c: {  	s7 =	sld [smem:$0x3FB4]  }
0x2d: {  	s3 =	simm.s32 $0x108;
	s8 =	sld [smem:$0x3FB5]  }
0x2e: {  	s3 =	simm.s32 @!p0 $0x1082;
	s9 =	sld [smem:$0x3FB6]  }
0x2f: {  	lr =	sadd.s32 s0, s3;
	s0 =	sld [smem:$0x3FAD]  }
0x30: {  	s3 =	sld [smem:$0x3FB0]  }
0x31: {  	[smem:$0x3FB9] =	sst s10  }
0x32: {  	s10 =	sld [smem:$0x3FB7];
	_ =	sdelay $0x3  }
0x33: {  	p0 =	seq.s32 s10, $0x1;
	s10 =	sld [smem:$0x3FB9];
	_ =	sdelay $0x3  }
0x34: {  	[smem:$0x3FB9] =	sst s10  }
0x35: {  	s10 =	sld [smem:$0x3FB8];
	_ =	sdelay $0x3  }
0x36: {  	p1 =	seq.s32 s10, $0x1;
	s10 =	sld [smem:$0x3FB9];
	_ =	sdelay $0x3  }
0x37: {  	[smem:$0x3FB9] =	sst s10  }
0x38: {  	s10 =	sld [smem:$0x3FBA]  }
0x39: {  	_ = 	snop;
	(pc) =	sbr.ind lr, $3  }
0x3a: {  	_ = 	snop  }
0x3b: {  	_ = 	snop  }
0x3c: {  	p2 =	seq.s32 s10, $0x1;
	s10 =	sld [smem:$0x3FB9]  }
0x3d: {  	_ =	shalt  }
0x3e: {  	_ =	shalt  }
0x3f: {  	_ =	shalt  }
0x40: {  	_ =	shalt  }
0x41: {  	_ =	shalt  }
0x42: {  	_ =	shalt  }
0x43: {  	_ =	shalt  }
0x44: {  	_ =	shalt  }
0x45: {  	_ =	shalt  }
0x46: {  	_ =	shalt  }
0x47: {  	_ =	shalt  }
0x48: {  	_ =	shalt  }
0x49: {  	_ =	shalt  }
0x4a: {  	_ =	shalt  }
0x4b: {  	_ =	shalt  }
0x4c: {  	_ =	shalt  }
0x4d: {  	_ =	shalt  }
0x4e: {  	_ =	shalt  }
0x4f: {  	_ =	shalt  }
0x50: {  	_ =	shalt  }
0x51: {  	_ =	shalt  }
0x52: {  	_ =	shalt  }
0x53: {  	_ =	shalt  }
0x54: {  	_ =	shalt  }
0x55: {  	_ =	shalt  }
0x56: {  	_ =	shalt  }
0x57: {  	_ =	shalt  }
0x58: {  	_ =	shalt  }
0x59: {  	_ =	shalt  }
0x5a: {  	_ =	shalt  }
0x5b: {  	_ =	shalt  }
0x5c: {  	_ =	shalt  }
0x5d: {  	_ =	shalt  }
0x5e: {  	_ =	shalt  }
0x5f: {  	_ =	shalt  }
0x60: {  	_ =	shalt  }
0x61: {  	_ =	shalt  }
0x62: {  	_ =	shalt  }
0x63: {  	_ =	shalt  }
0x64: {  	_ =	shalt  }
0x65: {  	_ =	shalt  }
0x66: {  	_ =	shalt  }
0x67: {  	_ =	shalt  }
0x68: {  	_ =	shalt  }
0x69: {  	_ =	shalt  }
0x6a: {  	_ =	shalt  }
0x6b: {  	_ =	shalt  }
0x6c: {  	_ =	shalt  }
0x6d: {  	_ =	shalt  }
0x6e: {  	_ =	shalt  }
0x6f: {  	_ =	shalt  }
0x70: {  	_ =	shalt  }
0x71: {  	_ =	shalt  }
0x72: {  	_ =	shalt  }
0x73: {  	_ =	shalt  }
0x74: {  	_ =	shalt  }
0x75: {  	_ =	shalt  }
0x76: {  	_ =	shalt  }
0x77: {  	_ =	shalt  }
0x78: {  	_ =	shalt  }
0x79: {  	_ =	shalt  }
0x7a: {  	_ =	shalt  }
0x7b: {  	_ =	shalt  }
0x7c: {  	_ =	shalt  }
0x7d: {  	_ =	shalt  }
0x7e: {  	_ =	shalt  }
0x7f: {  	_ =	shalt  }
0x80: {  	_ =	shalt  }
0x81: {  	_ =	shalt  }
0x82: {  	_ =	shalt  }
0x83: {  	_ =	shalt  }
0x84: {  	_ =	shalt  }
0x85: {  	_ =	shalt  }
0x86: {  	_ =	shalt  }
0x87: {  	_ =	shalt  }
.Lfunc_end0:
.L_simem_size_0:
called_computation_lowered:
.L_overlay_start_0:
0x88: {  	s2 =	sld [smem:$0x3FD9]  }
0x89: {  	s3 =	sld [smem:$0x3FFE];
	_ =	sdelay $0x1  }
0x8a: {  	s1 =	srdreg.scid  }
0x8b: {  	s0 =	sand.u32 $0x1, s1  }
0x8c: {  	s17 =	sshll.u32 s0, $0xA;
	s2 =	sadd.s32 s3, s2  }
0x8d: {  	s2 =	sadd.s32 s2, s17  }
0x8e: {  	[smem:$0x3FC5] =	sst s2  }
0x8f: {  	_ = 	snop  }
0x90: {  	s2 =	sld [smem:$0x3FC8]  }
0x91: {  	s18 =	sld [smem:$0x3FC7]  }
0x92: {  	s4 =	sld [smem:$0x3FD0];
	(tm) =	ssettm $0x1  }
0x93: {  	s5 =	sld [smem:$0x3FFB];
	_ =	sdelay $0x3  }
0x94: {  	_ =	strace s5  }
0x95: {  	s5 =	sld [smem:$0x3FFC];
	_ =	sdelay $0x3  }
0x96: {  	_ =	strace s5  }
0x97: {  	s5 =	sld [smem:$0x3FFD];
	_ =	sdelay $0x3  }
0x98: {  	_ =	strace s5  }
0x99: {  	_ =	strace $0x8FFFFFFF  }
0x9a: {  	s19 =	sld [smem:$0x3FDB];
	_ =	sdelay $0x1  }
0x9b: {  	s6 =	simm.s32 $_scs_section_size  }
0x9c: {  	s7 =	simm.s32 $_size__tile_overlayer_lowered;
	s8 =	simm.s32 $_tile_overlayer_lowered  }
0x9d: {  	s22 =	simm.s32 $0x1BFF;
	s21 =	sshll.u32 s8, $0x1;
	s5 =	sadd.s32 s6, s19  }
0x9e: {  	s9 =	simm.s32 $0x0;
	s20 =	sshll.u32 s7, $0x1;
	s7 =	sadd.s32 s21, s5  }
0x9f: {  	[timem:s9], [sflag:s22] =	dma.local [hbm:s7], s20  }
0xa0: {  	_ =	swait.ge [sflag:s22], s20  }
0xa1: {  	s6 =	ssub.s32 $0x0, s20;
	[sflag:s22] =	ssyncset.done $0x0  }
0xa2: {  	[sflag:s22] =	ssyncadd.s32 s6;
	_ =	sdelay $0x1  }
0xa3: {  	s23 =	simm.s32 $0x1B8B  }
0xa4: {  	_ =	swait.ge [sflag:s23], $0x1  }
0xa5: {  	[sflag:s23] =	ssyncset.done $0x0  }
0xa6: {  	s25 =	simm.s32 $0x1B8E;
	s24 =	sld [smem:$0x3FFE];
	[sflag:s23] =	ssyncadd.s32 $0xFFFFFFFF  }
0xa7: {  	s26 =	simm.s32 $execute0_lowered;
	[smem:$0x3FD2] =	sst s25  }
0xa8: {  	s7 =	sshll.u32 s26, $0x1;
	_ =	strace $0x80000046;
	[dreg:$0x1] =	wrdreg $0xFFFFFFFF  }
0xa9: {  	s28 =	simm.s32 $_size_execute0_lowered;
	s5 =	sadd.s32 s5, s7;
	[dreg:$0x0] =	wrdreg $0x0  }
0xaa: {  	s7 =	sshll.u32 s28, $0x1;
	[dreg:$0x2] =	wrdreg s5  }
0xab: {  	[dreg:$0x3] =	wrdreg s7  }
0xac: {  	[dreg:$0x4] =	wrdreg $0xC0  }
0xad: {  	_ =	task [dreg:s9], $0x5FFFF  }
0xae: {  	[dreg:$0x1] =	wrdreg $0xFFFFFFFF  }
0xaf: {  	[dreg:$0x0] =	wrdreg $0x60  }
0xb0: {  	[dreg:$0x2] =	wrdreg s24  }
0xb1: {  	[dreg:$0x3] =	wrdreg s2  }
0xb2: {  	[dreg:$0x4] =	wrdreg s18  }
0xb3: {  	[dreg:$0x5] =	wrdreg s4  }
0xb4: {  	[dreg:$0x6] =	wrdreg $0x9  }
0xb5: {  	_ =	task.clear_ibuf [dreg:s9], $0x7FFFF;
	_ =	strace $0x90000046  }
0xb6: {  	s29 =	simm.s32 $0x9;
	_ =	strace $0x80000048  }
0xb7: {  	_ =	swait.ge [sflag:s29], $0x1  }
0xb8: {  	[sflag:s29] =	ssyncadd.s32 $0xFFFFFFFF  }
0xb9: {  	_ =	strace $0x90000048  }
0xba: {  	_ =	sfence  }
0xbb: {  	s30 =	sld [smem:$0x0];
	_ =	sdelay $0x2  }
0xbc: {  	s31 =	sshll.u32 s1, $0xD;
	s1 =	sshrl.u32 s1, $0x2  }
0xbd: {  	s3 =	sand.u32 $0x4000, s31;
	s1 =	sadd.s32 s1, s30  }
0xbe: {  	s0 =	sor.u32 s3, s0;
	s1 =	sshll.u32 s1, $0x11  }
0xbf: {  	s0 =	sor.u32 s1, s0  }
0xc0: {  	s0 =	sadd.s32 $0x8F2B, s0  }
0xc1: {  	[sflag:s0] =	ssyncadd.remote.s32 $0x1  }
0xc2: {  	_ =	sfence.sel $0xFFFF  }
0xc3: {  	[dreg:$0x0] =	wrdreg $0xFFFFFFFF;
	(pc) =	sbr.abs _section_cstart, $3  }
0xc4: {  	[dreg:$0x1] =	wrdreg $0xFFFFFFFF  }
0xc5: {  	_ =	task.clear_ibuf [dreg:s9], $0x2FFFF;
	_ =	strace $0x9FFFFFFF  }
0xc6: {  	(tm) =	ssettm $0x7FFFFFFF  }
0xc7: {  	_ =	shalt  }
tec
execute0_lowered:
.L_overlay_start_1:
0x0: {  	(tag) =	ssettag $0x1  }
0x1: {  	s0 =	rddreg [dreg:$0x0]  }
0x2: {  	s1 =	rddreg [dreg:$0x1];
	s2 =	srdreg.scid  }
0x3: {  	s3 =	stileid.u32;
	s4 =	rddreg [dreg:$0x3];
	s5 =	simm.s32 $0x0  }
0x4: {  	s12 =	simm.s32 $0x7;
	s13 =	simm.s32 $0x6400;
	s14 =	simm.s32 $0x68  }
0x5: {  	s15 =	simm.s32 $0xC800;
	s16 =	simm.s32 $0x60;
	s18 =	simm.s32 $0xFC00  }
0x6: {  	s20 =	simm.s32 $0x12C00;
	s22 =	simm.s32 $0x16000;
	s23 =	simm.s32 $0x1  }
0x7: {  	s24 =	simm.s32 $0x19000;
	s2 =	sand.u32 $0x1, s2;
	s3 =	sshll.u32 s3, $0x1  }
0x8: {  	s28 =	simm.s32 $0x4;
	s29 =	simm.s32 $0x3;
	s3 =	sor.u32 s2, s3  }
0x9: {  	s30 =	simm.s32 $0x5;
	s2 =	ssub.s32 $0x2, s2;
	s6 =	smul.u32 $0xC80, s3  }
0xa: {  	[smem:$0x7FF] =	sst s5;
	s7 =	smul.u32 $0x320000, s3;
	s8 =	sshrl.u32 s2, $0x1  }
0xb: {  	s31 =	simm.s32 $0x6;
	_ =	strace $0x80000047;
	s2 =	ssub.s32 s2, s8  }
0xc: {  	s0 =	sadd.s32 s6, s0;
	s25 =	sshrl.u32 s7, $0x3;
	s6 =	sshll.u32 s3, $0x7  }
0xd: {  	s11 =	smax.u32 s2, $0x1;
	s2 =	simm.s32 $0x0;
	s7 =	sadd.s32 $0x400, s0  }
0xe: {  	s26 =	sadd.s32 s4, s25;
	s8 =	sor.u32 $0x1, s6;
	s25 =	simm.s32 $0x1C400  }
0xf: {  	s9 =	sadd.s32 $0x62700, s26;
	s10 =	sadd.s32 $0x63380, s26;
	s26 =	simm.s32 $0x2  }
.LBB2_1:
0x10: {  	s0 =	rddreg [dreg:$0x2]  }
0x11: {  	[tilespmem:s5], [sflag:$0x7] =	stream.linear.gather [hbm4b:s0+s5], $0x6400, $0x38;
	[tilespmem:$0x1F400] =	vst v63  }
0x12: {  	_ =	swait.ge [sflag:s12], $0x6400  }
0x13: {  	[sflag:s12] =	ssyncset.done $0x0  }
0x14: {  	[sflag:s12] =	ssyncadd.s32 $0xFFFF9C00  }
0x15: {  	[tilespmem:s13], [sflag:$0x7] =	stream.linear.gather [hbm4b:s7+s5], $0x6400, $0x38;
	[tilespmem:$0x1F400] =	vst v63  }
0x16: {  	_ =	swait.ge [sflag:s12], $0x6400  }
0x17: {  	[sflag:s12] =	ssyncset.done $0x0  }
0x18: {  	[sflag:s12] =	ssyncadd.s32 $0xFFFF9C00  }
0x19: {  	[tilespmem:s15], [sflag:$0x1] =	stream.indirect.gather [hbm4b:s1+s14], $0x80, s13, s14, $0xb8;
	[tilespmem:$0x1F400] =	vst v63  }
0x1a: {  	s17 =	simm.s32 $0x6468  }
0x1b: {  	[tilespmem:s18], [sflag:$0x1] =	stream.indirect.gather [hbm4b:s1+s16], $0x80, s17, s16, $0xb8;
	[tilespmem:$0x1F400] =	vst v63  }
0x1c: {  	s19 =	simm.s32 $0x64C8  }
0x1d: {  	[tilespmem:s20], [sflag:$0x2] =	stream.indirect.gather [hbm4b:s1+s14], $0x80, s19, s14, $0xb8;
	[tilespmem:$0x1F400] =	vst v63  }
0x1e: {  	s21 =	simm.s32 $0x6530;
	s0 =	simm.s32 $0x0  }
0x1f: {  	[tilespmem:s22], [sflag:$0x2] =	stream.indirect.gather [hbm4b:s1+s16], $0x80, s21, s16, $0xb8;
	[tilespmem:$0x1F400] =	vst v63  }
.LBB2_2:
0x20: {  	_ =	swait.ge [sflag:s23], $0x3400  }
0x21: {  	[sflag:s23] =	ssyncset.done $0x0  }
0x22: {  	[sflag:s23] =	ssyncadd.s32 $0xFFFFCC00  }
0x23: {  	_ =	swait.ge [sflag:s23], $0x3000  }
0x24: {  	[sflag:s23] =	ssyncset.done $0x0  }
0x25: {  	s19 =	simm.s32 $0x0;
	s3 =	simm.s32 $0x800;
	[sflag:s23] =	ssyncadd.s32 $0xFFFFD000  }
.LBB2_3:
0x26: {  	p0 =	sne.s32 s3, $0x18800;
	v0 =	vld [tilespmem:s19+$0x1F0]  }
0x27: {  	v1 =	vld [tilespmem:s19+$0x0]  }
0x28: {  	v2 =	vld [tilespmem:s19+$0x10]  }
0x29: {  	v3 =	vld [tilespmem:s19+$0x20]  }
0x2a: {  	v4 =	vld [tilespmem:s19+$0x30]  }
0x2b: {  	[tilespmem:s19+$0xC9F0] =	vst.add.f32.msk $0xffff, v0  }
0x2c: {  	v0 =	vld [tilespmem:s19+$0x40]  }
0x2d: {  	v5 =	vld [tilespmem:s19+$0x50]  }
0x2e: {  	v6 =	vld [tilespmem:s19+$0x60]  }
0x2f: {  	v7 =	vld [tilespmem:s19+$0x70]  }
0x30: {  	v8 =	vld [tilespmem:s19+$0x80]  }
0x31: {  	v9 =	vld [tilespmem:s19+$0x90]  }
0x32: {  	v10 =	vld [tilespmem:s19+$0xA0]  }
0x33: {  	v11 =	vld [tilespmem:s19+$0xB0]  }
0x34: {  	v12 =	vld [tilespmem:s19+$0xC0]  }
0x35: {  	v13 =	vld [tilespmem:s19+$0xD0]  }
0x36: {  	v14 =	vld [tilespmem:s19+$0xE0]  }
0x37: {  	v15 =	vld [tilespmem:s19+$0xF0]  }
0x38: {  	v16 =	vld [tilespmem:s19+$0x100]  }
0x39: {  	v17 =	vld [tilespmem:s19+$0x110]  }
0x3a: {  	v18 =	vld [tilespmem:s19+$0x120]  }
0x3b: {  	v19 =	vld [tilespmem:s19+$0x130]  }
0x3c: {  	v20 =	vld [tilespmem:s19+$0x140]  }
0x3d: {  	v21 =	vld [tilespmem:s19+$0x150]  }
0x3e: {  	v22 =	vld [tilespmem:s19+$0x160]  }
0x3f: {  	v23 =	vld [tilespmem:s19+$0x170]  }
0x40: {  	v24 =	vld [tilespmem:s19+$0x180]  }
0x41: {  	v25 =	vld [tilespmem:s19+$0x190]  }
0x42: {  	v26 =	vld [tilespmem:s19+$0x1A0]  }
0x43: {  	v27 =	vld [tilespmem:s19+$0x1B0]  }
0x44: {  	v28 =	vld [tilespmem:s19+$0x1C0]  }
0x45: {  	v29 =	vld [tilespmem:s19+$0x1D0]  }
0x46: {  	v30 =	vld [tilespmem:s19+$0x1E0]  }
0x47: {  	[tilespmem:s19+$0xC800] =	vst.add.f32.msk $0xffff, v1  }
0x48: {  	[tilespmem:s19+$0xC810] =	vst.add.f32.msk $0xffff, v2  }
0x49: {  	[tilespmem:s19+$0xC820] =	vst.add.f32.msk $0xffff, v3  }
0x4a: {  	[tilespmem:s19+$0xC830] =	vst.add.f32.msk $0xffff, v4  }
0x4b: {  	[tilespmem:s19+$0xC840] =	vst.add.f32.msk $0xffff, v0  }
0x4c: {  	[tilespmem:s19+$0xC850] =	vst.add.f32.msk $0xffff, v5  }
0x4d: {  	[tilespmem:s19+$0xC860] =	vst.add.f32.msk $0xffff, v6  }
0x4e: {  	[tilespmem:s19+$0xC870] =	vst.add.f32.msk $0xffff, v7  }
0x4f: {  	[tilespmem:s19+$0xC880] =	vst.add.f32.msk $0xffff, v8  }
0x50: {  	[tilespmem:s19+$0xC890] =	vst.add.f32.msk $0xffff, v9  }
0x51: {  	[tilespmem:s19+$0xC8A0] =	vst.add.f32.msk $0xffff, v10  }
0x52: {  	[tilespmem:s19+$0xC8B0] =	vst.add.f32.msk $0xffff, v11  }
0x53: {  	[tilespmem:s19+$0xC8C0] =	vst.add.f32.msk $0xffff, v12  }
0x54: {  	[tilespmem:s19+$0xC8D0] =	vst.add.f32.msk $0xffff, v13  }
0x55: {  	[tilespmem:s19+$0xC8E0] =	vst.add.f32.msk $0xffff, v14  }
0x56: {  	[tilespmem:s19+$0xC8F0] =	vst.add.f32.msk $0xffff, v15  }
0x57: {  	[tilespmem:s19+$0xC900] =	vst.add.f32.msk $0xffff, v16  }
0x58: {  	[tilespmem:s19+$0xC910] =	vst.add.f32.msk $0xffff, v17  }
0x59: {  	[tilespmem:s19+$0xC920] =	vst.add.f32.msk $0xffff, v18  }
0x5a: {  	[tilespmem:s19+$0xC930] =	vst.add.f32.msk $0xffff, v19  }
0x5b: {  	[tilespmem:s19+$0xC940] =	vst.add.f32.msk $0xffff, v20  }
0x5c: {  	[tilespmem:s19+$0xC950] =	vst.add.f32.msk $0xffff, v21  }
0x5d: {  	[tilespmem:s19+$0xC960] =	vst.add.f32.msk $0xffff, v22  }
0x5e: {  	[tilespmem:s19+$0xC970] =	vst.add.f32.msk $0xffff, v23  }
0x5f: {  	[tilespmem:s19+$0xC980] =	vst.add.f32.msk $0xffff, v24  }
0x60: {  	[tilespmem:s19+$0xC990] =	vst.add.f32.msk $0xffff, v25  }
.Ltmp0:
0x61: {  	[tilespmem:s19+$0xC9A0] =	vst.add.f32.msk $0xffff, v26;
	(pc) =	sbr.rel @p0 .LBB2_3-.Ltmp0, $4  }
0x62: {  	[tilespmem:s19+$0xC9B0] =	vst.add.f32.msk $0xffff, v27  }
0x63: {  	[tilespmem:s19+$0xC9C0] =	vst.add.f32.msk $0xffff, v28  }
0x64: {  	[tilespmem:s19+$0xC9D0] =	vst.add.f32.msk $0xffff, v29  }
0x65: {  	[tilespmem:s19+$0xC9E0] =	vst.add.f32.msk $0xffff, v30;
	s19 =	sshra.s32 s3, $0x2;
	s3 =	sadd.s32 $0x800, s3  }
0x66: {  	v0 =	vld [tilespmem:s19+$0x1F0]  }
0x67: {  	v1 =	vld [tilespmem:s19+$0x0]  }
0x68: {  	v2 =	vld [tilespmem:s19+$0x10]  }
0x69: {  	v3 =	vld [tilespmem:s19+$0x20]  }
0x6a: {  	v4 =	vld [tilespmem:s19+$0x30]  }
0x6b: {  	v63 =	vld [tilespmem:s19+$0x40]  }
0x6c: {  	v5 =	vld [tilespmem:s19+$0x50]  }
0x6d: {  	v6 =	vld [tilespmem:s19+$0x60]  }
0x6e: {  	v7 =	vld [tilespmem:s19+$0x70]  }
0x6f: {  	v8 =	vld [tilespmem:s19+$0x80]  }
0x70: {  	v9 =	vld [tilespmem:s19+$0x90]  }
0x71: {  	v10 =	vld [tilespmem:s19+$0xA0]  }
0x72: {  	v11 =	vld [tilespmem:s19+$0xB0]  }
0x73: {  	v12 =	vld [tilespmem:s19+$0xC0]  }
0x74: {  	v13 =	vld [tilespmem:s19+$0xD0]  }
0x75: {  	v14 =	vld [tilespmem:s19+$0xE0]  }
0x76: {  	v15 =	vld [tilespmem:s19+$0xF0]  }
0x77: {  	v16 =	vld [tilespmem:s19+$0x100]  }
0x78: {  	v17 =	vld [tilespmem:s19+$0x110]  }
0x79: {  	v18 =	vld [tilespmem:s19+$0x120]  }
0x7a: {  	v19 =	vld [tilespmem:s19+$0x130]  }
0x7b: {  	v20 =	vld [tilespmem:s19+$0x140]  }
0x7c: {  	v21 =	vld [tilespmem:s19+$0x150]  }
0x7d: {  	v22 =	vld [tilespmem:s19+$0x160]  }
0x7e: {  	v23 =	vld [tilespmem:s19+$0x170]  }
0x7f: {  	v24 =	vld [tilespmem:s19+$0x180]  }
0x80: {  	v25 =	vld [tilespmem:s19+$0x190]  }
0x81: {  	v26 =	vld [tilespmem:s19+$0x1A0]  }
0x82: {  	v27 =	vld [tilespmem:s19+$0x1B0]  }
0x83: {  	v28 =	vld [tilespmem:s19+$0x1C0]  }
0x84: {  	v29 =	vld [tilespmem:s19+$0x1D0]  }
0x85: {  	v30 =	vld [tilespmem:s19+$0x1E0]  }
0x86: {  	[tilespmem:s19+$0xC9F0] =	vst.add.f32.msk $0xffff, v0  }
0x87: {  	[tilespmem:s19+$0xC800] =	vst.add.f32.msk $0xffff, v1  }
0x88: {  	[tilespmem:s19+$0xC810] =	vst.add.f32.msk $0xffff, v2  }
0x89: {  	[tilespmem:s19+$0xC820] =	vst.add.f32.msk $0xffff, v3  }
0x8a: {  	[tilespmem:s19+$0xC830] =	vst.add.f32.msk $0xffff, v4  }
0x8b: {  	[tilespmem:s19+$0xC840] =	vst.add.f32.msk $0xffff, v63  }
0x8c: {  	[tilespmem:s19+$0xC850] =	vst.add.f32.msk $0xffff, v5  }
0x8d: {  	[tilespmem:s19+$0xC860] =	vst.add.f32.msk $0xffff, v6  }
0x8e: {  	[tilespmem:s19+$0xC870] =	vst.add.f32.msk $0xffff, v7  }
0x8f: {  	[tilespmem:s19+$0xC880] =	vst.add.f32.msk $0xffff, v8  }
0x90: {  	[tilespmem:s19+$0xC890] =	vst.add.f32.msk $0xffff, v9  }
0x91: {  	[tilespmem:s19+$0xC8A0] =	vst.add.f32.msk $0xffff, v10  }
0x92: {  	[tilespmem:s19+$0xC8B0] =	vst.add.f32.msk $0xffff, v11  }
0x93: {  	[tilespmem:s19+$0xC8C0] =	vst.add.f32.msk $0xffff, v12  }
0x94: {  	[tilespmem:s19+$0xC8D0] =	vst.add.f32.msk $0xffff, v13  }
0x95: {  	[tilespmem:s19+$0xC8E0] =	vst.add.f32.msk $0xffff, v14  }
0x96: {  	[tilespmem:s19+$0xC8F0] =	vst.add.f32.msk $0xffff, v15  }
0x97: {  	[tilespmem:s19+$0xC900] =	vst.add.f32.msk $0xffff, v16  }
0x98: {  	[tilespmem:s19+$0xC910] =	vst.add.f32.msk $0xffff, v17  }
0x99: {  	[tilespmem:s19+$0xC920] =	vst.add.f32.msk $0xffff, v18  }
0x9a: {  	[tilespmem:s19+$0xC930] =	vst.add.f32.msk $0xffff, v19  }
0x9b: {  	[tilespmem:s19+$0xC940] =	vst.add.f32.msk $0xffff, v20  }
0x9c: {  	[tilespmem:s19+$0xC950] =	vst.add.f32.msk $0xffff, v21  }
0x9d: {  	[tilespmem:s19+$0xC960] =	vst.add.f32.msk $0xffff, v22  }
0x9e: {  	[tilespmem:s19+$0xC970] =	vst.add.f32.msk $0xffff, v23  }
0x9f: {  	[tilespmem:s19+$0xC980] =	vst.add.f32.msk $0xffff, v24  }
0xa0: {  	[tilespmem:s19+$0xC990] =	vst.add.f32.msk $0xffff, v25  }
0xa1: {  	[tilespmem:s19+$0xC9A0] =	vst.add.f32.msk $0xffff, v26  }
0xa2: {  	s17 =	smul.u32 $0x3, s0;
	[tilespmem:s19+$0xC9B0] =	vst.add.f32.msk $0xffff, v27  }
0xa3: {  	[tilespmem:s19+$0xC9C0] =	vst.add.f32.msk $0xffff, v28  }
0xa4: {  	p0 =	seq.s32 s0, $0x0;
	s3 =	sadd.s32 $0x2, s17;
	[tilespmem:s19+$0xC9D0] =	vst.add.f32.msk $0xffff, v29  }
0xa5: {  	s21 =	smul.u32 $0x320, s3;
	[tilespmem:s19+$0xC9E0] =	vst.add.f32.msk $0xffff, v30;
	s19 =	simm.s32 @!p0 $0x6  }
0xa6: {  	_ =	swait.ge @!p0 [sflag:s19], $0x6400  }
0xa7: {  	s21 =	sshra.s32 s21, $0x2;
	[sflag:s19] =	ssyncset.done @!p0 $0x0  }
0xa8: {  	[sflag:s19] =	ssyncadd.s32 @!p0 $0xFFFF9C00;
	s19 =	sadd.s32 $0x6400, s21  }
0xa9: {  	[tilespmem:s24], [sflag:$0x3] =	stream.indirect.gather [hbm4b:s1+s14], $0x80, s19, s14, $0xb8;
	[tilespmem:$0x1F400] =	vst v63  }
0xaa: {  	s19 =	sadd.s32 s6, s17  }
0xab: {  	s21 =	sadd.s32 $0x6468, s21;
	s19 =	smul.u32 $0xC80, s19  }
0xac: {  	[tilespmem:s25], [sflag:$0x3] =	stream.indirect.gather [hbm4b:s1+s16], $0x80, s21, s16, $0xb8;
	[tilespmem:$0x1F400] =	vst v63  }
0xad: {  	s21 =	simm.s32 $0x0;
	s19 =	sadd.s32 s4, s19  }
0xae: {  	[hbm4b:s19+s21] =	stream.linear.scatter [tilespmem:s15], [sflag:$0x4], $0x6400, $0x38;
	[tilespmem:$0x1F400] =	vst v63  }
0xaf: {  	_ =	swait.ge [sflag:s26], $0x3400  }
0xb0: {  	[sflag:s26] =	ssyncset.done $0x0  }
0xb1: {  	[sflag:s26] =	ssyncadd.s32 $0xFFFFCC00  }
0xb2: {  	_ =	swait.ge [sflag:s26], $0x3000  }
0xb3: {  	[sflag:s26] =	ssyncset.done $0x0  }
0xb4: {  	s19 =	simm.s32 $0x0;
	s21 =	simm.s32 $0x800;
	[sflag:s26] =	ssyncadd.s32 $0xFFFFD000  }
.LBB2_5:
0xb5: {  	p0 =	sne.s32 s21, $0x18800;
	v0 =	vld [tilespmem:s19+$0x1F0]  }
0xb6: {  	v1 =	vld [tilespmem:s19+$0x0]  }
0xb7: {  	v2 =	vld [tilespmem:s19+$0x10]  }
0xb8: {  	v3 =	vld [tilespmem:s19+$0x20]  }
0xb9: {  	v4 =	vld [tilespmem:s19+$0x30]  }
0xba: {  	[tilespmem:s19+$0x12DF0] =	vst.add.f32.msk $0xffff, v0  }
0xbb: {  	v0 =	vld [tilespmem:s19+$0x40]  }
0xbc: {  	v5 =	vld [tilespmem:s19+$0x50]  }
0xbd: {  	v6 =	vld [tilespmem:s19+$0x60]  }
0xbe: {  	v7 =	vld [tilespmem:s19+$0x70]  }
0xbf: {  	v8 =	vld [tilespmem:s19+$0x80]  }
0xc0: {  	v9 =	vld [tilespmem:s19+$0x90]  }
0xc1: {  	v10 =	vld [tilespmem:s19+$0xA0]  }
0xc2: {  	v11 =	vld [tilespmem:s19+$0xB0]  }
0xc3: {  	v12 =	vld [tilespmem:s19+$0xC0]  }
0xc4: {  	v13 =	vld [tilespmem:s19+$0xD0]  }
0xc5: {  	v14 =	vld [tilespmem:s19+$0xE0]  }
0xc6: {  	v15 =	vld [tilespmem:s19+$0xF0]  }
0xc7: {  	v16 =	vld [tilespmem:s19+$0x100]  }
0xc8: {  	v17 =	vld [tilespmem:s19+$0x110]  }
0xc9: {  	v18 =	vld [tilespmem:s19+$0x120]  }
0xca: {  	v19 =	vld [tilespmem:s19+$0x130]  }
0xcb: {  	v20 =	vld [tilespmem:s19+$0x140]  }
0xcc: {  	v21 =	vld [tilespmem:s19+$0x150]  }
0xcd: {  	v22 =	vld [tilespmem:s19+$0x160]  }
0xce: {  	v23 =	vld [tilespmem:s19+$0x170]  }
0xcf: {  	v24 =	vld [tilespmem:s19+$0x180]  }
0xd0: {  	v25 =	vld [tilespmem:s19+$0x190]  }
0xd1: {  	v26 =	vld [tilespmem:s19+$0x1A0]  }
0xd2: {  	v27 =	vld [tilespmem:s19+$0x1B0]  }
0xd3: {  	v28 =	vld [tilespmem:s19+$0x1C0]  }
0xd4: {  	v29 =	vld [tilespmem:s19+$0x1D0]  }
0xd5: {  	v30 =	vld [tilespmem:s19+$0x1E0]  }
0xd6: {  	[tilespmem:s19+$0x12C00] =	vst.add.f32.msk $0xffff, v1  }
0xd7: {  	[tilespmem:s19+$0x12C10] =	vst.add.f32.msk $0xffff, v2  }
0xd8: {  	[tilespmem:s19+$0x12C20] =	vst.add.f32.msk $0xffff, v3  }
0xd9: {  	[tilespmem:s19+$0x12C30] =	vst.add.f32.msk $0xffff, v4  }
0xda: {  	[tilespmem:s19+$0x12C40] =	vst.add.f32.msk $0xffff, v0  }
0xdb: {  	[tilespmem:s19+$0x12C50] =	vst.add.f32.msk $0xffff, v5  }
0xdc: {  	[tilespmem:s19+$0x12C60] =	vst.add.f32.msk $0xffff, v6  }
0xdd: {  	[tilespmem:s19+$0x12C70] =	vst.add.f32.msk $0xffff, v7  }
0xde: {  	[tilespmem:s19+$0x12C80] =	vst.add.f32.msk $0xffff, v8  }
0xdf: {  	[tilespmem:s19+$0x12C90] =	vst.add.f32.msk $0xffff, v9  }
0xe0: {  	[tilespmem:s19+$0x12CA0] =	vst.add.f32.msk $0xffff, v10  }
0xe1: {  	[tilespmem:s19+$0x12CB0] =	vst.add.f32.msk $0xffff, v11  }
0xe2: {  	[tilespmem:s19+$0x12CC0] =	vst.add.f32.msk $0xffff, v12  }
0xe3: {  	[tilespmem:s19+$0x12CD0] =	vst.add.f32.msk $0xffff, v13  }
0xe4: {  	[tilespmem:s19+$0x12CE0] =	vst.add.f32.msk $0xffff, v14  }
0xe5: {  	[tilespmem:s19+$0x12CF0] =	vst.add.f32.msk $0xffff, v15  }
0xe6: {  	[tilespmem:s19+$0x12D00] =	vst.add.f32.msk $0xffff, v16  }
0xe7: {  	[tilespmem:s19+$0x12D10] =	vst.add.f32.msk $0xffff, v17  }
0xe8: {  	[tilespmem:s19+$0x12D20] =	vst.add.f32.msk $0xffff, v18  }
0xe9: {  	[tilespmem:s19+$0x12D30] =	vst.add.f32.msk $0xffff, v19  }
0xea: {  	[tilespmem:s19+$0x12D40] =	vst.add.f32.msk $0xffff, v20  }
0xeb: {  	[tilespmem:s19+$0x12D50] =	vst.add.f32.msk $0xffff, v21  }
0xec: {  	[tilespmem:s19+$0x12D60] =	vst.add.f32.msk $0xffff, v22  }
0xed: {  	[tilespmem:s19+$0x12D70] =	vst.add.f32.msk $0xffff, v23  }
0xee: {  	[tilespmem:s19+$0x12D80] =	vst.add.f32.msk $0xffff, v24  }
0xef: {  	[tilespmem:s19+$0x12D90] =	vst.add.f32.msk $0xffff, v25  }
.Ltmp1:
0xf0: {  	[tilespmem:s19+$0x12DA0] =	vst.add.f32.msk $0xffff, v26;
	(pc) =	sbr.rel @p0 .LBB2_5-.Ltmp1, $4  }
0xf1: {  	[tilespmem:s19+$0x12DB0] =	vst.add.f32.msk $0xffff, v27  }
0xf2: {  	[tilespmem:s19+$0x12DC0] =	vst.add.f32.msk $0xffff, v28  }
0xf3: {  	[tilespmem:s19+$0x12DD0] =	vst.add.f32.msk $0xffff, v29  }
0xf4: {  	[tilespmem:s19+$0x12DE0] =	vst.add.f32.msk $0xffff, v30;
	s19 =	sshra.s32 s21, $0x2;
	s21 =	sadd.s32 $0x800, s21  }
0xf5: {  	v0 =	vld [tilespmem:s19+$0x1F0]  }
0xf6: {  	v1 =	vld [tilespmem:s19+$0x0]  }
0xf7: {  	v2 =	vld [tilespmem:s19+$0x10]  }
0xf8: {  	v3 =	vld [tilespmem:s19+$0x20]  }
0xf9: {  	v4 =	vld [tilespmem:s19+$0x30]  }
0xfa: {  	v63 =	vld [tilespmem:s19+$0x40]  }
0xfb: {  	v5 =	vld [tilespmem:s19+$0x50]  }
0xfc: {  	v6 =	vld [tilespmem:s19+$0x60]  }
0xfd: {  	v7 =	vld [tilespmem:s19+$0x70]  }
0xfe: {  	v8 =	vld [tilespmem:s19+$0x80]  }
0xff: {  	v9 =	vld [tilespmem:s19+$0x90]  }
0x100: {  	v10 =	vld [tilespmem:s19+$0xA0]  }
0x101: {  	v11 =	vld [tilespmem:s19+$0xB0]  }
0x102: {  	v12 =	vld [tilespmem:s19+$0xC0]  }
0x103: {  	v13 =	vld [tilespmem:s19+$0xD0]  }
0x104: {  	v14 =	vld [tilespmem:s19+$0xE0]  }
0x105: {  	v15 =	vld [tilespmem:s19+$0xF0]  }
0x106: {  	v16 =	vld [tilespmem:s19+$0x100]  }
0x107: {  	v17 =	vld [tilespmem:s19+$0x110]  }
0x108: {  	v18 =	vld [tilespmem:s19+$0x120]  }
0x109: {  	v19 =	vld [tilespmem:s19+$0x130]  }
0x10a: {  	v20 =	vld [tilespmem:s19+$0x140]  }
0x10b: {  	v21 =	vld [tilespmem:s19+$0x150]  }
0x10c: {  	v22 =	vld [tilespmem:s19+$0x160]  }
0x10d: {  	v23 =	vld [tilespmem:s19+$0x170]  }
0x10e: {  	v24 =	vld [tilespmem:s19+$0x180]  }
0x10f: {  	v25 =	vld [tilespmem:s19+$0x190]  }
0x110: {  	v26 =	vld [tilespmem:s19+$0x1A0]  }
0x111: {  	v27 =	vld [tilespmem:s19+$0x1B0]  }
0x112: {  	v28 =	vld [tilespmem:s19+$0x1C0]  }
0x113: {  	v29 =	vld [tilespmem:s19+$0x1D0]  }
0x114: {  	v30 =	vld [tilespmem:s19+$0x1E0]  }
0x115: {  	[tilespmem:s19+$0x12DF0] =	vst.add.f32.msk $0xffff, v0  }
0x116: {  	[tilespmem:s19+$0x12C00] =	vst.add.f32.msk $0xffff, v1  }
0x117: {  	[tilespmem:s19+$0x12C10] =	vst.add.f32.msk $0xffff, v2  }
0x118: {  	[tilespmem:s19+$0x12C20] =	vst.add.f32.msk $0xffff, v3  }
0x119: {  	[tilespmem:s19+$0x12C30] =	vst.add.f32.msk $0xffff, v4  }
0x11a: {  	[tilespmem:s19+$0x12C40] =	vst.add.f32.msk $0xffff, v63  }
0x11b: {  	[tilespmem:s19+$0x12C50] =	vst.add.f32.msk $0xffff, v5  }
0x11c: {  	[tilespmem:s19+$0x12C60] =	vst.add.f32.msk $0xffff, v6  }
0x11d: {  	[tilespmem:s19+$0x12C70] =	vst.add.f32.msk $0xffff, v7  }
0x11e: {  	[tilespmem:s19+$0x12C80] =	vst.add.f32.msk $0xffff, v8  }
0x11f: {  	[tilespmem:s19+$0x12C90] =	vst.add.f32.msk $0xffff, v9  }
0x120: {  	[tilespmem:s19+$0x12CA0] =	vst.add.f32.msk $0xffff, v10  }
0x121: {  	[tilespmem:s19+$0x12CB0] =	vst.add.f32.msk $0xffff, v11  }
0x122: {  	[tilespmem:s19+$0x12CC0] =	vst.add.f32.msk $0xffff, v12  }
0x123: {  	[tilespmem:s19+$0x12CD0] =	vst.add.f32.msk $0xffff, v13  }
0x124: {  	[tilespmem:s19+$0x12CE0] =	vst.add.f32.msk $0xffff, v14  }
0x125: {  	[tilespmem:s19+$0x12CF0] =	vst.add.f32.msk $0xffff, v15  }
0x126: {  	[tilespmem:s19+$0x12D00] =	vst.add.f32.msk $0xffff, v16  }
0x127: {  	[tilespmem:s19+$0x12D10] =	vst.add.f32.msk $0xffff, v17  }
0x128: {  	[tilespmem:s19+$0x12D20] =	vst.add.f32.msk $0xffff, v18  }
0x129: {  	[tilespmem:s19+$0x12D30] =	vst.add.f32.msk $0xffff, v19  }
0x12a: {  	[tilespmem:s19+$0x12D40] =	vst.add.f32.msk $0xffff, v20  }
0x12b: {  	[tilespmem:s19+$0x12D50] =	vst.add.f32.msk $0xffff, v21  }
0x12c: {  	[tilespmem:s19+$0x12D60] =	vst.add.f32.msk $0xffff, v22  }
0x12d: {  	[tilespmem:s19+$0x12D70] =	vst.add.f32.msk $0xffff, v23  }
0x12e: {  	[tilespmem:s19+$0x12D80] =	vst.add.f32.msk $0xffff, v24  }
0x12f: {  	[tilespmem:s19+$0x12D90] =	vst.add.f32.msk $0xffff, v25  }
0x130: {  	[tilespmem:s19+$0x12DA0] =	vst.add.f32.msk $0xffff, v26  }
0x131: {  	[tilespmem:s19+$0x12DB0] =	vst.add.f32.msk $0xffff, v27  }
0x132: {  	[tilespmem:s19+$0x12DC0] =	vst.add.f32.msk $0xffff, v28  }
0x133: {  	[tilespmem:s19+$0x12DD0] =	vst.add.f32.msk $0xffff, v29  }
0x134: {  	s21 =	smul.u32 $0x960, s0;
	[tilespmem:s19+$0x12DE0] =	vst.add.f32.msk $0xffff, v30  }
0x135: {  	_ =	swait.ge [sflag:s28], $0x6400  }
0x136: {  	s19 =	sshra.s32 s21, $0x2;
	[sflag:s28] =	ssyncset.done $0x0  }
0x137: {  	s17 =	sadd.s32 s17, s8;
	s21 =	sadd.s32 $0x6658, s19;
	[sflag:s28] =	ssyncadd.s32 $0xFFFF9C00  }
0x138: {  	[tilespmem:s15], [sflag:$0x1] =	stream.indirect.gather [hbm4b:s1+s14], $0x80, s21, s14, $0xb8;
	[tilespmem:$0x1F400] =	vst v63  }
0x139: {  	s17 =	smul.u32 $0xC80, s17;
	s21 =	sadd.s32 $0x66C0, s19  }
0x13a: {  	[tilespmem:s18], [sflag:$0x1] =	stream.indirect.gather [hbm4b:s1+s16], $0x80, s21, s16, $0xb8;
	[tilespmem:$0x1F400] =	vst v63  }
0x13b: {  	s17 =	sadd.s32 s4, s17;
	s21 =	simm.s32 $0x0  }
0x13c: {  	[hbm4b:s17+s21] =	stream.linear.scatter [tilespmem:s20], [sflag:$0x5], $0x6400, $0x38;
	[tilespmem:$0x1F400] =	vst v63  }
0x13d: {  	_ =	swait.ge [sflag:s29], $0x3400  }
0x13e: {  	[sflag:s29] =	ssyncset.done $0x0  }
0x13f: {  	[sflag:s29] =	ssyncadd.s32 $0xFFFFCC00  }
0x140: {  	_ =	swait.ge [sflag:s29], $0x3000  }
0x141: {  	[sflag:s29] =	ssyncset.done $0x0  }
0x142: {  	s17 =	simm.s32 $0x0;
	s21 =	simm.s32 $0x800;
	[sflag:s29] =	ssyncadd.s32 $0xFFFFD000  }
.LBB2_7:
0x143: {  	p0 =	sne.s32 s21, $0x18800;
	v0 =	vld [tilespmem:s17+$0x1F0]  }
0x144: {  	v1 =	vld [tilespmem:s17+$0x0]  }
0x145: {  	v2 =	vld [tilespmem:s17+$0x10]  }
0x146: {  	v3 =	vld [tilespmem:s17+$0x20]  }
0x147: {  	v4 =	vld [tilespmem:s17+$0x30]  }
0x148: {  	[tilespmem:s17+$0x191F0] =	vst.add.f32.msk $0xffff, v0  }
0x149: {  	v0 =	vld [tilespmem:s17+$0x40]  }
0x14a: {  	v5 =	vld [tilespmem:s17+$0x50]  }
0x14b: {  	v6 =	vld [tilespmem:s17+$0x60]  }
0x14c: {  	v7 =	vld [tilespmem:s17+$0x70]  }
0x14d: {  	v8 =	vld [tilespmem:s17+$0x80]  }
0x14e: {  	v9 =	vld [tilespmem:s17+$0x90]  }
0x14f: {  	v10 =	vld [tilespmem:s17+$0xA0]  }
0x150: {  	v11 =	vld [tilespmem:s17+$0xB0]  }
0x151: {  	v12 =	vld [tilespmem:s17+$0xC0]  }
0x152: {  	v13 =	vld [tilespmem:s17+$0xD0]  }
0x153: {  	v14 =	vld [tilespmem:s17+$0xE0]  }
0x154: {  	v15 =	vld [tilespmem:s17+$0xF0]  }
0x155: {  	v16 =	vld [tilespmem:s17+$0x100]  }
0x156: {  	v17 =	vld [tilespmem:s17+$0x110]  }
0x157: {  	v18 =	vld [tilespmem:s17+$0x120]  }
0x158: {  	v19 =	vld [tilespmem:s17+$0x130]  }
0x159: {  	v20 =	vld [tilespmem:s17+$0x140]  }
0x15a: {  	v21 =	vld [tilespmem:s17+$0x150]  }
0x15b: {  	v22 =	vld [tilespmem:s17+$0x160]  }
0x15c: {  	v23 =	vld [tilespmem:s17+$0x170]  }
0x15d: {  	v24 =	vld [tilespmem:s17+$0x180]  }
0x15e: {  	v25 =	vld [tilespmem:s17+$0x190]  }
0x15f: {  	v26 =	vld [tilespmem:s17+$0x1A0]  }
0x160: {  	v27 =	vld [tilespmem:s17+$0x1B0]  }
0x161: {  	v28 =	vld [tilespmem:s17+$0x1C0]  }
0x162: {  	v29 =	vld [tilespmem:s17+$0x1D0]  }
0x163: {  	v30 =	vld [tilespmem:s17+$0x1E0]  }
0x164: {  	[tilespmem:s17+$0x19000] =	vst.add.f32.msk $0xffff, v1  }
0x165: {  	[tilespmem:s17+$0x19010] =	vst.add.f32.msk $0xffff, v2  }
0x166: {  	[tilespmem:s17+$0x19020] =	vst.add.f32.msk $0xffff, v3  }
0x167: {  	[tilespmem:s17+$0x19030] =	vst.add.f32.msk $0xffff, v4  }
0x168: {  	[tilespmem:s17+$0x19040] =	vst.add.f32.msk $0xffff, v0  }
0x169: {  	[tilespmem:s17+$0x19050] =	vst.add.f32.msk $0xffff, v5  }
0x16a: {  	[tilespmem:s17+$0x19060] =	vst.add.f32.msk $0xffff, v6  }
0x16b: {  	[tilespmem:s17+$0x19070] =	vst.add.f32.msk $0xffff, v7  }
0x16c: {  	[tilespmem:s17+$0x19080] =	vst.add.f32.msk $0xffff, v8  }
0x16d: {  	[tilespmem:s17+$0x19090] =	vst.add.f32.msk $0xffff, v9  }
0x16e: {  	[tilespmem:s17+$0x190A0] =	vst.add.f32.msk $0xffff, v10  }
0x16f: {  	[tilespmem:s17+$0x190B0] =	vst.add.f32.msk $0xffff, v11  }
0x170: {  	[tilespmem:s17+$0x190C0] =	vst.add.f32.msk $0xffff, v12  }
0x171: {  	[tilespmem:s17+$0x190D0] =	vst.add.f32.msk $0xffff, v13  }
0x172: {  	[tilespmem:s17+$0x190E0] =	vst.add.f32.msk $0xffff, v14  }
0x173: {  	[tilespmem:s17+$0x190F0] =	vst.add.f32.msk $0xffff, v15  }
0x174: {  	[tilespmem:s17+$0x19100] =	vst.add.f32.msk $0xffff, v16  }
0x175: {  	[tilespmem:s17+$0x19110] =	vst.add.f32.msk $0xffff, v17  }
0x176: {  	[tilespmem:s17+$0x19120] =	vst.add.f32.msk $0xffff, v18  }
0x177: {  	[tilespmem:s17+$0x19130] =	vst.add.f32.msk $0xffff, v19  }
0x178: {  	[tilespmem:s17+$0x19140] =	vst.add.f32.msk $0xffff, v20  }
0x179: {  	[tilespmem:s17+$0x19150] =	vst.add.f32.msk $0xffff, v21  }
0x17a: {  	[tilespmem:s17+$0x19160] =	vst.add.f32.msk $0xffff, v22  }
0x17b: {  	[tilespmem:s17+$0x19170] =	vst.add.f32.msk $0xffff, v23  }
0x17c: {  	[tilespmem:s17+$0x19180] =	vst.add.f32.msk $0xffff, v24  }
0x17d: {  	[tilespmem:s17+$0x19190] =	vst.add.f32.msk $0xffff, v25  }
.Ltmp2:
0x17e: {  	[tilespmem:s17+$0x191A0] =	vst.add.f32.msk $0xffff, v26;
	(pc) =	sbr.rel @p0 .LBB2_7-.Ltmp2, $4  }
0x17f: {  	[tilespmem:s17+$0x191B0] =	vst.add.f32.msk $0xffff, v27  }
0x180: {  	[tilespmem:s17+$0x191C0] =	vst.add.f32.msk $0xffff, v28  }
0x181: {  	[tilespmem:s17+$0x191D0] =	vst.add.f32.msk $0xffff, v29  }
0x182: {  	[tilespmem:s17+$0x191E0] =	vst.add.f32.msk $0xffff, v30;
	s17 =	sshra.s32 s21, $0x2;
	s21 =	sadd.s32 $0x800, s21  }
0x183: {  	v0 =	vld [tilespmem:s17+$0x1F0]  }
0x184: {  	v1 =	vld [tilespmem:s17+$0x0]  }
0x185: {  	v2 =	vld [tilespmem:s17+$0x10]  }
0x186: {  	v3 =	vld [tilespmem:s17+$0x20]  }
0x187: {  	v4 =	vld [tilespmem:s17+$0x30]  }
0x188: {  	v63 =	vld [tilespmem:s17+$0x40]  }
0x189: {  	v5 =	vld [tilespmem:s17+$0x50]  }
0x18a: {  	v6 =	vld [tilespmem:s17+$0x60]  }
0x18b: {  	v7 =	vld [tilespmem:s17+$0x70]  }
0x18c: {  	v8 =	vld [tilespmem:s17+$0x80]  }
0x18d: {  	v9 =	vld [tilespmem:s17+$0x90]  }
0x18e: {  	v10 =	vld [tilespmem:s17+$0xA0]  }
0x18f: {  	v11 =	vld [tilespmem:s17+$0xB0]  }
0x190: {  	v12 =	vld [tilespmem:s17+$0xC0]  }
0x191: {  	v13 =	vld [tilespmem:s17+$0xD0]  }
0x192: {  	v14 =	vld [tilespmem:s17+$0xE0]  }
0x193: {  	v15 =	vld [tilespmem:s17+$0xF0]  }
0x194: {  	v16 =	vld [tilespmem:s17+$0x100]  }
0x195: {  	v17 =	vld [tilespmem:s17+$0x110]  }
0x196: {  	v18 =	vld [tilespmem:s17+$0x120]  }
0x197: {  	v19 =	vld [tilespmem:s17+$0x130]  }
0x198: {  	v20 =	vld [tilespmem:s17+$0x140]  }
0x199: {  	v21 =	vld [tilespmem:s17+$0x150]  }
0x19a: {  	v22 =	vld [tilespmem:s17+$0x160]  }
0x19b: {  	v23 =	vld [tilespmem:s17+$0x170]  }
0x19c: {  	v24 =	vld [tilespmem:s17+$0x180]  }
0x19d: {  	v25 =	vld [tilespmem:s17+$0x190]  }
0x19e: {  	v26 =	vld [tilespmem:s17+$0x1A0]  }
0x19f: {  	v27 =	vld [tilespmem:s17+$0x1B0]  }
0x1a0: {  	v28 =	vld [tilespmem:s17+$0x1C0]  }
0x1a1: {  	v29 =	vld [tilespmem:s17+$0x1D0]  }
0x1a2: {  	v30 =	vld [tilespmem:s17+$0x1E0]  }
0x1a3: {  	[tilespmem:s17+$0x191F0] =	vst.add.f32.msk $0xffff, v0  }
0x1a4: {  	[tilespmem:s17+$0x19000] =	vst.add.f32.msk $0xffff, v1  }
0x1a5: {  	[tilespmem:s17+$0x19010] =	vst.add.f32.msk $0xffff, v2  }
0x1a6: {  	[tilespmem:s17+$0x19020] =	vst.add.f32.msk $0xffff, v3  }
0x1a7: {  	[tilespmem:s17+$0x19030] =	vst.add.f32.msk $0xffff, v4  }
0x1a8: {  	[tilespmem:s17+$0x19040] =	vst.add.f32.msk $0xffff, v63  }
0x1a9: {  	[tilespmem:s17+$0x19050] =	vst.add.f32.msk $0xffff, v5  }
0x1aa: {  	[tilespmem:s17+$0x19060] =	vst.add.f32.msk $0xffff, v6  }
0x1ab: {  	[tilespmem:s17+$0x19070] =	vst.add.f32.msk $0xffff, v7  }
0x1ac: {  	[tilespmem:s17+$0x19080] =	vst.add.f32.msk $0xffff, v8  }
0x1ad: {  	[tilespmem:s17+$0x19090] =	vst.add.f32.msk $0xffff, v9  }
0x1ae: {  	[tilespmem:s17+$0x190A0] =	vst.add.f32.msk $0xffff, v10  }
0x1af: {  	[tilespmem:s17+$0x190B0] =	vst.add.f32.msk $0xffff, v11  }
0x1b0: {  	[tilespmem:s17+$0x190C0] =	vst.add.f32.msk $0xffff, v12  }
0x1b1: {  	[tilespmem:s17+$0x190D0] =	vst.add.f32.msk $0xffff, v13  }
0x1b2: {  	[tilespmem:s17+$0x190E0] =	vst.add.f32.msk $0xffff, v14  }
0x1b3: {  	[tilespmem:s17+$0x190F0] =	vst.add.f32.msk $0xffff, v15  }
0x1b4: {  	[tilespmem:s17+$0x19100] =	vst.add.f32.msk $0xffff, v16  }
0x1b5: {  	[tilespmem:s17+$0x19110] =	vst.add.f32.msk $0xffff, v17  }
0x1b6: {  	[tilespmem:s17+$0x19120] =	vst.add.f32.msk $0xffff, v18  }
0x1b7: {  	[tilespmem:s17+$0x19130] =	vst.add.f32.msk $0xffff, v19  }
0x1b8: {  	[tilespmem:s17+$0x19140] =	vst.add.f32.msk $0xffff, v20  }
0x1b9: {  	[tilespmem:s17+$0x19150] =	vst.add.f32.msk $0xffff, v21  }
0x1ba: {  	[tilespmem:s17+$0x19160] =	vst.add.f32.msk $0xffff, v22  }
0x1bb: {  	[tilespmem:s17+$0x19170] =	vst.add.f32.msk $0xffff, v23  }
0x1bc: {  	[tilespmem:s17+$0x19180] =	vst.add.f32.msk $0xffff, v24  }
0x1bd: {  	[tilespmem:s17+$0x19190] =	vst.add.f32.msk $0xffff, v25  }
0x1be: {  	[tilespmem:s17+$0x191A0] =	vst.add.f32.msk $0xffff, v26  }
0x1bf: {  	[tilespmem:s17+$0x191B0] =	vst.add.f32.msk $0xffff, v27  }
0x1c0: {  	[tilespmem:s17+$0x191C0] =	vst.add.f32.msk $0xffff, v28  }
0x1c1: {  	[tilespmem:s17+$0x191D0] =	vst.add.f32.msk $0xffff, v29  }
0x1c2: {  	[tilespmem:s17+$0x191E0] =	vst.add.f32.msk $0xffff, v30  }
0x1c3: {  	_ =	swait.ge [sflag:s30], $0x6400  }
0x1c4: {  	s0 =	sadd.s32 $0x1, s0;
	[sflag:s30] =	ssyncset.done $0x0  }
0x1c5: {  	s21 =	sadd.s32 $0x6720, s19;
	p0 =	sne.s32 s0, $0x2A;
	[sflag:s30] =	ssyncadd.s32 $0xFFFF9C00  }
0x1c6: {  	[tilespmem:s20], [sflag:$0x2] =	stream.indirect.gather [hbm4b:s1+s14], $0x80, s21, s14, $0xb8;
	[tilespmem:$0x1F400] =	vst v63  }
.Ltmp3:
0x1c7: {  	s3 =	sadd.s32 s6, s3;
	(pc) =	sbr.rel @p0 .LBB2_2-.Ltmp3, $4  }
0x1c8: {  	s3 =	smul.u32 $0xC80, s3;
	s21 =	sadd.s32 $0x6788, s19  }
0x1c9: {  	[tilespmem:s22], [sflag:$0x2] =	stream.indirect.gather [hbm4b:s1+s16], $0x80, s21, s16, $0xb8;
	[tilespmem:$0x1F400] =	vst v63  }
0x1ca: {  	s3 =	sadd.s32 s4, s3  }
0x1cb: {  	[hbm4b:s3+s5] =	stream.linear.scatter [tilespmem:s24], [sflag:$0x6], $0x6400, $0x38;
	[tilespmem:$0x1F400] =	vst v63  }
0x1cc: {  	_ =	swait.ge [sflag:s23], $0x3400  }
0x1cd: {  	[sflag:s23] =	ssyncset.done $0x0  }
0x1ce: {  	[sflag:s23] =	ssyncadd.s32 $0xFFFFCC00  }
0x1cf: {  	_ =	swait.ge [sflag:s23], $0x3000  }
0x1d0: {  	[sflag:s23] =	ssyncset.done $0x0  }
0x1d1: {  	s0 =	simm.s32 $0x0;
	s3 =	simm.s32 $0x800;
	[sflag:s23] =	ssyncadd.s32 $0xFFFFD000  }
.LBB2_10:
0x1d2: {  	p0 =	sne.s32 s3, $0x18800;
	v0 =	vld [tilespmem:s0+$0x1F0]  }
0x1d3: {  	v1 =	vld [tilespmem:s0+$0x0]  }
0x1d4: {  	v2 =	vld [tilespmem:s0+$0x10]  }
0x1d5: {  	v3 =	vld [tilespmem:s0+$0x20]  }
0x1d6: {  	v4 =	vld [tilespmem:s0+$0x30]  }
0x1d7: {  	[tilespmem:s0+$0xC9F0] =	vst.add.f32.msk $0xffff, v0  }
0x1d8: {  	v0 =	vld [tilespmem:s0+$0x40]  }
0x1d9: {  	v5 =	vld [tilespmem:s0+$0x50]  }
0x1da: {  	v6 =	vld [tilespmem:s0+$0x60]  }
0x1db: {  	v7 =	vld [tilespmem:s0+$0x70]  }
0x1dc: {  	v8 =	vld [tilespmem:s0+$0x80]  }
0x1dd: {  	v9 =	vld [tilespmem:s0+$0x90]  }
0x1de: {  	v10 =	vld [tilespmem:s0+$0xA0]  }
0x1df: {  	v11 =	vld [tilespmem:s0+$0xB0]  }
0x1e0: {  	v12 =	vld [tilespmem:s0+$0xC0]  }
0x1e1: {  	v13 =	vld [tilespmem:s0+$0xD0]  }
0x1e2: {  	v14 =	vld [tilespmem:s0+$0xE0]  }
0x1e3: {  	v15 =	vld [tilespmem:s0+$0xF0]  }
0x1e4: {  	v16 =	vld [tilespmem:s0+$0x100]  }
0x1e5: {  	v17 =	vld [tilespmem:s0+$0x110]  }
0x1e6: {  	v18 =	vld [tilespmem:s0+$0x120]  }
0x1e7: {  	v19 =	vld [tilespmem:s0+$0x130]  }
0x1e8: {  	v20 =	vld [tilespmem:s0+$0x140]  }
0x1e9: {  	v21 =	vld [tilespmem:s0+$0x150]  }
0x1ea: {  	v22 =	vld [tilespmem:s0+$0x160]  }
0x1eb: {  	v23 =	vld [tilespmem:s0+$0x170]  }
0x1ec: {  	v24 =	vld [tilespmem:s0+$0x180]  }
0x1ed: {  	v25 =	vld [tilespmem:s0+$0x190]  }
0x1ee: {  	v26 =	vld [tilespmem:s0+$0x1A0]  }
0x1ef: {  	v27 =	vld [tilespmem:s0+$0x1B0]  }
0x1f0: {  	v28 =	vld [tilespmem:s0+$0x1C0]  }
0x1f1: {  	v29 =	vld [tilespmem:s0+$0x1D0]  }
0x1f2: {  	v30 =	vld [tilespmem:s0+$0x1E0]  }
0x1f3: {  	[tilespmem:s0+$0xC800] =	vst.add.f32.msk $0xffff, v1  }
0x1f4: {  	[tilespmem:s0+$0xC810] =	vst.add.f32.msk $0xffff, v2  }
0x1f5: {  	[tilespmem:s0+$0xC820] =	vst.add.f32.msk $0xffff, v3  }
0x1f6: {  	[tilespmem:s0+$0xC830] =	vst.add.f32.msk $0xffff, v4  }
0x1f7: {  	[tilespmem:s0+$0xC840] =	vst.add.f32.msk $0xffff, v0  }
0x1f8: {  	[tilespmem:s0+$0xC850] =	vst.add.f32.msk $0xffff, v5  }
0x1f9: {  	[tilespmem:s0+$0xC860] =	vst.add.f32.msk $0xffff, v6  }
0x1fa: {  	[tilespmem:s0+$0xC870] =	vst.add.f32.msk $0xffff, v7  }
0x1fb: {  	[tilespmem:s0+$0xC880] =	vst.add.f32.msk $0xffff, v8  }
0x1fc: {  	[tilespmem:s0+$0xC890] =	vst.add.f32.msk $0xffff, v9  }
0x1fd: {  	[tilespmem:s0+$0xC8A0] =	vst.add.f32.msk $0xffff, v10  }
0x1fe: {  	[tilespmem:s0+$0xC8B0] =	vst.add.f32.msk $0xffff, v11  }
0x1ff: {  	[tilespmem:s0+$0xC8C0] =	vst.add.f32.msk $0xffff, v12  }
0x200: {  	[tilespmem:s0+$0xC8D0] =	vst.add.f32.msk $0xffff, v13  }
0x201: {  	[tilespmem:s0+$0xC8E0] =	vst.add.f32.msk $0xffff, v14  }
0x202: {  	[tilespmem:s0+$0xC8F0] =	vst.add.f32.msk $0xffff, v15  }
0x203: {  	[tilespmem:s0+$0xC900] =	vst.add.f32.msk $0xffff, v16  }
0x204: {  	[tilespmem:s0+$0xC910] =	vst.add.f32.msk $0xffff, v17  }
0x205: {  	[tilespmem:s0+$0xC920] =	vst.add.f32.msk $0xffff, v18  }
0x206: {  	[tilespmem:s0+$0xC930] =	vst.add.f32.msk $0xffff, v19  }
0x207: {  	[tilespmem:s0+$0xC940] =	vst.add.f32.msk $0xffff, v20  }
0x208: {  	[tilespmem:s0+$0xC950] =	vst.add.f32.msk $0xffff, v21  }
0x209: {  	[tilespmem:s0+$0xC960] =	vst.add.f32.msk $0xffff, v22  }
0x20a: {  	[tilespmem:s0+$0xC970] =	vst.add.f32.msk $0xffff, v23  }
0x20b: {  	[tilespmem:s0+$0xC980] =	vst.add.f32.msk $0xffff, v24  }
0x20c: {  	[tilespmem:s0+$0xC990] =	vst.add.f32.msk $0xffff, v25  }
.Ltmp4:
0x20d: {  	[tilespmem:s0+$0xC9A0] =	vst.add.f32.msk $0xffff, v26;
	(pc) =	sbr.rel @p0 .LBB2_10-.Ltmp4, $4  }
0x20e: {  	[tilespmem:s0+$0xC9B0] =	vst.add.f32.msk $0xffff, v27  }
0x20f: {  	[tilespmem:s0+$0xC9C0] =	vst.add.f32.msk $0xffff, v28  }
0x210: {  	[tilespmem:s0+$0xC9D0] =	vst.add.f32.msk $0xffff, v29  }
0x211: {  	[tilespmem:s0+$0xC9E0] =	vst.add.f32.msk $0xffff, v30;
	s0 =	sshra.s32 s3, $0x2;
	s3 =	sadd.s32 $0x800, s3  }
0x212: {  	v0 =	vld [tilespmem:s0+$0x1F0]  }
0x213: {  	v1 =	vld [tilespmem:s0+$0x0]  }
0x214: {  	v2 =	vld [tilespmem:s0+$0x10]  }
0x215: {  	v3 =	vld [tilespmem:s0+$0x20]  }
0x216: {  	v4 =	vld [tilespmem:s0+$0x30]  }
0x217: {  	v63 =	vld [tilespmem:s0+$0x40]  }
0x218: {  	v5 =	vld [tilespmem:s0+$0x50]  }
0x219: {  	v6 =	vld [tilespmem:s0+$0x60]  }
0x21a: {  	v7 =	vld [tilespmem:s0+$0x70]  }
0x21b: {  	v8 =	vld [tilespmem:s0+$0x80]  }
0x21c: {  	v9 =	vld [tilespmem:s0+$0x90]  }
0x21d: {  	v10 =	vld [tilespmem:s0+$0xA0]  }
0x21e: {  	v11 =	vld [tilespmem:s0+$0xB0]  }
0x21f: {  	v12 =	vld [tilespmem:s0+$0xC0]  }
0x220: {  	v13 =	vld [tilespmem:s0+$0xD0]  }
0x221: {  	v14 =	vld [tilespmem:s0+$0xE0]  }
0x222: {  	v15 =	vld [tilespmem:s0+$0xF0]  }
0x223: {  	v16 =	vld [tilespmem:s0+$0x100]  }
0x224: {  	v17 =	vld [tilespmem:s0+$0x110]  }
0x225: {  	v18 =	vld [tilespmem:s0+$0x120]  }
0x226: {  	v19 =	vld [tilespmem:s0+$0x130]  }
0x227: {  	v20 =	vld [tilespmem:s0+$0x140]  }
0x228: {  	v21 =	vld [tilespmem:s0+$0x150]  }
0x229: {  	v22 =	vld [tilespmem:s0+$0x160]  }
0x22a: {  	v23 =	vld [tilespmem:s0+$0x170]  }
0x22b: {  	v24 =	vld [tilespmem:s0+$0x180]  }
0x22c: {  	v25 =	vld [tilespmem:s0+$0x190]  }
0x22d: {  	v26 =	vld [tilespmem:s0+$0x1A0]  }
0x22e: {  	v27 =	vld [tilespmem:s0+$0x1B0]  }
0x22f: {  	v28 =	vld [tilespmem:s0+$0x1C0]  }
0x230: {  	v29 =	vld [tilespmem:s0+$0x1D0]  }
0x231: {  	v30 =	vld [tilespmem:s0+$0x1E0]  }
0x232: {  	[tilespmem:s0+$0xC9F0] =	vst.add.f32.msk $0xffff, v0  }
0x233: {  	[tilespmem:s0+$0xC800] =	vst.add.f32.msk $0xffff, v1  }
0x234: {  	[tilespmem:s0+$0xC810] =	vst.add.f32.msk $0xffff, v2  }
0x235: {  	[tilespmem:s0+$0xC820] =	vst.add.f32.msk $0xffff, v3  }
0x236: {  	[tilespmem:s0+$0xC830] =	vst.add.f32.msk $0xffff, v4  }
0x237: {  	[tilespmem:s0+$0xC840] =	vst.add.f32.msk $0xffff, v63  }
0x238: {  	[tilespmem:s0+$0xC850] =	vst.add.f32.msk $0xffff, v5  }
0x239: {  	[tilespmem:s0+$0xC860] =	vst.add.f32.msk $0xffff, v6  }
0x23a: {  	[tilespmem:s0+$0xC870] =	vst.add.f32.msk $0xffff, v7  }
0x23b: {  	[tilespmem:s0+$0xC880] =	vst.add.f32.msk $0xffff, v8  }
0x23c: {  	[tilespmem:s0+$0xC890] =	vst.add.f32.msk $0xffff, v9  }
0x23d: {  	[tilespmem:s0+$0xC8A0] =	vst.add.f32.msk $0xffff, v10  }
0x23e: {  	[tilespmem:s0+$0xC8B0] =	vst.add.f32.msk $0xffff, v11  }
0x23f: {  	[tilespmem:s0+$0xC8C0] =	vst.add.f32.msk $0xffff, v12  }
0x240: {  	[tilespmem:s0+$0xC8D0] =	vst.add.f32.msk $0xffff, v13  }
0x241: {  	[tilespmem:s0+$0xC8E0] =	vst.add.f32.msk $0xffff, v14  }
0x242: {  	[tilespmem:s0+$0xC8F0] =	vst.add.f32.msk $0xffff, v15  }
0x243: {  	[tilespmem:s0+$0xC900] =	vst.add.f32.msk $0xffff, v16  }
0x244: {  	[tilespmem:s0+$0xC910] =	vst.add.f32.msk $0xffff, v17  }
0x245: {  	[tilespmem:s0+$0xC920] =	vst.add.f32.msk $0xffff, v18  }
0x246: {  	[tilespmem:s0+$0xC930] =	vst.add.f32.msk $0xffff, v19  }
0x247: {  	[tilespmem:s0+$0xC940] =	vst.add.f32.msk $0xffff, v20  }
0x248: {  	[tilespmem:s0+$0xC950] =	vst.add.f32.msk $0xffff, v21  }
0x249: {  	[tilespmem:s0+$0xC960] =	vst.add.f32.msk $0xffff, v22  }
0x24a: {  	[tilespmem:s0+$0xC970] =	vst.add.f32.msk $0xffff, v23  }
0x24b: {  	[tilespmem:s0+$0xC980] =	vst.add.f32.msk $0xffff, v24  }
0x24c: {  	[tilespmem:s0+$0xC990] =	vst.add.f32.msk $0xffff, v25  }
0x24d: {  	[tilespmem:s0+$0xC9A0] =	vst.add.f32.msk $0xffff, v26  }
0x24e: {  	[tilespmem:s0+$0xC9B0] =	vst.add.f32.msk $0xffff, v27  }
0x24f: {  	[tilespmem:s0+$0xC9C0] =	vst.add.f32.msk $0xffff, v28  }
0x250: {  	[tilespmem:s0+$0xC9D0] =	vst.add.f32.msk $0xffff, v29  }
0x251: {  	s21 =	simm.s32 $0x0;
	[tilespmem:s0+$0xC9E0] =	vst.add.f32.msk $0xffff, v30  }
0x252: {  	[hbm4b:s9+s21] =	stream.linear.scatter [tilespmem:s15], [sflag:$0x4], $0x6400, $0x38;
	[tilespmem:$0x1F400] =	vst v63  }
0x253: {  	_ =	swait.ge [sflag:s26], $0x3400  }
0x254: {  	[sflag:s26] =	ssyncset.done $0x0  }
0x255: {  	[sflag:s26] =	ssyncadd.s32 $0xFFFFCC00  }
0x256: {  	_ =	swait.ge [sflag:s26], $0x3000  }
0x257: {  	[sflag:s26] =	ssyncset.done $0x0  }
0x258: {  	s3 =	simm.s32 $0x800;
	s0 =	simm.s32 $0x0;
	[sflag:s26] =	ssyncadd.s32 $0xFFFFD000  }
.LBB2_12:
0x259: {  	p0 =	sne.s32 s3, $0x18800;
	v0 =	vld [tilespmem:s0+$0x1F0]  }
0x25a: {  	v1 =	vld [tilespmem:s0+$0x0]  }
0x25b: {  	v2 =	vld [tilespmem:s0+$0x10]  }
0x25c: {  	v3 =	vld [tilespmem:s0+$0x20]  }
0x25d: {  	v4 =	vld [tilespmem:s0+$0x30]  }
0x25e: {  	[tilespmem:s0+$0x12DF0] =	vst.add.f32.msk $0xffff, v0  }
0x25f: {  	v0 =	vld [tilespmem:s0+$0x40]  }
0x260: {  	v5 =	vld [tilespmem:s0+$0x50]  }
0x261: {  	v6 =	vld [tilespmem:s0+$0x60]  }
0x262: {  	v7 =	vld [tilespmem:s0+$0x70]  }
0x263: {  	v8 =	vld [tilespmem:s0+$0x80]  }
0x264: {  	v9 =	vld [tilespmem:s0+$0x90]  }
0x265: {  	v10 =	vld [tilespmem:s0+$0xA0]  }
0x266: {  	v11 =	vld [tilespmem:s0+$0xB0]  }
0x267: {  	v12 =	vld [tilespmem:s0+$0xC0]  }
0x268: {  	v13 =	vld [tilespmem:s0+$0xD0]  }
0x269: {  	v14 =	vld [tilespmem:s0+$0xE0]  }
0x26a: {  	v15 =	vld [tilespmem:s0+$0xF0]  }
0x26b: {  	v16 =	vld [tilespmem:s0+$0x100]  }
0x26c: {  	v17 =	vld [tilespmem:s0+$0x110]  }
0x26d: {  	v18 =	vld [tilespmem:s0+$0x120]  }
0x26e: {  	v19 =	vld [tilespmem:s0+$0x130]  }
0x26f: {  	v20 =	vld [tilespmem:s0+$0x140]  }
0x270: {  	v21 =	vld [tilespmem:s0+$0x150]  }
0x271: {  	v22 =	vld [tilespmem:s0+$0x160]  }
0x272: {  	v23 =	vld [tilespmem:s0+$0x170]  }
0x273: {  	v24 =	vld [tilespmem:s0+$0x180]  }
0x274: {  	v25 =	vld [tilespmem:s0+$0x190]  }
0x275: {  	v26 =	vld [tilespmem:s0+$0x1A0]  }
0x276: {  	v27 =	vld [tilespmem:s0+$0x1B0]  }
0x277: {  	v28 =	vld [tilespmem:s0+$0x1C0]  }
0x278: {  	v29 =	vld [tilespmem:s0+$0x1D0]  }
0x279: {  	v30 =	vld [tilespmem:s0+$0x1E0]  }
0x27a: {  	[tilespmem:s0+$0x12C00] =	vst.add.f32.msk $0xffff, v1  }
0x27b: {  	[tilespmem:s0+$0x12C10] =	vst.add.f32.msk $0xffff, v2  }
0x27c: {  	[tilespmem:s0+$0x12C20] =	vst.add.f32.msk $0xffff, v3  }
0x27d: {  	[tilespmem:s0+$0x12C30] =	vst.add.f32.msk $0xffff, v4  }
0x27e: {  	[tilespmem:s0+$0x12C40] =	vst.add.f32.msk $0xffff, v0  }
0x27f: {  	[tilespmem:s0+$0x12C50] =	vst.add.f32.msk $0xffff, v5  }
0x280: {  	[tilespmem:s0+$0x12C60] =	vst.add.f32.msk $0xffff, v6  }
0x281: {  	[tilespmem:s0+$0x12C70] =	vst.add.f32.msk $0xffff, v7  }
0x282: {  	[tilespmem:s0+$0x12C80] =	vst.add.f32.msk $0xffff, v8  }
0x283: {  	[tilespmem:s0+$0x12C90] =	vst.add.f32.msk $0xffff, v9  }
0x284: {  	[tilespmem:s0+$0x12CA0] =	vst.add.f32.msk $0xffff, v10  }
0x285: {  	[tilespmem:s0+$0x12CB0] =	vst.add.f32.msk $0xffff, v11  }
0x286: {  	[tilespmem:s0+$0x12CC0] =	vst.add.f32.msk $0xffff, v12  }
0x287: {  	[tilespmem:s0+$0x12CD0] =	vst.add.f32.msk $0xffff, v13  }
0x288: {  	[tilespmem:s0+$0x12CE0] =	vst.add.f32.msk $0xffff, v14  }
0x289: {  	[tilespmem:s0+$0x12CF0] =	vst.add.f32.msk $0xffff, v15  }
0x28a: {  	[tilespmem:s0+$0x12D00] =	vst.add.f32.msk $0xffff, v16  }
0x28b: {  	[tilespmem:s0+$0x12D10] =	vst.add.f32.msk $0xffff, v17  }
0x28c: {  	[tilespmem:s0+$0x12D20] =	vst.add.f32.msk $0xffff, v18  }
0x28d: {  	[tilespmem:s0+$0x12D30] =	vst.add.f32.msk $0xffff, v19  }
0x28e: {  	[tilespmem:s0+$0x12D40] =	vst.add.f32.msk $0xffff, v20  }
0x28f: {  	[tilespmem:s0+$0x12D50] =	vst.add.f32.msk $0xffff, v21  }
0x290: {  	[tilespmem:s0+$0x12D60] =	vst.add.f32.msk $0xffff, v22  }
0x291: {  	[tilespmem:s0+$0x12D70] =	vst.add.f32.msk $0xffff, v23  }
0x292: {  	[tilespmem:s0+$0x12D80] =	vst.add.f32.msk $0xffff, v24  }
0x293: {  	[tilespmem:s0+$0x12D90] =	vst.add.f32.msk $0xffff, v25  }
.Ltmp5:
0x294: {  	[tilespmem:s0+$0x12DA0] =	vst.add.f32.msk $0xffff, v26;
	(pc) =	sbr.rel @p0 .LBB2_12-.Ltmp5, $4  }
0x295: {  	[tilespmem:s0+$0x12DB0] =	vst.add.f32.msk $0xffff, v27  }
0x296: {  	[tilespmem:s0+$0x12DC0] =	vst.add.f32.msk $0xffff, v28  }
0x297: {  	[tilespmem:s0+$0x12DD0] =	vst.add.f32.msk $0xffff, v29  }
0x298: {  	[tilespmem:s0+$0x12DE0] =	vst.add.f32.msk $0xffff, v30;
	s0 =	sshra.s32 s3, $0x2;
	s3 =	sadd.s32 $0x800, s3  }
0x299: {  	v0 =	vld [tilespmem:s0+$0x1F0]  }
0x29a: {  	v1 =	vld [tilespmem:s0+$0x0]  }
0x29b: {  	v2 =	vld [tilespmem:s0+$0x10]  }
0x29c: {  	v3 =	vld [tilespmem:s0+$0x20]  }
0x29d: {  	v4 =	vld [tilespmem:s0+$0x30]  }
0x29e: {  	v63 =	vld [tilespmem:s0+$0x40]  }
0x29f: {  	v5 =	vld [tilespmem:s0+$0x50]  }
0x2a0: {  	v6 =	vld [tilespmem:s0+$0x60]  }
0x2a1: {  	v7 =	vld [tilespmem:s0+$0x70]  }
0x2a2: {  	v8 =	vld [tilespmem:s0+$0x80]  }
0x2a3: {  	v9 =	vld [tilespmem:s0+$0x90]  }
0x2a4: {  	v10 =	vld [tilespmem:s0+$0xA0]  }
0x2a5: {  	v11 =	vld [tilespmem:s0+$0xB0]  }
0x2a6: {  	v12 =	vld [tilespmem:s0+$0xC0]  }
0x2a7: {  	v13 =	vld [tilespmem:s0+$0xD0]  }
0x2a8: {  	v14 =	vld [tilespmem:s0+$0xE0]  }
0x2a9: {  	v15 =	vld [tilespmem:s0+$0xF0]  }
0x2aa: {  	v16 =	vld [tilespmem:s0+$0x100]  }
0x2ab: {  	v17 =	vld [tilespmem:s0+$0x110]  }
0x2ac: {  	v18 =	vld [tilespmem:s0+$0x120]  }
0x2ad: {  	v19 =	vld [tilespmem:s0+$0x130]  }
0x2ae: {  	v20 =	vld [tilespmem:s0+$0x140]  }
0x2af: {  	v21 =	vld [tilespmem:s0+$0x150]  }
0x2b0: {  	v22 =	vld [tilespmem:s0+$0x160]  }
0x2b1: {  	v23 =	vld [tilespmem:s0+$0x170]  }
0x2b2: {  	v24 =	vld [tilespmem:s0+$0x180]  }
0x2b3: {  	v25 =	vld [tilespmem:s0+$0x190]  }
0x2b4: {  	v26 =	vld [tilespmem:s0+$0x1A0]  }
0x2b5: {  	v27 =	vld [tilespmem:s0+$0x1B0]  }
0x2b6: {  	v28 =	vld [tilespmem:s0+$0x1C0]  }
0x2b7: {  	v29 =	vld [tilespmem:s0+$0x1D0]  }
0x2b8: {  	v30 =	vld [tilespmem:s0+$0x1E0]  }
0x2b9: {  	[tilespmem:s0+$0x12DF0] =	vst.add.f32.msk $0xffff, v0  }
0x2ba: {  	[tilespmem:s0+$0x12C00] =	vst.add.f32.msk $0xffff, v1  }
0x2bb: {  	[tilespmem:s0+$0x12C10] =	vst.add.f32.msk $0xffff, v2  }
0x2bc: {  	[tilespmem:s0+$0x12C20] =	vst.add.f32.msk $0xffff, v3  }
0x2bd: {  	[tilespmem:s0+$0x12C30] =	vst.add.f32.msk $0xffff, v4  }
0x2be: {  	[tilespmem:s0+$0x12C40] =	vst.add.f32.msk $0xffff, v63  }
0x2bf: {  	[tilespmem:s0+$0x12C50] =	vst.add.f32.msk $0xffff, v5  }
0x2c0: {  	[tilespmem:s0+$0x12C60] =	vst.add.f32.msk $0xffff, v6  }
0x2c1: {  	[tilespmem:s0+$0x12C70] =	vst.add.f32.msk $0xffff, v7  }
0x2c2: {  	[tilespmem:s0+$0x12C80] =	vst.add.f32.msk $0xffff, v8  }
0x2c3: {  	[tilespmem:s0+$0x12C90] =	vst.add.f32.msk $0xffff, v9  }
0x2c4: {  	[tilespmem:s0+$0x12CA0] =	vst.add.f32.msk $0xffff, v10  }
0x2c5: {  	[tilespmem:s0+$0x12CB0] =	vst.add.f32.msk $0xffff, v11  }
0x2c6: {  	[tilespmem:s0+$0x12CC0] =	vst.add.f32.msk $0xffff, v12  }
0x2c7: {  	[tilespmem:s0+$0x12CD0] =	vst.add.f32.msk $0xffff, v13  }
0x2c8: {  	[tilespmem:s0+$0x12CE0] =	vst.add.f32.msk $0xffff, v14  }
0x2c9: {  	[tilespmem:s0+$0x12CF0] =	vst.add.f32.msk $0xffff, v15  }
0x2ca: {  	[tilespmem:s0+$0x12D00] =	vst.add.f32.msk $0xffff, v16  }
0x2cb: {  	[tilespmem:s0+$0x12D10] =	vst.add.f32.msk $0xffff, v17  }
0x2cc: {  	[tilespmem:s0+$0x12D20] =	vst.add.f32.msk $0xffff, v18  }
0x2cd: {  	[tilespmem:s0+$0x12D30] =	vst.add.f32.msk $0xffff, v19  }
0x2ce: {  	[tilespmem:s0+$0x12D40] =	vst.add.f32.msk $0xffff, v20  }
0x2cf: {  	[tilespmem:s0+$0x12D50] =	vst.add.f32.msk $0xffff, v21  }
0x2d0: {  	[tilespmem:s0+$0x12D60] =	vst.add.f32.msk $0xffff, v22  }
0x2d1: {  	[tilespmem:s0+$0x12D70] =	vst.add.f32.msk $0xffff, v23  }
0x2d2: {  	[tilespmem:s0+$0x12D80] =	vst.add.f32.msk $0xffff, v24  }
0x2d3: {  	[tilespmem:s0+$0x12D90] =	vst.add.f32.msk $0xffff, v25  }
0x2d4: {  	[tilespmem:s0+$0x12DA0] =	vst.add.f32.msk $0xffff, v26  }
0x2d5: {  	[tilespmem:s0+$0x12DB0] =	vst.add.f32.msk $0xffff, v27  }
0x2d6: {  	[tilespmem:s0+$0x12DC0] =	vst.add.f32.msk $0xffff, v28  }
0x2d7: {  	[tilespmem:s0+$0x12DD0] =	vst.add.f32.msk $0xffff, v29  }
0x2d8: {  	[tilespmem:s0+$0x12DE0] =	vst.add.f32.msk $0xffff, v30  }
0x2d9: {  	[hbm4b:s10+s5] =	stream.linear.scatter [tilespmem:s20], [sflag:$0x5], $0x6400, $0x38;
	[tilespmem:$0x1F400] =	vst v63  }
0x2da: {  	_ =	swait.ge [sflag:s28], $0x6400  }
0x2db: {  	[sflag:s28] =	ssyncset.done $0x0  }
0x2dc: {  	s2 =	sadd.s32 $0x1, s2;
	[sflag:s28] =	ssyncadd.s32 $0xFFFF9C00  }
0x2dd: {  	p0 =	sne.s32 s2, s11;
	_ =	swait.ge [sflag:s30], $0x6400  }
.Ltmp6:
0x2de: {  	[sflag:s30] =	ssyncset.done $0x0;
	(pc) =	sbr.rel @p0 .LBB2_1-.Ltmp6, $4  }
0x2df: {  	[sflag:s30] =	ssyncadd.s32 $0xFFFF9C00  }
0x2e0: {  	_ =	swait.ge [sflag:s31], $0x6400  }
0x2e1: {  	[sflag:s31] =	ssyncset.done $0x0  }
0x2e2: {  	[sflag:s31] =	ssyncadd.s32 $0xFFFF9C00  }
0x2e3: {  	_ =	sfence.sel $0x180000  }
0x2e4: {  	[bflag:$0x0] =	sbarrier.arrive $0xFFFF  }
0x2e5: {  	_ =	strace $0x90000047  }
0x2e6: {  	s0 =	stileid.u32;
	[bflag:$0x2] =	sbarrier.arrive $0xFFFF  }
0x2e7: {  	p0 =	sne.s32 s0, $0x0;
	s0 =	rddreg [dreg:$0x4]  }
0x2e8: {  	s0 =	sadd.s32 @!p0 $0x100000, s0  }
0x2e9: {  	[sflag:s0] =	ssyncadd.tile.s32 @!p0 $0x1;
	_ =	shalt  }
.Lfunc_end2:
_tile_overlayer_lowered:
.L_overlay_start_2:
0x2ea: {  	(tag) =	ssettag $0x2  }
0x2eb: {  	s0 =	rddreg [dreg:$0x0];
	s2 =	stileid.u32  }
0x2ec: {  	s1 =	rddreg [dreg:$0x1];
	p0 =	sne.s32 s2, $0x0  }
0x2ed: {  	s3 =	rddreg [dreg:$0x2];
	[bflag:$0x3] =	sbarrier.arrive $0xFFFF;
	s2 =	simm.s32 @!p0 $0x1C07  }
0x2ee: {  	[timem:s3], [sflag:s2] =	dma.local @!p0 [hbm:s0], s1  }
0x2ef: {  	s0 =	simm.s32 @!p0 $0x7  }
0x2f0: {  	_ =	swait.ge @!p0 [sflag:s0], s1  }
0x2f1: {  	s1 =	ssub.s32 @!p0 $0x0, s1;
	[sflag:s0] =	ssyncset.done @!p0 $0x0  }
0x2f2: {  	[sflag:s0] =	ssyncadd.s32 @!p0 s1  }
0x2f3: {  	[bflag:$0x3] =	sbarrier.arrive $0xFFFF  }
0x2f4: {  	_ =	shalt  }

</sc_bundles>
